<compile_context>
chip_gen: v7x
topology: tpu7x:2x2x1
jax: 0.10.2.dev20260603
libtpu: 0.0.44.dev20260713+nightly
codegen_flags: <defaults>
</compile_context>

<pallas_src>
import functools

import jax
import jax.numpy as jnp
from jax import lax
from jax.experimental import pallas as pl
from jax.experimental.pallas import tpu as pltpu
from jax.experimental.pallas import tpu_sc as plsc

E = 64
K = 2
D = 1024
H = 1024
T = 8192
CAP = 320
_SC_PARAMS = pltpu.CompilerParams(needs_layout_passes=False)
SLOTS = E * CAP
SLOTS_PAD = 20496
TRASH = SLOTS

NW = 32
TOKW = T // NW
TOKB = 512
NB = T // TOKB



def _gate_body(x_ref, wg_ref, e0_ref, e1_ref, p0_ref, p1_ref, s0_ref, s1_ref,
               stats_ref, laux_ref, acc_ref):
    i = pl.program_id(0)

    @pl.when(i == 0)
    def _init():
        acc_ref[...] = jnp.zeros_like(acc_ref)

    xb = x_ref[...]
    logits = jnp.dot(xb, wg_ref[...], preferred_element_type=jnp.float32)
    m = jnp.max(logits, axis=-1, keepdims=True)
    ex = jnp.exp(logits - m)
    gates = ex / jnp.sum(ex, axis=-1, keepdims=True)

    ii = lax.broadcasted_iota(jnp.int32, (TOKB, E), 1)
    m1 = jnp.max(gates, axis=-1, keepdims=True)
    idx1 = jnp.min(jnp.where(gates == m1, ii, E), axis=-1)
    mask0 = ii == idx1[:, None]
    g2 = jnp.where(mask0, -1.0, gates)
    m2 = jnp.max(g2, axis=-1, keepdims=True)
    idx2 = jnp.min(jnp.where(g2 == m2, ii, E), axis=-1)
    mask1 = ii == idx2[:, None]

    denom = m1[:, 0] + m2[:, 0] + 1e-9
    s0 = m1[:, 0] / denom
    s1 = m2[:, 0] / denom

    mask0f = mask0.astype(jnp.float32)
    mask1f = mask1.astype(jnp.float32)
    r = lax.broadcasted_iota(jnp.int32, (TOKB, TOKB), 0)
    c = lax.broadcasted_iota(jnp.int32, (TOKB, TOKB), 1)
    tril = (r >= c).astype(jnp.float32)
    cum0 = jnp.dot(tril, mask0f, preferred_element_type=jnp.float32)
    cum1 = jnp.dot(tril, mask1f, preferred_element_type=jnp.float32)

    carry0 = acc_ref[0:1, :E]
    carry1 = acc_ref[1:2, :E]
    p0 = jnp.sum(mask0f * (cum0 + carry0 - 1.0), axis=-1)
    p1 = jnp.sum(mask1f * (cum1 + carry1 - 1.0), axis=-1)

    e0_ref[...] = idx1.reshape(1, 1, TOKB)
    e1_ref[...] = idx2.reshape(1, 1, TOKB)
    p0_ref[...] = p0.astype(jnp.int32).reshape(1, 1, TOKB)
    p1_ref[...] = p1.astype(jnp.int32).reshape(1, 1, TOKB)
    s0_ref[...] = s0.reshape(1, 1, TOKB)
    s1_ref[...] = s1.reshape(1, 1, TOKB)

    acc_ref[0:1, :E] = carry0 + jnp.sum(mask0f, axis=0, keepdims=True)
    acc_ref[1:2, :E] = carry1 + jnp.sum(mask1f, axis=0, keepdims=True)
    acc_ref[2:3, :E] = acc_ref[2:3, :E] + jnp.sum(gates, axis=0, keepdims=True)

    stats_ref[...] = acc_ref[...]
    cnt0 = acc_ref[0:1, :E]
    me = acc_ref[2:3, :E]
    laux_ref[0, 0] = (jnp.float32(E) * jnp.sum(me * cnt0)
                      / (jnp.float32(T) * jnp.float32(T)))


def _gate(x, wg):
    i32, f32 = jnp.int32, jnp.float32
    tok3 = lambda dt: jax.ShapeDtypeStruct((NB, 1, TOKB), dt)
    out_shapes = (tok3(i32), tok3(i32), tok3(i32), tok3(i32),
                  tok3(f32), tok3(f32),
                  jax.ShapeDtypeStruct((8, 128), f32),
                  jax.ShapeDtypeStruct((1, 1), f32))
    tokspec = lambda: pl.BlockSpec((1, 1, TOKB), lambda i: (i, 0, 0))
    return pl.pallas_call(
        _gate_body,
        grid=(NB,),
        in_specs=[pl.BlockSpec((TOKB, D), lambda i: (i, 0)),
                  pl.BlockSpec((D, E), lambda i: (0, 0))],
        out_specs=(tokspec(), tokspec(), tokspec(), tokspec(),
                   tokspec(), tokspec(),
                   pl.BlockSpec((8, 128), lambda i: (0, 0)),
                   pl.BlockSpec(memory_space=pltpu.SMEM)),
        out_shape=out_shapes,
        scratch_shapes=[pltpu.VMEM((8, 128), f32)],
    )(x, wg)



def _route_body(e0_hbm, e1_hbm, p0_hbm, p1_hbm, s0_hbm, s1_hbm, cnt_hbm,
                slot_hbm, d0_hbm, d1_hbm, sc0_hbm, sc1_hbm,
                e1v, p0v, p1v, s0v, s1v, cntv, d0v, d1v, sc0v, sc1v,
                e0f, e1f, p0f, p1f, slotv):
    wid = lax.axis_index("s") * 2 + lax.axis_index("c")
    base = wid * TOKW
    pltpu.sync_copy(cnt_hbm, cntv)
    pltpu.sync_copy(e1_hbm.at[pl.ds(base, TOKW)], e1v)
    pltpu.sync_copy(p0_hbm.at[pl.ds(base, TOKW)], p0v)
    pltpu.sync_copy(p1_hbm.at[pl.ds(base, TOKW)], p1v)
    pltpu.sync_copy(s0_hbm.at[pl.ds(base, TOKW)], s0v)
    pltpu.sync_copy(s1_hbm.at[pl.ds(base, TOKW)], s1v)

    def chunk(c, _):
        sl = pl.ds(c * 16, 16)
        e1c = e1v[sl]
        p0c = p0v[sl]
        p1c = p1v[sl] + plsc.load_gather(cntv, [e1c])
        k0 = p0c < CAP
        k1 = p1c < CAP
        d0v[sl] = jnp.where(k0, p0c, 0)
        d1v[sl] = jnp.where(k1, e1c * CAP + p1c, 0)
        sc0v[sl] = s0v[sl] * k0.astype(jnp.float32)
        sc1v[sl] = s1v[sl] * k1.astype(jnp.float32)
        return 0

    lax.fori_loop(0, TOKW // 16, chunk, 0)

    def fix0(c, _):
        sl = pl.ds(c * 16, 16)
        d0v[sl] = d0v[sl] + e1v[sl] * CAP
        return 0

    pltpu.sync_copy(e0_hbm.at[pl.ds(base, TOKW)], e1v)
    lax.fori_loop(0, TOKW // 16, fix0, 0)
    pltpu.sync_copy(d0v, d0_hbm.at[pl.ds(base, TOKW)])
    pltpu.sync_copy(d1v, d1_hbm.at[pl.ds(base, TOKW)])
    pltpu.sync_copy(sc0v, sc0_hbm.at[pl.ds(base, TOKW)])
    pltpu.sync_copy(sc1v, sc1_hbm.at[pl.ds(base, TOKW)])

    @pl.when(wid == 0)
    def _build_slots():
        pltpu.sync_copy(e0_hbm, e0f)
        pltpu.sync_copy(e1_hbm, e1f)
        pltpu.sync_copy(p0_hbm, p0f)
        pltpu.sync_copy(p1_hbm, p1f)

        def zinit(j, _):
            slotv[pl.ds(j * 16, 16)] = jnp.zeros((16,), jnp.int32)
            return 0

        lax.fori_loop(0, SLOTS_PAD // 16, zinit, 0)

        def schunk(c, _):
            sl = pl.ds(c * 16, 16)
            tok = c * 16 + lax.iota(jnp.int32, 16)
            e0c = e0f[sl]
            e1c = e1f[sl]
            p0c = p0f[sl]
            p1c = p1f[sl] + plsc.load_gather(cntv, [e1c])
            d0 = jnp.where(p0c < CAP, e0c * CAP + p0c, TRASH)
            d1 = jnp.where(p1c < CAP, e1c * CAP + p1c, TRASH)
            plsc.store_scatter(slotv, [d0], tok)
            plsc.store_scatter(slotv, [d1], tok)
            return 0

        lax.fori_loop(0, T // 16, schunk, 0)
        pltpu.sync_copy(slotv, slot_hbm)


def _route(e0, e1, p0, p1r, s0, s1, cnt0):
    i32, f32 = jnp.int32, jnp.float32
    mesh = plsc.VectorSubcoreMesh(core_axis_name="c", subcore_axis_name="s")
    vm = pltpu.VMEM
    fn = pl.kernel(
        _route_body,
        out_type=(jax.ShapeDtypeStruct((SLOTS_PAD,), i32),
                  jax.ShapeDtypeStruct((T,), i32),
                  jax.ShapeDtypeStruct((T,), i32),
                  jax.ShapeDtypeStruct((T,), f32),
                  jax.ShapeDtypeStruct((T,), f32)),
        mesh=mesh,
        scratch_types=[vm((TOKW,), i32), vm((TOKW,), i32), vm((TOKW,), i32),
                       vm((TOKW,), f32), vm((TOKW,), f32),
                       vm((E,), i32),
                       vm((TOKW,), i32), vm((TOKW,), i32),
                       vm((TOKW,), f32), vm((TOKW,), f32),
                       vm((T,), i32), vm((T,), i32), vm((T,), i32),
                       vm((T,), i32), vm((SLOTS_PAD,), i32)],
        compiler_params=_SC_PARAMS,
    )
    return fn(e0, e1, p0, p1r, s0, s1, cnt0)



def _ffn_body(slot_ref, x_ref, w1_ref, b1_ref, w2_ref, b2_ref, y_ref,
              xb_ref, sems):
    g = pl.program_id(0)
    buf = lax.rem(g, 2)

    @pl.when(g < E)
    def _issue():
        def it(j, _):
            s = slot_ref[0, 0, j]
            pltpu.make_async_copy(
                x_ref.at[pl.ds(s, 1), :],
                xb_ref.at[buf, pl.ds(j, 1), :],
                sems.at[buf]).start()
            return 0

        lax.fori_loop(0, CAP, it, 0, unroll=8)

    @pl.when(g >= 1)
    def _compute():
        pbuf = lax.rem(g + 1, 2)
        pltpu.make_async_copy(x_ref.at[pl.ds(0, CAP), :], xb_ref.at[pbuf],
                              sems.at[pbuf]).wait()
        xb = xb_ref[pbuf]
        h = jnp.dot(xb.astype(jnp.bfloat16), w1_ref[0].astype(jnp.bfloat16),
                    preferred_element_type=jnp.float32)
        h = jax.nn.gelu(h + b1_ref[0])
        y = jnp.dot(h.astype(jnp.bfloat16), w2_ref[0].astype(jnp.bfloat16),
                    preferred_element_type=jnp.float32)
        y_ref[0] = (y + b2_ref[0]).astype(jnp.bfloat16)


def _ffn(x, slot, fc1_w, fc1_b, fc2_w, fc2_b):
    prev = lambda g: jnp.maximum(g - 1, 0)
    return pl.pallas_call(
        _ffn_body,
        grid=(E + 1,),
        in_specs=[pl.BlockSpec((1, 1, CAP),
                               lambda g: (jnp.minimum(g, E - 1), 0, 0),
                               memory_space=pltpu.SMEM),
                  pl.BlockSpec(memory_space=pl.ANY),
                  pl.BlockSpec((1, D, H), lambda g: (prev(g), 0, 0)),
                  pl.BlockSpec((1, 1, H), lambda g: (prev(g), 0, 0)),
                  pl.BlockSpec((1, H, D), lambda g: (prev(g), 0, 0)),
                  pl.BlockSpec((1, 1, D), lambda g: (prev(g), 0, 0))],
        out_specs=pl.BlockSpec((1, CAP, D), lambda g: (prev(g), 0, 0)),
        out_shape=jax.ShapeDtypeStruct((E, CAP, D), jnp.bfloat16),
        scratch_shapes=[pltpu.VMEM((2, CAP, D), jnp.float32),
                        pltpu.SemaphoreType.DMA((2,))],
    )(slot.reshape(E, 1, CAP), x, fc1_w, fc1_b.reshape(E, 1, H),
      fc2_w, fc2_b.reshape(E, 1, D))



CHC = 32
NCH = TOKW // CHC


def _combine_body(y_hbm, d0_hbm, d1_hbm, sc0_hbm, sc1_hbm, out_hbm,
                  i0v, i1v, s0v, s1v, r0v, r1v, ov, sem0, sem1):
    wid = lax.axis_index("s") * 2 + lax.axis_index("c")
    base = wid * TOKW

    def chunk(c, _):
        off = base + c * CHC
        pltpu.sync_copy(d0_hbm.at[pl.ds(off, CHC)], i0v)
        pltpu.sync_copy(d1_hbm.at[pl.ds(off, CHC)], i1v)
        pltpu.sync_copy(sc0_hbm.at[pl.ds(off, CHC)], s0v)
        pltpu.sync_copy(sc1_hbm.at[pl.ds(off, CHC)], s1v)
        cp0 = pltpu.async_copy(y_hbm.at[i0v], r0v, sem0)
        cp1 = pltpu.async_copy(y_hbm.at[i1v], r1v, sem1)
        cp0.wait()
        cp1.wait()

        lane16 = lax.iota(jnp.int32, 16)

        def tok(t, _):
            tvec = jnp.broadcast_to(t, (16,)).astype(jnp.int32)
            sa = plsc.load_gather(s0v, [tvec])
            sb = plsc.load_gather(s1v, [tvec])
            for k in range(D // 32):
                sl = pl.ds(k * 16, 16)
                c0 = plsc.bitcast(r0v[t, sl], jnp.bfloat16)
                c1 = plsc.bitcast(r1v[t, sl], jnp.bfloat16)
                a0, a1 = plsc.unpack(c0, format=plsc.PackFormat.INTERLEAVED)
                b0, b1 = plsc.unpack(c1, format=plsc.PackFormat.INTERLEAVED)
                ie = k * 32 + lane16 * 2
                plsc.store_scatter(ov, [tvec, ie], a0 * sa + b0 * sb)
                plsc.store_scatter(ov, [tvec, ie + 1], a1 * sa + b1 * sb)
            return 0

        lax.fori_loop(0, CHC, tok, 0)
        pltpu.sync_copy(ov, out_hbm.at[pl.ds(off, CHC)])
        return 0

    lax.fori_loop(0, NCH, chunk, 0)


def _combine(y, d0, d1, sc0, sc1):
    mesh = plsc.VectorSubcoreMesh(core_axis_name="c", subcore_axis_name="s")
    vm = pltpu.VMEM
    fn = pl.kernel(
        _combine_body,
        out_type=jax.ShapeDtypeStruct((T, D), jnp.float32),
        mesh=mesh,
        scratch_types=[vm((CHC,), jnp.int32), vm((CHC,), jnp.int32),
                       vm((CHC,), jnp.float32), vm((CHC,), jnp.float32),
                       vm((CHC, D // 2), jnp.float32),
                       vm((CHC, D // 2), jnp.float32),
                       vm((CHC, D), jnp.float32),
                       pltpu.SemaphoreType.DMA, pltpu.SemaphoreType.DMA],
        compiler_params=_SC_PARAMS,
    )
    return fn(y, d0, d1, sc0, sc1)



def kernel(x, wg, fc1_w, fc1_b, fc2_w, fc2_b):
    e0, e1, p0, p1r, s0, s1, stats, laux = _gate(x, wg)
    flat = lambda a: a.reshape(T)
    cnt0 = stats[0, :E].astype(jnp.int32)
    slot, d0, d1, sc0, sc1 = _route(flat(e0), flat(e1), flat(p0), flat(p1r),
                                    flat(s0), flat(s1), cnt0)
    y = _ffn(x, slot[:SLOTS], fc1_w, fc1_b, fc2_w, fc2_b)
    yv = lax.bitcast_convert_type(y.reshape(SLOTS, D // 2, 2), jnp.float32)
    out = _combine(yv, d0, d1, sc0, sc1)
    return out, laux.reshape(())

# --- scband reference (transcript-rebuilt; emitter-appended) ---
"""Pipeline reference for scband-mo-emlp-2559800508437 (READ-ONLY COPY).

The authoritative reference and input builder live on the scoring server;
editing this copy changes nothing except your own understanding.
"""

import jax, jax.numpy as jnp
import numpy as np

E = 64      # num_local_experts (single node => global experts)
K = 2       # top_value
D = 1024    # model_dim
H = 1024    # hidden_size per expert
T = 8192    # tokens (batch 4 x seq 2048 flattened)
CAP_F = 1.25


def setup_inputs(seed: int = 0) -> dict:
    key = jax.random.key(seed)
    ks = jax.random.split(key, 6)
    x = jax.random.normal(ks[0], (T, D), dtype=jnp.float32)
    wg = jax.random.normal(ks[1], (D, E), dtype=jnp.float32) * 0.02
    fc1_w = jax.random.normal(ks[2], (E, D, H), dtype=jnp.float32) * 0.02
    fc1_b = jnp.zeros((E, H), dtype=jnp.float32)
    fc2_w = jax.random.normal(ks[3], (E, H, D), dtype=jnp.float32) * 0.02
    fc2_b = jnp.zeros((E, D), dtype=jnp.float32)
    return {"x": x, "wg": wg, "fc1_w": fc1_w, "fc1_b": fc1_b, "fc2_w": fc2_w, "fc2_b": fc2_b}


def _moe_forward(x, wg, fc1_w, fc1_b, fc2_w, fc2_b):
    Tn, Dn = x.shape
    capacity = int(K * CAP_F * Tn / E)
    # fp32 gate (fp32_gate=True)
    logits = jnp.dot(x.astype(jnp.float32), wg)
    gates = jax.nn.softmax(logits, axis=-1)
    topk_vals, topk_idx = jax.lax.top_k(gates, K)  # [T,K]
    # normalize_gate=True: renormalize top-k scores
    denom = jnp.sum(topk_vals, axis=-1, keepdims=True) + 1e-9
    norm_gates = topk_vals / denom
    # GShard-style location assignment with per-expert capacity, k-major
    dispatch = jnp.zeros((E, capacity, Dn), dtype=x.dtype)
    offsets = jnp.zeros((E,), dtype=jnp.int32)
    tok_pos = []
    tok_keep = []
    for k in range(K):
        idx_k = topk_idx[:, k]
        mask_k = jax.nn.one_hot(idx_k, E, dtype=jnp.int32)
        loc_k = jnp.cumsum(mask_k, axis=0) - 1 + offsets[None, :]
        pos_k = jnp.sum(loc_k * mask_k, axis=1)
        keep_k = pos_k < capacity
        tok_pos.append(pos_k)
        tok_keep.append(keep_k)
        offsets = offsets + jnp.sum(mask_k, axis=0)
        pos_c = jnp.clip(pos_k, 0, capacity - 1)
        # scatter-add token vectors into expert capacity buffers (dropped tokens add zeros)
        dispatch = dispatch.at[idx_k, pos_c].add(x * keep_k[:, None].astype(x.dtype))
    # per-expert FFN: gelu(x W1 + b1) W2 + b2
    h = jnp.einsum('ecd,edh->ech', dispatch, fc1_w) + fc1_b[:, None, :]
    h = jax.nn.gelu(h)
    y = jnp.einsum('ech,ehd->ecd', h, fc2_w) + fc2_b[:, None, :]
    # combine, post-score (is_postscore=True): gate applied after expert output
    out = jnp.zeros((Tn, Dn), dtype=x.dtype)
    for k in range(K):
        idx_k = topk_idx[:, k]
        pos_c = jnp.clip(tok_pos[k], 0, capacity - 1)
        gathered = y[idx_k, pos_c]
        scale = norm_gates[:, k] * tok_keep[k].astype(x.dtype)
        out = out + gathered * scale[:, None]
    # load-balancing auxiliary loss: E * sum(mean_softmax_prob * mean_top1_assignment)
    me = jnp.mean(gates, axis=0)
    mask1 = jax.nn.one_hot(topk_idx[:, 0], E, dtype=jnp.float32)
    ce = jnp.mean(mask1, axis=0)
    l_aux = jnp.float32(E) * jnp.sum(me * ce)
    return out, l_aux


def reference(x, wg, fc1_w, fc1_b, fc2_w, fc2_b):
    return _moe_forward(x, wg, fc1_w, fc1_b, fc2_w, fc2_b)

if __name__ == "__main__":
    import jax
    _d = setup_inputs()
    print(jax.jit(kernel)(*tuple(_d.values())))

</pallas_src>

<mosaic_0001>
#map = affine_map<(d0, d1) -> (0)>
module attributes {stable_mosaic.version = 14 : i64} {
  func.func @_route_body(%arg0: i32, %arg1: i32, %arg2: memref<8192xi32, #tpu.memory_space<hbm>>, %arg3: memref<8192xi32, #tpu.memory_space<hbm>>, %arg4: memref<8192xi32, #tpu.memory_space<hbm>>, %arg5: memref<8192xi32, #tpu.memory_space<hbm>>, %arg6: memref<8192xf32, #tpu.memory_space<hbm>>, %arg7: memref<8192xf32, #tpu.memory_space<hbm>>, %arg8: memref<64xi32, #tpu.memory_space<hbm>>, %arg9: memref<20496xi32, #tpu.memory_space<hbm>>, %arg10: memref<8192xi32, #tpu.memory_space<hbm>>, %arg11: memref<8192xi32, #tpu.memory_space<hbm>>, %arg12: memref<8192xf32, #tpu.memory_space<hbm>>, %arg13: memref<8192xf32, #tpu.memory_space<hbm>>, %arg14: memref<256xi32, #tpu.memory_space<vmem>>, %arg15: memref<256xi32, #tpu.memory_space<vmem>>, %arg16: memref<256xi32, #tpu.memory_space<vmem>>, %arg17: memref<256xf32, #tpu.memory_space<vmem>>, %arg18: memref<256xf32, #tpu.memory_space<vmem>>, %arg19: memref<64xi32, #tpu.memory_space<vmem>>, %arg20: memref<256xi32, #tpu.memory_space<vmem>>, %arg21: memref<256xi32, #tpu.memory_space<vmem>>, %arg22: memref<256xf32, #tpu.memory_space<vmem>>, %arg23: memref<256xf32, #tpu.memory_space<vmem>>, %arg24: memref<8192xi32, #tpu.memory_space<vmem>>, %arg25: memref<8192xi32, #tpu.memory_space<vmem>>, %arg26: memref<8192xi32, #tpu.memory_space<vmem>>, %arg27: memref<8192xi32, #tpu.memory_space<vmem>>, %arg28: memref<20496xi32, #tpu.memory_space<vmem>>) attributes {dimension_semantics = [#tpu.dimension_semantics<core_parallel>, #tpu.dimension_semantics<subcore_parallel>], iteration_bounds = array<i64: 2, 16>, scalar_prefetch = 0 : i64, scratch_operands = 15 : i64, tpu.core_type = #tpu.core_type<sc_vector_subcore>, window_params = [{transform_indices = #map}, {transform_indices = #map}, {transform_indices = #map}, {transform_indices = #map}, {transform_indices = #map}, {transform_indices = #map}, {transform_indices = #map}, {transform_indices = #map}, {transform_indices = #map}, {transform_indices = #map}, {transform_indices = #map}, {transform_indices = #map}]} {
    %mul3A = arith.constant 2 : i32
    %mul3A_0 = arith.muli %arg1, %mul3A : i32
    %add3A = arith.addi %mul3A_0, %arg0 : i32
    %mul3A_1 = arith.constant 256 : i32
    %mul3A_2 = arith.muli %add3A, %mul3A_1 : i32
    "tpu.region"() ({
      %run_scoped3A = tpu.sem_alloc : memref<!tpu.dma_semaphore, #tpu.memory_space<semaphore_mem>>
      tpu.enqueue_dma source(%arg8 : memref<64xi32, #tpu.memory_space<hbm>>) target(%arg19 : memref<64xi32, #tpu.memory_space<vmem>>) target_semaphore(%run_scoped3A : memref<!tpu.dma_semaphore, #tpu.memory_space<semaphore_mem>>)
      tpu.wait_dma2 semaphore(%run_scoped3A : memref<!tpu.dma_semaphore, #tpu.memory_space<semaphore_mem>>) src(%arg8 : memref<64xi32, #tpu.memory_space<hbm>>) dst(%arg19 : memref<64xi32, #tpu.memory_space<vmem>>)
      tpu.yield
    }) : () -> ()
    "tpu.region"() ({
      %run_scoped3A = tpu.sem_alloc : memref<!tpu.dma_semaphore, #tpu.memory_space<semaphore_mem>>
      %dma_start3A = tpu.memref_slice %arg3[%mul3A_2] : memref<8192xi32, #tpu.memory_space<hbm>> -> memref<256xi32, #tpu.memory_space<hbm>>
      %dma_start3A_18 = tpu.memref_slice %arg3[%mul3A_2] : memref<8192xi32, #tpu.memory_space<hbm>> -> memref<256xi32, #tpu.memory_space<hbm>>
      tpu.enqueue_dma source(%dma_start3A_18 : memref<256xi32, #tpu.memory_space<hbm>>) target(%arg14 : memref<256xi32, #tpu.memory_space<vmem>>) target_semaphore(%run_scoped3A : memref<!tpu.dma_semaphore, #tpu.memory_space<semaphore_mem>>)
      %dma_wait3A = tpu.memref_slice %arg3[%mul3A_2] : memref<8192xi32, #tpu.memory_space<hbm>> -> memref<256xi32, #tpu.memory_space<hbm>>
      %dma_wait3A_19 = tpu.memref_slice %arg3[%mul3A_2] : memref<8192xi32, #tpu.memory_space<hbm>> -> memref<256xi32, #tpu.memory_space<hbm>>
      tpu.wait_dma2 semaphore(%run_scoped3A : memref<!tpu.dma_semaphore, #tpu.memory_space<semaphore_mem>>) src(%dma_wait3A_19 : memref<256xi32, #tpu.memory_space<hbm>>) dst(%arg14 : memref<256xi32, #tpu.memory_space<vmem>>)
      tpu.yield
    }) : () -> ()
    "tpu.region"() ({
      %run_scoped3A = tpu.sem_alloc : memref<!tpu.dma_semaphore, #tpu.memory_space<semaphore_mem>>
      %dma_start3A = tpu.memref_slice %arg4[%mul3A_2] : memref<8192xi32, #tpu.memory_space<hbm>> -> memref<256xi32, #tpu.memory_space<hbm>>
      %dma_start3A_18 = tpu.memref_slice %arg4[%mul3A_2] : memref<8192xi32, #tpu.memory_space<hbm>> -> memref<256xi32, #tpu.memory_space<hbm>>
      tpu.enqueue_dma source(%dma_start3A_18 : memref<256xi32, #tpu.memory_space<hbm>>) target(%arg15 : memref<256xi32, #tpu.memory_space<vmem>>) target_semaphore(%run_scoped3A : memref<!tpu.dma_semaphore, #tpu.memory_space<semaphore_mem>>)
      %dma_wait3A = tpu.memref_slice %arg4[%mul3A_2] : memref<8192xi32, #tpu.memory_space<hbm>> -> memref<256xi32, #tpu.memory_space<hbm>>
      %dma_wait3A_19 = tpu.memref_slice %arg4[%mul3A_2] : memref<8192xi32, #tpu.memory_space<hbm>> -> memref<256xi32, #tpu.memory_space<hbm>>
      tpu.wait_dma2 semaphore(%run_scoped3A : memref<!tpu.dma_semaphore, #tpu.memory_space<semaphore_mem>>) src(%dma_wait3A_19 : memref<256xi32, #tpu.memory_space<hbm>>) dst(%arg15 : memref<256xi32, #tpu.memory_space<vmem>>)
      tpu.yield
    }) : () -> ()
    "tpu.region"() ({
      %run_scoped3A = tpu.sem_alloc : memref<!tpu.dma_semaphore, #tpu.memory_space<semaphore_mem>>
      %dma_start3A = tpu.memref_slice %arg5[%mul3A_2] : memref<8192xi32, #tpu.memory_space<hbm>> -> memref<256xi32, #tpu.memory_space<hbm>>
      %dma_start3A_18 = tpu.memref_slice %arg5[%mul3A_2] : memref<8192xi32, #tpu.memory_space<hbm>> -> memref<256xi32, #tpu.memory_space<hbm>>
      tpu.enqueue_dma source(%dma_start3A_18 : memref<256xi32, #tpu.memory_space<hbm>>) target(%arg16 : memref<256xi32, #tpu.memory_space<vmem>>) target_semaphore(%run_scoped3A : memref<!tpu.dma_semaphore, #tpu.memory_space<semaphore_mem>>)
      %dma_wait3A = tpu.memref_slice %arg5[%mul3A_2] : memref<8192xi32, #tpu.memory_space<hbm>> -> memref<256xi32, #tpu.memory_space<hbm>>
      %dma_wait3A_19 = tpu.memref_slice %arg5[%mul3A_2] : memref<8192xi32, #tpu.memory_space<hbm>> -> memref<256xi32, #tpu.memory_space<hbm>>
      tpu.wait_dma2 semaphore(%run_scoped3A : memref<!tpu.dma_semaphore, #tpu.memory_space<semaphore_mem>>) src(%dma_wait3A_19 : memref<256xi32, #tpu.memory_space<hbm>>) dst(%arg16 : memref<256xi32, #tpu.memory_space<vmem>>)
      tpu.yield
    }) : () -> ()
    "tpu.region"() ({
      %run_scoped3A = tpu.sem_alloc : memref<!tpu.dma_semaphore, #tpu.memory_space<semaphore_mem>>
      %dma_start3A = tpu.memref_slice %arg6[%mul3A_2] : memref<8192xf32, #tpu.memory_space<hbm>> -> memref<256xf32, #tpu.memory_space<hbm>>
      %dma_start3A_18 = tpu.memref_slice %arg6[%mul3A_2] : memref<8192xf32, #tpu.memory_space<hbm>> -> memref<256xf32, #tpu.memory_space<hbm>>
      tpu.enqueue_dma source(%dma_start3A_18 : memref<256xf32, #tpu.memory_space<hbm>>) target(%arg17 : memref<256xf32, #tpu.memory_space<vmem>>) target_semaphore(%run_scoped3A : memref<!tpu.dma_semaphore, #tpu.memory_space<semaphore_mem>>)
      %dma_wait3A = tpu.memref_slice %arg6[%mul3A_2] : memref<8192xf32, #tpu.memory_space<hbm>> -> memref<256xf32, #tpu.memory_space<hbm>>
      %dma_wait3A_19 = tpu.memref_slice %arg6[%mul3A_2] : memref<8192xf32, #tpu.memory_space<hbm>> -> memref<256xf32, #tpu.memory_space<hbm>>
      tpu.wait_dma2 semaphore(%run_scoped3A : memref<!tpu.dma_semaphore, #tpu.memory_space<semaphore_mem>>) src(%dma_wait3A_19 : memref<256xf32, #tpu.memory_space<hbm>>) dst(%arg17 : memref<256xf32, #tpu.memory_space<vmem>>)
      tpu.yield
    }) : () -> ()
    "tpu.region"() ({
      %run_scoped3A = tpu.sem_alloc : memref<!tpu.dma_semaphore, #tpu.memory_space<semaphore_mem>>
      %dma_start3A = tpu.memref_slice %arg7[%mul3A_2] : memref<8192xf32, #tpu.memory_space<hbm>> -> memref<256xf32, #tpu.memory_space<hbm>>
      %dma_start3A_18 = tpu.memref_slice %arg7[%mul3A_2] : memref<8192xf32, #tpu.memory_space<hbm>> -> memref<256xf32, #tpu.memory_space<hbm>>
      tpu.enqueue_dma source(%dma_start3A_18 : memref<256xf32, #tpu.memory_space<hbm>>) target(%arg18 : memref<256xf32, #tpu.memory_space<vmem>>) target_semaphore(%run_scoped3A : memref<!tpu.dma_semaphore, #tpu.memory_space<semaphore_mem>>)
      %dma_wait3A = tpu.memref_slice %arg7[%mul3A_2] : memref<8192xf32, #tpu.memory_space<hbm>> -> memref<256xf32, #tpu.memory_space<hbm>>
      %dma_wait3A_19 = tpu.memref_slice %arg7[%mul3A_2] : memref<8192xf32, #tpu.memory_space<hbm>> -> memref<256xf32, #tpu.memory_space<hbm>>
      tpu.wait_dma2 semaphore(%run_scoped3A : memref<!tpu.dma_semaphore, #tpu.memory_space<semaphore_mem>>) src(%dma_wait3A_19 : memref<256xf32, #tpu.memory_space<hbm>>) dst(%arg18 : memref<256xf32, #tpu.memory_space<vmem>>)
      tpu.yield
    }) : () -> ()
    %scan3A = arith.constant 0 : i32
    %scan3A_3 = arith.constant 0 : i32
    %scan3A_4 = arith.constant 16 : i32
    %scan3A_5 = arith.addi %scan3A_3, %scan3A_4 : i32
    %scan3A_6 = arith.constant 1 : i32
    %scan3A_7 = scf.for %scan3A_18 = %scan3A_3 to %scan3A_5 step %scan3A_6 iter_args(%scan3A_19 = %scan3A) -> (i32)  : i32 {
      %mul3A_20 = arith.constant 16 : i32
      %mul3A_21 = arith.muli %scan3A_18, %mul3A_20 : i32
      %get3A = arith.index_cast %mul3A_21 : i32 to index
      %get3A_22 = tpu.vector_load %arg14[%get3A] {strides = array<i32>} : memref<256xi32, #tpu.memory_space<vmem>>, vector<16xi32>,
      %get3A_23 = arith.index_cast %mul3A_21 : i32 to index
      %get3A_24 = tpu.vector_load %arg15[%get3A_23] {strides = array<i32>} : memref<256xi32, #tpu.memory_space<vmem>>, vector<16xi32>,
      %get3A_25 = arith.index_cast %mul3A_21 : i32 to index
      %get3A_26 = tpu.vector_load %arg16[%get3A_25] {strides = array<i32>} : memref<256xi32, #tpu.memory_space<vmem>>, vector<16xi32>,
      %gather3A = tpu.vector_load_idx %arg19[%get3A_22] : memref<64xi32, #tpu.memory_space<vmem>>[vector<16xi32>], vector<16xi32>,
      %add3A_27 = arith.addi %get3A_26, %gather3A : vector<16xi32>
      %lt3A = arith.constant 320 : i32
      %lt3A_28 = vector.broadcast %lt3A : i32 to vector<16xi32>
      %lt3A_29 = arith.cmpi slt, %get3A_24, %lt3A_28 : vector<16xi32>
      %lt3A_30 = arith.constant 320 : i32
      %lt3A_31 = vector.broadcast %lt3A_30 : i32 to vector<16xi32>
      %lt3A_32 = arith.cmpi slt, %add3A_27, %lt3A_31 : vector<16xi32>
      %jit3A = arith.constant 0 : i32
      %broadcast_in_dim3A = vector.broadcast %jit3A : i32 to vector<16xi32>
      %select_n3A = arith.select %lt3A_29, %get3A_24, %broadcast_in_dim3A : vector<16xi1>, vector<16xi32>
      %swap3A = arith.index_cast %mul3A_21 : i32 to index
      %swap3A_33 = tpu.vector_load %arg20[%swap3A] {strides = array<i32>} : memref<256xi32, #tpu.memory_space<vmem>>, vector<16xi32>,
      tpu.vector_store %arg20[%swap3A], %select_n3A {strides = array<i32>} : memref<256xi32, #tpu.memory_space<vmem>>, vector<16xi32>,
      %mul3A_34 = arith.constant 320 : i32
      %mul3A_35 = vector.broadcast %mul3A_34 : i32 to vector<16xi32>
      %mul3A_36 = arith.muli %get3A_22, %mul3A_35 : vector<16xi32>
      %add3A_37 = arith.addi %mul3A_36, %add3A_27 : vector<16xi32>
      %jit3A_38 = arith.constant 0 : i32
      %broadcast_in_dim3A_39 = vector.broadcast %jit3A_38 : i32 to vector<16xi32>
      %select_n3A_40 = arith.select %lt3A_32, %add3A_37, %broadcast_in_dim3A_39 : vector<16xi1>, vector<16xi32>
      %swap3A_41 = arith.index_cast %mul3A_21 : i32 to index
      %swap3A_42 = tpu.vector_load %arg21[%swap3A_41] {strides = array<i32>} : memref<256xi32, #tpu.memory_space<vmem>>, vector<16xi32>,
      tpu.vector_store %arg21[%swap3A_41], %select_n3A_40 {strides = array<i32>} : memref<256xi32, #tpu.memory_space<vmem>>, vector<16xi32>,
      %get3A_43 = arith.index_cast %mul3A_21 : i32 to index
      %get3A_44 = tpu.vector_load %arg17[%get3A_43] {strides = array<i32>} : memref<256xf32, #tpu.memory_space<vmem>>, vector<16xf32>,
      %convert_element_type3A_45 = arith.extui %lt3A_29 : vector<16xi1> to vector<16xi32>
      %convert_element_type3A_46 = arith.sitofp %convert_element_type3A_45 : vector<16xi32> to vector<16xf32>
      %mul3A_47 = arith.mulf %get3A_44, %convert_element_type3A_46 : vector<16xf32>
      %swap3A_48 = arith.index_cast %mul3A_21 : i32 to index
      %swap3A_49 = tpu.vector_load %arg22[%swap3A_48] {strides = array<i32>} : memref<256xf32, #tpu.memory_space<vmem>>, vector<16xf32>,
      tpu.vector_store %arg22[%swap3A_48], %mul3A_47 {strides = array<i32>} : memref<256xf32, #tpu.memory_space<vmem>>, vector<16xf32>,
      %get3A_50 = arith.index_cast %mul3A_21 : i32 to index
      %get3A_51 = tpu.vector_load %arg18[%get3A_50] {strides = array<i32>} : memref<256xf32, #tpu.memory_space<vmem>>, vector<16xf32>,
      %convert_element_type3A_52 = arith.extui %lt3A_32 : vector<16xi1> to vector<16xi32>
      %convert_element_type3A_53 = arith.sitofp %convert_element_type3A_52 : vector<16xi32> to vector<16xf32>
      %mul3A_54 = arith.mulf %get3A_51, %convert_element_type3A_53 : vector<16xf32>
      %swap3A_55 = arith.index_cast %mul3A_21 : i32 to index
      %swap3A_56 = tpu.vector_load %arg23[%swap3A_55] {strides = array<i32>} : memref<256xf32, #tpu.memory_space<vmem>>, vector<16xf32>,
      tpu.vector_store %arg23[%swap3A_55], %mul3A_54 {strides = array<i32>} : memref<256xf32, #tpu.memory_space<vmem>>, vector<16xf32>,
      %scan3A_57 = arith.constant 0 : i32
      scf.yield %scan3A_57 : i32
    }
    %scan3A_8 = arith.constant 16 : i32
    "tpu.region"() ({
      %run_scoped3A = tpu.sem_alloc : memref<!tpu.dma_semaphore, #tpu.memory_space<semaphore_mem>>
      %dma_start3A = tpu.memref_slice %arg2[%mul3A_2] : memref<8192xi32, #tpu.memory_space<hbm>> -> memref<256xi32, #tpu.memory_space<hbm>>
      %dma_start3A_18 = tpu.memref_slice %arg2[%mul3A_2] : memref<8192xi32, #tpu.memory_space<hbm>> -> memref<256xi32, #tpu.memory_space<hbm>>
      tpu.enqueue_dma source(%dma_start3A_18 : memref<256xi32, #tpu.memory_space<hbm>>) target(%arg14 : memref<256xi32, #tpu.memory_space<vmem>>) target_semaphore(%run_scoped3A : memref<!tpu.dma_semaphore, #tpu.memory_space<semaphore_mem>>)
      %dma_wait3A = tpu.memref_slice %arg2[%mul3A_2] : memref<8192xi32, #tpu.memory_space<hbm>> -> memref<256xi32, #tpu.memory_space<hbm>>
      %dma_wait3A_19 = tpu.memref_slice %arg2[%mul3A_2] : memref<8192xi32, #tpu.memory_space<hbm>> -> memref<256xi32, #tpu.memory_space<hbm>>
      tpu.wait_dma2 semaphore(%run_scoped3A : memref<!tpu.dma_semaphore, #tpu.memory_space<semaphore_mem>>) src(%dma_wait3A_19 : memref<256xi32, #tpu.memory_space<hbm>>) dst(%arg14 : memref<256xi32, #tpu.memory_space<vmem>>)
      tpu.yield
    }) : () -> ()
    %scan3A_9 = arith.constant 0 : i32
    %scan3A_10 = arith.constant 0 : i32
    %scan3A_11 = arith.constant 16 : i32
    %scan3A_12 = arith.addi %scan3A_10, %scan3A_11 : i32
    %scan3A_13 = arith.constant 1 : i32
    %scan3A_14 = scf.for %scan3A_18 = %scan3A_10 to %scan3A_12 step %scan3A_13 iter_args(%scan3A_19 = %scan3A_9) -> (i32)  : i32 {
      %mul3A_20 = arith.constant 16 : i32
      %mul3A_21 = arith.muli %scan3A_18, %mul3A_20 : i32
      %get3A = arith.index_cast %mul3A_21 : i32 to index
      %get3A_22 = tpu.vector_load %arg20[%get3A] {strides = array<i32>} : memref<256xi32, #tpu.memory_space<vmem>>, vector<16xi32>,
      %get3A_23 = arith.index_cast %mul3A_21 : i32 to index
      %get3A_24 = tpu.vector_load %arg14[%get3A_23] {strides = array<i32>} : memref<256xi32, #tpu.memory_space<vmem>>, vector<16xi32>,
      %mul3A_25 = arith.constant 320 : i32
      %mul3A_26 = vector.broadcast %mul3A_25 : i32 to vector<16xi32>
      %mul3A_27 = arith.muli %get3A_24, %mul3A_26 : vector<16xi32>
      %add3A_28 = arith.addi %get3A_22, %mul3A_27 : vector<16xi32>
      %swap3A = arith.index_cast %mul3A_21 : i32 to index
      %swap3A_29 = tpu.vector_load %arg20[%swap3A] {strides = array<i32>} : memref<256xi32, #tpu.memory_space<vmem>>, vector<16xi32>,
      tpu.vector_store %arg20[%swap3A], %add3A_28 {strides = array<i32>} : memref<256xi32, #tpu.memory_space<vmem>>, vector<16xi32>,
      %scan3A_30 = arith.constant 0 : i32
      scf.yield %scan3A_30 : i32
    }
    %scan3A_15 = arith.constant 16 : i32
    "tpu.region"() ({
      %run_scoped3A = tpu.sem_alloc : memref<!tpu.dma_semaphore, #tpu.memory_space<semaphore_mem>>
      %dma_start3A = tpu.memref_slice %arg10[%mul3A_2] : memref<8192xi32, #tpu.memory_space<hbm>> -> memref<256xi32, #tpu.memory_space<hbm>>
      %dma_start3A_18 = tpu.memref_slice %arg10[%mul3A_2] : memref<8192xi32, #tpu.memory_space<hbm>> -> memref<256xi32, #tpu.memory_space<hbm>>
      tpu.enqueue_dma source(%arg20 : memref<256xi32, #tpu.memory_space<vmem>>) target(%dma_start3A_18 : memref<256xi32, #tpu.memory_space<hbm>>) target_semaphore(%run_scoped3A : memref<!tpu.dma_semaphore, #tpu.memory_space<semaphore_mem>>)
      %dma_wait3A = tpu.memref_slice %arg10[%mul3A_2] : memref<8192xi32, #tpu.memory_space<hbm>> -> memref<256xi32, #tpu.memory_space<hbm>>
      %dma_wait3A_19 = tpu.memref_slice %arg10[%mul3A_2] : memref<8192xi32, #tpu.memory_space<hbm>> -> memref<256xi32, #tpu.memory_space<hbm>>
      tpu.wait_dma2 semaphore(%run_scoped3A : memref<!tpu.dma_semaphore, #tpu.memory_space<semaphore_mem>>) src(%arg20 : memref<256xi32, #tpu.memory_space<vmem>>) dst(%dma_wait3A_19 : memref<256xi32, #tpu.memory_space<hbm>>)
      tpu.yield
    }) : () -> ()
    "tpu.region"() ({
      %run_scoped3A = tpu.sem_alloc : memref<!tpu.dma_semaphore, #tpu.memory_space<semaphore_mem>>
      %dma_start3A = tpu.memref_slice %arg11[%mul3A_2] : memref<8192xi32, #tpu.memory_space<hbm>> -> memref<256xi32, #tpu.memory_space<hbm>>
      %dma_start3A_18 = tpu.memref_slice %arg11[%mul3A_2] : memref<8192xi32, #tpu.memory_space<hbm>> -> memref<256xi32, #tpu.memory_space<hbm>>
      tpu.enqueue_dma source(%arg21 : memref<256xi32, #tpu.memory_space<vmem>>) target(%dma_start3A_18 : memref<256xi32, #tpu.memory_space<hbm>>) target_semaphore(%run_scoped3A : memref<!tpu.dma_semaphore, #tpu.memory_space<semaphore_mem>>)
      %dma_wait3A = tpu.memref_slice %arg11[%mul3A_2] : memref<8192xi32, #tpu.memory_space<hbm>> -> memref<256xi32, #tpu.memory_space<hbm>>
      %dma_wait3A_19 = tpu.memref_slice %arg11[%mul3A_2] : memref<8192xi32, #tpu.memory_space<hbm>> -> memref<256xi32, #tpu.memory_space<hbm>>
      tpu.wait_dma2 semaphore(%run_scoped3A : memref<!tpu.dma_semaphore, #tpu.memory_space<semaphore_mem>>) src(%arg21 : memref<256xi32, #tpu.memory_space<vmem>>) dst(%dma_wait3A_19 : memref<256xi32, #tpu.memory_space<hbm>>)
      tpu.yield
    }) : () -> ()
    "tpu.region"() ({
      %run_scoped3A = tpu.sem_alloc : memref<!tpu.dma_semaphore, #tpu.memory_space<semaphore_mem>>
      %dma_start3A = tpu.memref_slice %arg12[%mul3A_2] : memref<8192xf32, #tpu.memory_space<hbm>> -> memref<256xf32, #tpu.memory_space<hbm>>
      %dma_start3A_18 = tpu.memref_slice %arg12[%mul3A_2] : memref<8192xf32, #tpu.memory_space<hbm>> -> memref<256xf32, #tpu.memory_space<hbm>>
      tpu.enqueue_dma source(%arg22 : memref<256xf32, #tpu.memory_space<vmem>>) target(%dma_start3A_18 : memref<256xf32, #tpu.memory_space<hbm>>) target_semaphore(%run_scoped3A : memref<!tpu.dma_semaphore, #tpu.memory_space<semaphore_mem>>)
      %dma_wait3A = tpu.memref_slice %arg12[%mul3A_2] : memref<8192xf32, #tpu.memory_space<hbm>> -> memref<256xf32, #tpu.memory_space<hbm>>
      %dma_wait3A_19 = tpu.memref_slice %arg12[%mul3A_2] : memref<8192xf32, #tpu.memory_space<hbm>> -> memref<256xf32, #tpu.memory_space<hbm>>
      tpu.wait_dma2 semaphore(%run_scoped3A : memref<!tpu.dma_semaphore, #tpu.memory_space<semaphore_mem>>) src(%arg22 : memref<256xf32, #tpu.memory_space<vmem>>) dst(%dma_wait3A_19 : memref<256xf32, #tpu.memory_space<hbm>>)
      tpu.yield
    }) : () -> ()
    "tpu.region"() ({
      %run_scoped3A = tpu.sem_alloc : memref<!tpu.dma_semaphore, #tpu.memory_space<semaphore_mem>>
      %dma_start3A = tpu.memref_slice %arg13[%mul3A_2] : memref<8192xf32, #tpu.memory_space<hbm>> -> memref<256xf32, #tpu.memory_space<hbm>>
      %dma_start3A_18 = tpu.memref_slice %arg13[%mul3A_2] : memref<8192xf32, #tpu.memory_space<hbm>> -> memref<256xf32, #tpu.memory_space<hbm>>
      tpu.enqueue_dma source(%arg23 : memref<256xf32, #tpu.memory_space<vmem>>) target(%dma_start3A_18 : memref<256xf32, #tpu.memory_space<hbm>>) target_semaphore(%run_scoped3A : memref<!tpu.dma_semaphore, #tpu.memory_space<semaphore_mem>>)
      %dma_wait3A = tpu.memref_slice %arg13[%mul3A_2] : memref<8192xf32, #tpu.memory_space<hbm>> -> memref<256xf32, #tpu.memory_space<hbm>>
      %dma_wait3A_19 = tpu.memref_slice %arg13[%mul3A_2] : memref<8192xf32, #tpu.memory_space<hbm>> -> memref<256xf32, #tpu.memory_space<hbm>>
      tpu.wait_dma2 semaphore(%run_scoped3A : memref<!tpu.dma_semaphore, #tpu.memory_space<semaphore_mem>>) src(%arg23 : memref<256xf32, #tpu.memory_space<vmem>>) dst(%dma_wait3A_19 : memref<256xf32, #tpu.memory_space<hbm>>)
      tpu.yield
    }) : () -> ()
    %eq3A = arith.constant 0 : i32
    %eq3A_16 = arith.cmpi eq, %add3A, %eq3A : i32
    %convert_element_type3A = arith.extui %eq3A_16 : i1 to i32
    %cond3A = arith.constant 0 : i32
    %cond3A_17 = arith.cmpi ne, %convert_element_type3A, %cond3A : i32
    scf.if %cond3A_17 {
      "tpu.region"() ({
        %run_scoped3A = tpu.sem_alloc : memref<!tpu.dma_semaphore, #tpu.memory_space<semaphore_mem>>
        tpu.enqueue_dma source(%arg2 : memref<8192xi32, #tpu.memory_space<hbm>>) target(%arg24 : memref<8192xi32, #tpu.memory_space<vmem>>) target_semaphore(%run_scoped3A : memref<!tpu.dma_semaphore, #tpu.memory_space<semaphore_mem>>)
        tpu.wait_dma2 semaphore(%run_scoped3A : memref<!tpu.dma_semaphore, #tpu.memory_space<semaphore_mem>>) src(%arg2 : memref<8192xi32, #tpu.memory_space<hbm>>) dst(%arg24 : memref<8192xi32, #tpu.memory_space<vmem>>)
        tpu.yield
      }) : () -> ()
      "tpu.region"() ({
        %run_scoped3A = tpu.sem_alloc : memref<!tpu.dma_semaphore, #tpu.memory_space<semaphore_mem>>
        tpu.enqueue_dma source(%arg3 : memref<8192xi32, #tpu.memory_space<hbm>>) target(%arg25 : memref<8192xi32, #tpu.memory_space<vmem>>) target_semaphore(%run_scoped3A : memref<!tpu.dma_semaphore, #tpu.memory_space<semaphore_mem>>)
        tpu.wait_dma2 semaphore(%run_scoped3A : memref<!tpu.dma_semaphore, #tpu.memory_space<semaphore_mem>>) src(%arg3 : memref<8192xi32, #tpu.memory_space<hbm>>) dst(%arg25 : memref<8192xi32, #tpu.memory_space<vmem>>)
        tpu.yield
      }) : () -> ()
      "tpu.region"() ({
        %run_scoped3A = tpu.sem_alloc : memref<!tpu.dma_semaphore, #tpu.memory_space<semaphore_mem>>
        tpu.enqueue_dma source(%arg4 : memref<8192xi32, #tpu.memory_space<hbm>>) target(%arg26 : memref<8192xi32, #tpu.memory_space<vmem>>) target_semaphore(%run_scoped3A : memref<!tpu.dma_semaphore, #tpu.memory_space<semaphore_mem>>)
        tpu.wait_dma2 semaphore(%run_scoped3A : memref<!tpu.dma_semaphore, #tpu.memory_space<semaphore_mem>>) src(%arg4 : memref<8192xi32, #tpu.memory_space<hbm>>) dst(%arg26 : memref<8192xi32, #tpu.memory_space<vmem>>)
        tpu.yield
      }) : () -> ()
      "tpu.region"() ({
        %run_scoped3A = tpu.sem_alloc : memref<!tpu.dma_semaphore, #tpu.memory_space<semaphore_mem>>
        tpu.enqueue_dma source(%arg5 : memref<8192xi32, #tpu.memory_space<hbm>>) target(%arg27 : memref<8192xi32, #tpu.memory_space<vmem>>) target_semaphore(%run_scoped3A : memref<!tpu.dma_semaphore, #tpu.memory_space<semaphore_mem>>)
        tpu.wait_dma2 semaphore(%run_scoped3A : memref<!tpu.dma_semaphore, #tpu.memory_space<semaphore_mem>>) src(%arg5 : memref<8192xi32, #tpu.memory_space<hbm>>) dst(%arg27 : memref<8192xi32, #tpu.memory_space<vmem>>)
        tpu.yield
      }) : () -> ()
      %scan3A_18 = arith.constant 0 : i32
      %scan3A_19 = arith.constant 0 : i32
      %scan3A_20 = arith.constant 1281 : i32
      %scan3A_21 = arith.addi %scan3A_19, %scan3A_20 : i32
      %scan3A_22 = arith.constant 1 : i32
      %scan3A_23 = scf.for %scan3A_32 = %scan3A_19 to %scan3A_21 step %scan3A_22 iter_args(%scan3A_33 = %scan3A_18) -> (i32)  : i32 {
        %broadcast_in_dim3A = arith.constant 0 : i32
        %broadcast_in_dim3A_34 = vector.broadcast %broadcast_in_dim3A : i32 to vector<16xi32>
        %mul3A_35 = arith.constant 16 : i32
        %mul3A_36 = arith.muli %scan3A_32, %mul3A_35 : i32
        %swap3A = arith.index_cast %mul3A_36 : i32 to index
        %swap3A_37 = tpu.vector_load %arg28[%swap3A] {strides = array<i32>} : memref<20496xi32, #tpu.memory_space<vmem>>, vector<16xi32>,
        tpu.vector_store %arg28[%swap3A], %broadcast_in_dim3A_34 {strides = array<i32>} : memref<20496xi32, #tpu.memory_space<vmem>>, vector<16xi32>,
        %scan3A_38 = arith.constant 0 : i32
        scf.yield %scan3A_38 : i32
      }
      %scan3A_24 = arith.constant 1281 : i32
      %scan3A_25 = arith.constant 0 : i32
      %scan3A_26 = arith.constant 0 : i32
      %scan3A_27 = arith.constant 512 : i32
      %scan3A_28 = arith.addi %scan3A_26, %scan3A_27 : i32
      %scan3A_29 = arith.constant 1 : i32
      %scan3A_30 = scf.for %scan3A_32 = %scan3A_26 to %scan3A_28 step %scan3A_29 iter_args(%scan3A_33 = %scan3A_25) -> (i32)  : i32 {
        %mul3A_34 = arith.constant 16 : i32
        %mul3A_35 = arith.muli %scan3A_32, %mul3A_34 : i32
        %mul3A_36 = arith.constant 16 : i32
        %mul3A_37 = arith.muli %scan3A_32, %mul3A_36 : i32
        %iota3A = tpu.iota {dimensions = array<i32: 0>} : vector<16xi32>
        %add3A_38 = vector.broadcast %mul3A_37 : i32 to vector<16xi32>
        %add3A_39 = arith.addi %add3A_38, %iota3A : vector<16xi32>
        %get3A = arith.index_cast %mul3A_35 : i32 to index
        %get3A_40 = tpu.vector_load %arg24[%get3A] {strides = array<i32>} : memref<8192xi32, #tpu.memory_space<vmem>>, vector<16xi32>,
        %get3A_41 = arith.index_cast %mul3A_35 : i32 to index
        %get3A_42 = tpu.vector_load %arg25[%get3A_41] {strides = array<i32>} : memref<8192xi32, #tpu.memory_space<vmem>>, vector<16xi32>,
        %get3A_43 = arith.index_cast %mul3A_35 : i32 to index
        %get3A_44 = tpu.vector_load %arg26[%get3A_43] {strides = array<i32>} : memref<8192xi32, #tpu.memory_space<vmem>>, vector<16xi32>,
        %get3A_45 = arith.index_cast %mul3A_35 : i32 to index
        %get3A_46 = tpu.vector_load %arg27[%get3A_45] {strides = array<i32>} : memref<8192xi32, #tpu.memory_space<vmem>>, vector<16xi32>,
        %gather3A = tpu.vector_load_idx %arg19[%get3A_42] : memref<64xi32, #tpu.memory_space<vmem>>[vector<16xi32>], vector<16xi32>,
        %add3A_47 = arith.addi %get3A_46, %gather3A : vector<16xi32>
        %lt3A = arith.constant 320 : i32
        %lt3A_48 = vector.broadcast %lt3A : i32 to vector<16xi32>
        %lt3A_49 = arith.cmpi slt, %get3A_44, %lt3A_48 : vector<16xi32>
        %mul3A_50 = arith.constant 320 : i32
        %mul3A_51 = vector.broadcast %mul3A_50 : i32 to vector<16xi32>
        %mul3A_52 = arith.muli %get3A_40, %mul3A_51 : vector<16xi32>
        %add3A_53 = arith.addi %mul3A_52, %get3A_44 : vector<16xi32>
        %jit3A = arith.constant 20480 : i32
        %broadcast_in_dim3A = vector.broadcast %jit3A : i32 to vector<16xi32>
        %select_n3A = arith.select %lt3A_49, %add3A_53, %broadcast_in_dim3A : vector<16xi1>, vector<16xi32>
        %lt3A_54 = arith.constant 320 : i32
        %lt3A_55 = vector.broadcast %lt3A_54 : i32 to vector<16xi32>
        %lt3A_56 = arith.cmpi slt, %add3A_47, %lt3A_55 : vector<16xi32>
        %mul3A_57 = arith.constant 320 : i32
        %mul3A_58 = vector.broadcast %mul3A_57 : i32 to vector<16xi32>
        %mul3A_59 = arith.muli %get3A_42, %mul3A_58 : vector<16xi32>
        %add3A_60 = arith.addi %mul3A_59, %add3A_47 : vector<16xi32>
        %jit3A_61 = arith.constant 20480 : i32
        %broadcast_in_dim3A_62 = vector.broadcast %jit3A_61 : i32 to vector<16xi32>
        %select_n3A_63 = arith.select %lt3A_56, %add3A_60, %broadcast_in_dim3A_62 : vector<16xi1>, vector<16xi32>
        tpu.vector_store_idx %arg28[%select_n3A], %add3A_39 : memref<20496xi32, #tpu.memory_space<vmem>>[vector<16xi32>], vector<16xi32>,
        tpu.vector_store_idx %arg28[%select_n3A_63], %add3A_39 : memref<20496xi32, #tpu.memory_space<vmem>>[vector<16xi32>], vector<16xi32>,
        %scan3A_64 = arith.constant 0 : i32
        scf.yield %scan3A_64 : i32
      }
      %scan3A_31 = arith.constant 512 : i32
      "tpu.region"() ({
        %run_scoped3A = tpu.sem_alloc : memref<!tpu.dma_semaphore, #tpu.memory_space<semaphore_mem>>
        tpu.enqueue_dma source(%arg28 : memref<20496xi32, #tpu.memory_space<vmem>>) target(%arg9 : memref<20496xi32, #tpu.memory_space<hbm>>) target_semaphore(%run_scoped3A : memref<!tpu.dma_semaphore, #tpu.memory_space<semaphore_mem>>)
        tpu.wait_dma2 semaphore(%run_scoped3A : memref<!tpu.dma_semaphore, #tpu.memory_space<semaphore_mem>>) src(%arg28 : memref<20496xi32, #tpu.memory_space<vmem>>) dst(%arg9 : memref<20496xi32, #tpu.memory_space<hbm>>)
        tpu.yield
      }) : () -> ()
    } else {
    }
    return
  }
}

#map = affine_map<(d0, d1) -> (0, 0)>
#map1 = affine_map<(d0, d1) -> (0)>
module attributes {stable_mosaic.version = 14 : i64} {
  func.func @_combine_body(%arg0: i32, %arg1: i32, %arg2: memref<20480x512xf32, #tpu.memory_space<hbm>>, %arg3: memref<8192xi32, #tpu.memory_space<hbm>>, %arg4: memref<8192xi32, #tpu.memory_space<hbm>>, %arg5: memref<8192xf32, #tpu.memory_space<hbm>>, %arg6: memref<8192xf32, #tpu.memory_space<hbm>>, %arg7: memref<8192x1024xf32, #tpu.memory_space<hbm>>, %arg8: memref<32xi32, #tpu.memory_space<vmem>>, %arg9: memref<32xi32, #tpu.memory_space<vmem>>, %arg10: memref<32xf32, #tpu.memory_space<vmem>>, %arg11: memref<32xf32, #tpu.memory_space<vmem>>, %arg12: memref<32x512xf32, #tpu.memory_space<vmem>>, %arg13: memref<32x512xf32, #tpu.memory_space<vmem>>, %arg14: memref<32x1024xf32, #tpu.memory_space<vmem>>, %arg15: memref<!tpu.dma_semaphore, #tpu.memory_space<semaphore_mem>>, %arg16: memref<!tpu.dma_semaphore, #tpu.memory_space<semaphore_mem>>) attributes {dimension_semantics = [#tpu.dimension_semantics<core_parallel>, #tpu.dimension_semantics<subcore_parallel>], iteration_bounds = array<i64: 2, 16>, scalar_prefetch = 0 : i64, scratch_operands = 9 : i64, tpu.core_type = #tpu.core_type<sc_vector_subcore>, window_params = [{transform_indices = #map}, {transform_indices = #map1}, {transform_indices = #map1}, {transform_indices = #map1}, {transform_indices = #map1}, {transform_indices = #map}]} {
    %mul3A = arith.constant 2 : i32
    %mul3A_0 = arith.muli %arg1, %mul3A : i32
    %add3A = arith.addi %mul3A_0, %arg0 : i32
    %mul3A_1 = arith.constant 256 : i32
    %mul3A_2 = arith.muli %add3A, %mul3A_1 : i32
    %scan3A = arith.constant 0 : i32
    %scan3A_3 = arith.constant 0 : i32
    %scan3A_4 = arith.constant 8 : i32
    %scan3A_5 = arith.addi %scan3A_3, %scan3A_4 : i32
    %scan3A_6 = arith.constant 1 : i32
    %scan3A_7 = scf.for %scan3A_9 = %scan3A_3 to %scan3A_5 step %scan3A_6 iter_args(%scan3A_10 = %scan3A) -> (i32)  : i32 {
      %mul3A_11 = arith.constant 32 : i32
      %mul3A_12 = arith.muli %scan3A_9, %mul3A_11 : i32
      %add3A_13 = arith.addi %mul3A_2, %mul3A_12 : i32
      "tpu.region"() ({
        %run_scoped3A = tpu.sem_alloc : memref<!tpu.dma_semaphore, #tpu.memory_space<semaphore_mem>>
        %dma_start3A_32 = tpu.memref_slice %arg3[%add3A_13] : memref<8192xi32, #tpu.memory_space<hbm>> -> memref<32xi32, #tpu.memory_space<hbm>>
        %dma_start3A_33 = tpu.memref_slice %arg3[%add3A_13] : memref<8192xi32, #tpu.memory_space<hbm>> -> memref<32xi32, #tpu.memory_space<hbm>>
        tpu.enqueue_dma source(%dma_start3A_33 : memref<32xi32, #tpu.memory_space<hbm>>) target(%arg8 : memref<32xi32, #tpu.memory_space<vmem>>) target_semaphore(%run_scoped3A : memref<!tpu.dma_semaphore, #tpu.memory_space<semaphore_mem>>)
        %dma_wait3A_34 = tpu.memref_slice %arg3[%add3A_13] : memref<8192xi32, #tpu.memory_space<hbm>> -> memref<32xi32, #tpu.memory_space<hbm>>
        %dma_wait3A_35 = tpu.memref_slice %arg3[%add3A_13] : memref<8192xi32, #tpu.memory_space<hbm>> -> memref<32xi32, #tpu.memory_space<hbm>>
        tpu.wait_dma2 semaphore(%run_scoped3A : memref<!tpu.dma_semaphore, #tpu.memory_space<semaphore_mem>>) src(%dma_wait3A_35 : memref<32xi32, #tpu.memory_space<hbm>>) dst(%arg8 : memref<32xi32, #tpu.memory_space<vmem>>)
        tpu.yield
      }) : () -> ()
      "tpu.region"() ({
        %run_scoped3A = tpu.sem_alloc : memref<!tpu.dma_semaphore, #tpu.memory_space<semaphore_mem>>
        %dma_start3A_32 = tpu.memref_slice %arg4[%add3A_13] : memref<8192xi32, #tpu.memory_space<hbm>> -> memref<32xi32, #tpu.memory_space<hbm>>
        %dma_start3A_33 = tpu.memref_slice %arg4[%add3A_13] : memref<8192xi32, #tpu.memory_space<hbm>> -> memref<32xi32, #tpu.memory_space<hbm>>
        tpu.enqueue_dma source(%dma_start3A_33 : memref<32xi32, #tpu.memory_space<hbm>>) target(%arg9 : memref<32xi32, #tpu.memory_space<vmem>>) target_semaphore(%run_scoped3A : memref<!tpu.dma_semaphore, #tpu.memory_space<semaphore_mem>>)
        %dma_wait3A_34 = tpu.memref_slice %arg4[%add3A_13] : memref<8192xi32, #tpu.memory_space<hbm>> -> memref<32xi32, #tpu.memory_space<hbm>>
        %dma_wait3A_35 = tpu.memref_slice %arg4[%add3A_13] : memref<8192xi32, #tpu.memory_space<hbm>> -> memref<32xi32, #tpu.memory_space<hbm>>
        tpu.wait_dma2 semaphore(%run_scoped3A : memref<!tpu.dma_semaphore, #tpu.memory_space<semaphore_mem>>) src(%dma_wait3A_35 : memref<32xi32, #tpu.memory_space<hbm>>) dst(%arg9 : memref<32xi32, #tpu.memory_space<vmem>>)
        tpu.yield
      }) : () -> ()
      "tpu.region"() ({
        %run_scoped3A = tpu.sem_alloc : memref<!tpu.dma_semaphore, #tpu.memory_space<semaphore_mem>>
        %dma_start3A_32 = tpu.memref_slice %arg5[%add3A_13] : memref<8192xf32, #tpu.memory_space<hbm>> -> memref<32xf32, #tpu.memory_space<hbm>>
        %dma_start3A_33 = tpu.memref_slice %arg5[%add3A_13] : memref<8192xf32, #tpu.memory_space<hbm>> -> memref<32xf32, #tpu.memory_space<hbm>>
        tpu.enqueue_dma source(%dma_start3A_33 : memref<32xf32, #tpu.memory_space<hbm>>) target(%arg10 : memref<32xf32, #tpu.memory_space<vmem>>) target_semaphore(%run_scoped3A : memref<!tpu.dma_semaphore, #tpu.memory_space<semaphore_mem>>)
        %dma_wait3A_34 = tpu.memref_slice %arg5[%add3A_13] : memref<8192xf32, #tpu.memory_space<hbm>> -> memref<32xf32, #tpu.memory_space<hbm>>
        %dma_wait3A_35 = tpu.memref_slice %arg5[%add3A_13] : memref<8192xf32, #tpu.memory_space<hbm>> -> memref<32xf32, #tpu.memory_space<hbm>>
        tpu.wait_dma2 semaphore(%run_scoped3A : memref<!tpu.dma_semaphore, #tpu.memory_space<semaphore_mem>>) src(%dma_wait3A_35 : memref<32xf32, #tpu.memory_space<hbm>>) dst(%arg10 : memref<32xf32, #tpu.memory_space<vmem>>)
        tpu.yield
      }) : () -> ()
      "tpu.region"() ({
        %run_scoped3A = tpu.sem_alloc : memref<!tpu.dma_semaphore, #tpu.memory_space<semaphore_mem>>
        %dma_start3A_32 = tpu.memref_slice %arg6[%add3A_13] : memref<8192xf32, #tpu.memory_space<hbm>> -> memref<32xf32, #tpu.memory_space<hbm>>
        %dma_start3A_33 = tpu.memref_slice %arg6[%add3A_13] : memref<8192xf32, #tpu.memory_space<hbm>> -> memref<32xf32, #tpu.memory_space<hbm>>
        tpu.enqueue_dma source(%dma_start3A_33 : memref<32xf32, #tpu.memory_space<hbm>>) target(%arg11 : memref<32xf32, #tpu.memory_space<vmem>>) target_semaphore(%run_scoped3A : memref<!tpu.dma_semaphore, #tpu.memory_space<semaphore_mem>>)
        %dma_wait3A_34 = tpu.memref_slice %arg6[%add3A_13] : memref<8192xf32, #tpu.memory_space<hbm>> -> memref<32xf32, #tpu.memory_space<hbm>>
        %dma_wait3A_35 = tpu.memref_slice %arg6[%add3A_13] : memref<8192xf32, #tpu.memory_space<hbm>> -> memref<32xf32, #tpu.memory_space<hbm>>
        tpu.wait_dma2 semaphore(%run_scoped3A : memref<!tpu.dma_semaphore, #tpu.memory_space<semaphore_mem>>) src(%dma_wait3A_35 : memref<32xf32, #tpu.memory_space<hbm>>) dst(%arg11 : memref<32xf32, #tpu.memory_space<vmem>>)
        tpu.yield
      }) : () -> ()
      %dma_start3A = arith.constant 0 : i32
      %dma_start3A_14 = arith.constant 0 : i32
      %dma_start3A_15 = tpu.memref_slice %arg2[%dma_start3A, %dma_start3A_14] : memref<20480x512xf32, #tpu.memory_space<hbm>> -> memref<20480x512xf32, #tpu.memory_space<hbm>>
      tpu.enqueue_indirect_dma source(%dma_start3A_15 : memref<20480x512xf32, #tpu.memory_space<hbm>>) target(%arg12 : memref<32x512xf32, #tpu.memory_space<vmem>>) offsets(%arg8 : memref<32xi32, #tpu.memory_space<vmem>>) semaphore(%arg15 : memref<!tpu.dma_semaphore, #tpu.memory_space<semaphore_mem>>)
      %dma_start3A_16 = arith.constant 0 : i32
      %dma_start3A_17 = arith.constant 0 : i32
      %dma_start3A_18 = tpu.memref_slice %arg2[%dma_start3A_16, %dma_start3A_17] : memref<20480x512xf32, #tpu.memory_space<hbm>> -> memref<20480x512xf32, #tpu.memory_space<hbm>>
      tpu.enqueue_indirect_dma source(%dma_start3A_18 : memref<20480x512xf32, #tpu.memory_space<hbm>>) target(%arg13 : memref<32x512xf32, #tpu.memory_space<vmem>>) offsets(%arg9 : memref<32xi32, #tpu.memory_space<vmem>>) semaphore(%arg16 : memref<!tpu.dma_semaphore, #tpu.memory_space<semaphore_mem>>)
      %dma_wait3A = arith.constant 0 : i32
      %dma_wait3A_19 = arith.constant 0 : i32
      %dma_wait3A_20 = tpu.memref_slice %arg2[%dma_wait3A, %dma_wait3A_19] : memref<20480x512xf32, #tpu.memory_space<hbm>> -> memref<20480x512xf32, #tpu.memory_space<hbm>>
      tpu.wait_indirect_dma semaphore(%arg15 : memref<!tpu.dma_semaphore, #tpu.memory_space<semaphore_mem>>) src(%dma_wait3A_20 : memref<20480x512xf32, #tpu.memory_space<hbm>>) dst(%arg12 : memref<32x512xf32, #tpu.memory_space<vmem>>)
      %dma_wait3A_21 = arith.constant 0 : i32
      %dma_wait3A_22 = arith.constant 0 : i32
      %dma_wait3A_23 = tpu.memref_slice %arg2[%dma_wait3A_21, %dma_wait3A_22] : memref<20480x512xf32, #tpu.memory_space<hbm>> -> memref<20480x512xf32, #tpu.memory_space<hbm>>
      tpu.wait_indirect_dma semaphore(%arg16 : memref<!tpu.dma_semaphore, #tpu.memory_space<semaphore_mem>>) src(%dma_wait3A_23 : memref<20480x512xf32, #tpu.memory_space<hbm>>) dst(%arg13 : memref<32x512xf32, #tpu.memory_space<vmem>>)
      %iota3A = tpu.iota {dimensions = array<i32: 0>} : vector<16xi32>
      %scan3A_24 = arith.constant 0 : i32
      %scan3A_25 = arith.constant 0 : i32
      %scan3A_26 = arith.constant 32 : i32
      %scan3A_27 = arith.addi %scan3A_25, %scan3A_26 : i32
      %scan3A_28 = arith.constant 1 : i32
      %scan3A_29 = scf.for %scan3A_32 = %scan3A_25 to %scan3A_27 step %scan3A_28 iter_args(%scan3A_33 = %scan3A_24) -> (i32)  : i32 {
        %broadcast_in_dim3A = vector.broadcast %scan3A_32 : i32 to vector<16xi32>
        %gather3A = tpu.vector_load_idx %arg10[%broadcast_in_dim3A] : memref<32xf32, #tpu.memory_space<vmem>>[vector<16xi32>], vector<16xf32>,
        %gather3A_34 = tpu.vector_load_idx %arg11[%broadcast_in_dim3A] : memref<32xf32, #tpu.memory_space<vmem>>[vector<16xi32>], vector<16xf32>,
        %get3A = arith.index_cast %scan3A_32 : i32 to index
        %get3A_35 = arith.constant 0 : index
        %get3A_36 = tpu.vector_load %arg12[%get3A, %get3A_35] {strides = array<i32>} : memref<32x512xf32, #tpu.memory_space<vmem>>, vector<16xf32>,
        %bitcast3A = vector.bitcast %get3A_36 : vector<16xf32> to vector<32xbf16>
        %get3A_37 = arith.index_cast %scan3A_32 : i32 to index
        %get3A_38 = arith.constant 0 : index
        %get3A_39 = tpu.vector_load %arg13[%get3A_37, %get3A_38] {strides = array<i32>} : memref<32x512xf32, #tpu.memory_space<vmem>>, vector<16xf32>,
        %bitcast3A_40 = vector.bitcast %get3A_39 : vector<16xf32> to vector<32xbf16>
        %unpack3A = tpu.unpack_subelements %bitcast3A, 0 {pack_format = #tpu.pack_format<interleaved>} : vector<32xbf16> -> vector<16xf32>
        %unpack3A_41 = tpu.unpack_subelements %bitcast3A, 1 {pack_format = #tpu.pack_format<interleaved>} : vector<32xbf16> -> vector<16xf32>
        %unpack3A_42 = tpu.unpack_subelements %bitcast3A_40, 0 {pack_format = #tpu.pack_format<interleaved>} : vector<32xbf16> -> vector<16xf32>
        %unpack3A_43 = tpu.unpack_subelements %bitcast3A_40, 1 {pack_format = #tpu.pack_format<interleaved>} : vector<32xbf16> -> vector<16xf32>
        %mul3A_44 = arith.constant 2 : i32
        %mul3A_45 = vector.broadcast %mul3A_44 : i32 to vector<16xi32>
        %mul3A_46 = arith.muli %iota3A, %mul3A_45 : vector<16xi32>
        %add3A_47 = arith.constant 0 : i32
        %add3A_48 = vector.broadcast %add3A_47 : i32 to vector<16xi32>
        %add3A_49 = arith.addi %add3A_48, %mul3A_46 : vector<16xi32>
        %mul3A_50 = arith.mulf %unpack3A, %gather3A : vector<16xf32>
        %mul3A_51 = arith.mulf %unpack3A_42, %gather3A_34 : vector<16xf32>
        %add3A_52 = arith.addf %mul3A_50, %mul3A_51 : vector<16xf32>
        tpu.vector_store_idx %arg14[%broadcast_in_dim3A, %add3A_49], %add3A_52 : memref<32x1024xf32, #tpu.memory_space<vmem>>[vector<16xi32>, vector<16xi32>], vector<16xf32>,
        %add3A_53 = arith.constant 1 : i32
        %add3A_54 = vector.broadcast %add3A_53 : i32 to vector<16xi32>
        %add3A_55 = arith.addi %add3A_49, %add3A_54 : vector<16xi32>
        %mul3A_56 = arith.mulf %unpack3A_41, %gather3A : vector<16xf32>
        %mul3A_57 = arith.mulf %unpack3A_43, %gather3A_34 : vector<16xf32>
        %add3A_58 = arith.addf %mul3A_56, %mul3A_57 : vector<16xf32>
        tpu.vector_store_idx %arg14[%broadcast_in_dim3A, %add3A_55], %add3A_58 : memref<32x1024xf32, #tpu.memory_space<vmem>>[vector<16xi32>, vector<16xi32>], vector<16xf32>,
        %get3A_59 = arith.index_cast %scan3A_32 : i32 to index
        %get3A_60 = arith.constant 16 : index
        %get3A_61 = tpu.vector_load %arg12[%get3A_59, %get3A_60] {strides = array<i32>} : memref<32x512xf32, #tpu.memory_space<vmem>>, vector<16xf32>,
        %bitcast3A_62 = vector.bitcast %get3A_61 : vector<16xf32> to vector<32xbf16>
        %get3A_63 = arith.index_cast %scan3A_32 : i32 to index
        %get3A_64 = arith.constant 16 : index
        %get3A_65 = tpu.vector_load %arg13[%get3A_63, %get3A_64] {strides = array<i32>} : memref<32x512xf32, #tpu.memory_space<vmem>>, vector<16xf32>,
        %bitcast3A_66 = vector.bitcast %get3A_65 : vector<16xf32> to vector<32xbf16>
        %unpack3A_67 = tpu.unpack_subelements %bitcast3A_62, 0 {pack_format = #tpu.pack_format<interleaved>} : vector<32xbf16> -> vector<16xf32>
        %unpack3A_68 = tpu.unpack_subelements %bitcast3A_62, 1 {pack_format = #tpu.pack_format<interleaved>} : vector<32xbf16> -> vector<16xf32>
        %unpack3A_69 = tpu.unpack_subelements %bitcast3A_66, 0 {pack_format = #tpu.pack_format<interleaved>} : vector<32xbf16> -> vector<16xf32>
        %unpack3A_70 = tpu.unpack_subelements %bitcast3A_66, 1 {pack_format = #tpu.pack_format<interleaved>} : vector<32xbf16> -> vector<16xf32>
        %mul3A_71 = arith.constant 2 : i32
        %mul3A_72 = vector.broadcast %mul3A_71 : i32 to vector<16xi32>
        %mul3A_73 = arith.muli %iota3A, %mul3A_72 : vector<16xi32>
        %add3A_74 = arith.constant 32 : i32
        %add3A_75 = vector.broadcast %add3A_74 : i32 to vector<16xi32>
        %add3A_76 = arith.addi %add3A_75, %mul3A_73 : vector<16xi32>
        %mul3A_77 = arith.mulf %unpack3A_67, %gather3A : vector<16xf32>
        %mul3A_78 = arith.mulf %unpack3A_69, %gather3A_34 : vector<16xf32>
        %add3A_79 = arith.addf %mul3A_77, %mul3A_78 : vector<16xf32>
        tpu.vector_store_idx %arg14[%broadcast_in_dim3A, %add3A_76], %add3A_79 : memref<32x1024xf32, #tpu.memory_space<vmem>>[vector<16xi32>, vector<16xi32>], vector<16xf32>,
        %add3A_80 = arith.constant 1 : i32
        %add3A_81 = vector.broadcast %add3A_80 : i32 to vector<16xi32>
        %add3A_82 = arith.addi %add3A_76, %add3A_81 : vector<16xi32>
        %mul3A_83 = arith.mulf %unpack3A_68, %gather3A : vector<16xf32>
        %mul3A_84 = arith.mulf %unpack3A_70, %gather3A_34 : vector<16xf32>
        %add3A_85 = arith.addf %mul3A_83, %mul3A_84 : vector<16xf32>
        tpu.vector_store_idx %arg14[%broadcast_in_dim3A, %add3A_82], %add3A_85 : memref<32x1024xf32, #tpu.memory_space<vmem>>[vector<16xi32>, vector<16xi32>], vector<16xf32>,
        %get3A_86 = arith.index_cast %scan3A_32 : i32 to index
        %get3A_87 = arith.constant 32 : index
        %get3A_88 = tpu.vector_load %arg12[%get3A_86, %get3A_87] {strides = array<i32>} : memref<32x512xf32, #tpu.memory_space<vmem>>, vector<16xf32>,
        %bitcast3A_89 = vector.bitcast %get3A_88 : vector<16xf32> to vector<32xbf16>
        %get3A_90 = arith.index_cast %scan3A_32 : i32 to index
        %get3A_91 = arith.constant 32 : index
        %get3A_92 = tpu.vector_load %arg13[%get3A_90, %get3A_91] {strides = array<i32>} : memref<32x512xf32, #tpu.memory_space<vmem>>, vector<16xf32>,
        %bitcast3A_93 = vector.bitcast %get3A_92 : vector<16xf32> to vector<32xbf16>
        %unpack3A_94 = tpu.unpack_subelements %bitcast3A_89, 0 {pack_format = #tpu.pack_format<interleaved>} : vector<32xbf16> -> vector<16xf32>
        %unpack3A_95 = tpu.unpack_subelements %bitcast3A_89, 1 {pack_format = #tpu.pack_format<interleaved>} : vector<32xbf16> -> vector<16xf32>
        %unpack3A_96 = tpu.unpack_subelements %bitcast3A_93, 0 {pack_format = #tpu.pack_format<interleaved>} : vector<32xbf16> -> vector<16xf32>
        %unpack3A_97 = tpu.unpack_subelements %bitcast3A_93, 1 {pack_format = #tpu.pack_format<interleaved>} : vector<32xbf16> -> vector<16xf32>
        %mul3A_98 = arith.constant 2 : i32
        %mul3A_99 = vector.broadcast %mul3A_98 : i32 to vector<16xi32>
        %mul3A_100 = arith.muli %iota3A, %mul3A_99 : vector<16xi32>
        %add3A_101 = arith.constant 64 : i32
        %add3A_102 = vector.broadcast %add3A_101 : i32 to vector<16xi32>
        %add3A_103 = arith.addi %add3A_102, %mul3A_100 : vector<16xi32>
        %mul3A_104 = arith.mulf %unpack3A_94, %gather3A : vector<16xf32>
        %mul3A_105 = arith.mulf %unpack3A_96, %gather3A_34 : vector<16xf32>
        %add3A_106 = arith.addf %mul3A_104, %mul3A_105 : vector<16xf32>
        tpu.vector_store_idx %arg14[%broadcast_in_dim3A, %add3A_103], %add3A_106 : memref<32x1024xf32, #tpu.memory_space<vmem>>[vector<16xi32>, vector<16xi32>], vector<16xf32>,
        %add3A_107 = arith.constant 1 : i32
        %add3A_108 = vector.broadcast %add3A_107 : i32 to vector<16xi32>
        %add3A_109 = arith.addi %add3A_103, %add3A_108 : vector<16xi32>
        %mul3A_110 = arith.mulf %unpack3A_95, %gather3A : vector<16xf32>
        %mul3A_111 = arith.mulf %unpack3A_97, %gather3A_34 : vector<16xf32>
        %add3A_112 = arith.addf %mul3A_110, %mul3A_111 : vector<16xf32>
        tpu.vector_store_idx %arg14[%broadcast_in_dim3A, %add3A_109], %add3A_112 : memref<32x1024xf32, #tpu.memory_space<vmem>>[vector<16xi32>, vector<16xi32>], vector<16xf32>,
        %get3A_113 = arith.index_cast %scan3A_32 : i32 to index
        %get3A_114 = arith.constant 48 : index
        %get3A_115 = tpu.vector_load %arg12[%get3A_113, %get3A_114] {strides = array<i32>} : memref<32x512xf32, #tpu.memory_space<vmem>>, vector<16xf32>,
        %bitcast3A_116 = vector.bitcast %get3A_115 : vector<16xf32> to vector<32xbf16>
        %get3A_117 = arith.index_cast %scan3A_32 : i32 to index
        %get3A_118 = arith.constant 48 : index
        %get3A_119 = tpu.vector_load %arg13[%get3A_117, %get3A_118] {strides = array<i32>} : memref<32x512xf32, #tpu.memory_space<vmem>>, vector<16xf32>,
        %bitcast3A_120 = vector.bitcast %get3A_119 : vector<16xf32> to vector<32xbf16>
        %unpack3A_121 = tpu.unpack_subelements %bitcast3A_116, 0 {pack_format = #tpu.pack_format<interleaved>} : vector<32xbf16> -> vector<16xf32>
        %unpack3A_122 = tpu.unpack_subelements %bitcast3A_116, 1 {pack_format = #tpu.pack_format<interleaved>} : vector<32xbf16> -> vector<16xf32>
        %unpack3A_123 = tpu.unpack_subelements %bitcast3A_120, 0 {pack_format = #tpu.pack_format<interleaved>} : vector<32xbf16> -> vector<16xf32>
        %unpack3A_124 = tpu.unpack_subelements %bitcast3A_120, 1 {pack_format = #tpu.pack_format<interleaved>} : vector<32xbf16> -> vector<16xf32>
        %mul3A_125 = arith.constant 2 : i32
        %mul3A_126 = vector.broadcast %mul3A_125 : i32 to vector<16xi32>
        %mul3A_127 = arith.muli %iota3A, %mul3A_126 : vector<16xi32>
        %add3A_128 = arith.constant 96 : i32
        %add3A_129 = vector.broadcast %add3A_128 : i32 to vector<16xi32>
        %add3A_130 = arith.addi %add3A_129, %mul3A_127 : vector<16xi32>
        %mul3A_131 = arith.mulf %unpack3A_121, %gather3A : vector<16xf32>
        %mul3A_132 = arith.mulf %unpack3A_123, %gather3A_34 : vector<16xf32>
        %add3A_133 = arith.addf %mul3A_131, %mul3A_132 : vector<16xf32>
        tpu.vector_store_idx %arg14[%broadcast_in_dim3A, %add3A_130], %add3A_133 : memref<32x1024xf32, #tpu.memory_space<vmem>>[vector<16xi32>, vector<16xi32>], vector<16xf32>,
        %add3A_134 = arith.constant 1 : i32
        %add3A_135 = vector.broadcast %add3A_134 : i32 to vector<16xi32>
        %add3A_136 = arith.addi %add3A_130, %add3A_135 : vector<16xi32>
        %mul3A_137 = arith.mulf %unpack3A_122, %gather3A : vector<16xf32>
        %mul3A_138 = arith.mulf %unpack3A_124, %gather3A_34 : vector<16xf32>
        %add3A_139 = arith.addf %mul3A_137, %mul3A_138 : vector<16xf32>
        tpu.vector_store_idx %arg14[%broadcast_in_dim3A, %add3A_136], %add3A_139 : memref<32x1024xf32, #tpu.memory_space<vmem>>[vector<16xi32>, vector<16xi32>], vector<16xf32>,
        %get3A_140 = arith.index_cast %scan3A_32 : i32 to index
        %get3A_141 = arith.constant 64 : index
        %get3A_142 = tpu.vector_load %arg12[%get3A_140, %get3A_141] {strides = array<i32>} : memref<32x512xf32, #tpu.memory_space<vmem>>, vector<16xf32>,
        %bitcast3A_143 = vector.bitcast %get3A_142 : vector<16xf32> to vector<32xbf16>
        %get3A_144 = arith.index_cast %scan3A_32 : i32 to index
        %get3A_145 = arith.constant 64 : index
        %get3A_146 = tpu.vector_load %arg13[%get3A_144, %get3A_145] {strides = array<i32>} : memref<32x512xf32, #tpu.memory_space<vmem>>, vector<16xf32>,
        %bitcast3A_147 = vector.bitcast %get3A_146 : vector<16xf32> to vector<32xbf16>
        %unpack3A_148 = tpu.unpack_subelements %bitcast3A_143, 0 {pack_format = #tpu.pack_format<interleaved>} : vector<32xbf16> -> vector<16xf32>
        %unpack3A_149 = tpu.unpack_subelements %bitcast3A_143, 1 {pack_format = #tpu.pack_format<interleaved>} : vector<32xbf16> -> vector<16xf32>
        %unpack3A_150 = tpu.unpack_subelements %bitcast3A_147, 0 {pack_format = #tpu.pack_format<interleaved>} : vector<32xbf16> -> vector<16xf32>
        %unpack3A_151 = tpu.unpack_subelements %bitcast3A_147, 1 {pack_format = #tpu.pack_format<interleaved>} : vector<32xbf16> -> vector<16xf32>
        %mul3A_152 = arith.constant 2 : i32
        %mul3A_153 = vector.broadcast %mul3A_152 : i32 to vector<16xi32>
        %mul3A_154 = arith.muli %iota3A, %mul3A_153 : vector<16xi32>
        %add3A_155 = arith.constant 128 : i32
        %add3A_156 = vector.broadcast %add3A_155 : i32 to vector<16xi32>
        %add3A_157 = arith.addi %add3A_156, %mul3A_154 : vector<16xi32>
        %mul3A_158 = arith.mulf %unpack3A_148, %gather3A : vector<16xf32>
        %mul3A_159 = arith.mulf %unpack3A_150, %gather3A_34 : vector<16xf32>
        %add3A_160 = arith.addf %mul3A_158, %mul3A_159 : vector<16xf32>
        tpu.vector_store_idx %arg14[%broadcast_in_dim3A, %add3A_157], %add3A_160 : memref<32x1024xf32, #tpu.memory_space<vmem>>[vector<16xi32>, vector<16xi32>], vector<16xf32>,
        %add3A_161 = arith.constant 1 : i32
        %add3A_162 = vector.broadcast %add3A_161 : i32 to vector<16xi32>
        %add3A_163 = arith.addi %add3A_157, %add3A_162 : vector<16xi32>
        %mul3A_164 = arith.mulf %unpack3A_149, %gather3A : vector<16xf32>
        %mul3A_165 = arith.mulf %unpack3A_151, %gather3A_34 : vector<16xf32>
        %add3A_166 = arith.addf %mul3A_164, %mul3A_165 : vector<16xf32>
        tpu.vector_store_idx %arg14[%broadcast_in_dim3A, %add3A_163], %add3A_166 : memref<32x1024xf32, #tpu.memory_space<vmem>>[vector<16xi32>, vector<16xi32>], vector<16xf32>,
        %get3A_167 = arith.index_cast %scan3A_32 : i32 to index
        %get3A_168 = arith.constant 80 : index
        %get3A_169 = tpu.vector_load %arg12[%get3A_167, %get3A_168] {strides = array<i32>} : memref<32x512xf32, #tpu.memory_space<vmem>>, vector<16xf32>,
        %bitcast3A_170 = vector.bitcast %get3A_169 : vector<16xf32> to vector<32xbf16>
        %get3A_171 = arith.index_cast %scan3A_32 : i32 to index
        %get3A_172 = arith.constant 80 : index
        %get3A_173 = tpu.vector_load %arg13[%get3A_171, %get3A_172] {strides = array<i32>} : memref<32x512xf32, #tpu.memory_space<vmem>>, vector<16xf32>,
        %bitcast3A_174 = vector.bitcast %get3A_173 : vector<16xf32> to vector<32xbf16>
        %unpack3A_175 = tpu.unpack_subelements %bitcast3A_170, 0 {pack_format = #tpu.pack_format<interleaved>} : vector<32xbf16> -> vector<16xf32>
        %unpack3A_176 = tpu.unpack_subelements %bitcast3A_170, 1 {pack_format = #tpu.pack_format<interleaved>} : vector<32xbf16> -> vector<16xf32>
        %unpack3A_177 = tpu.unpack_subelements %bitcast3A_174, 0 {pack_format = #tpu.pack_format<interleaved>} : vector<32xbf16> -> vector<16xf32>
        %unpack3A_178 = tpu.unpack_subelements %bitcast3A_174, 1 {pack_format = #tpu.pack_format<interleaved>} : vector<32xbf16> -> vector<16xf32>
        %mul3A_179 = arith.constant 2 : i32
        %mul3A_180 = vector.broadcast %mul3A_179 : i32 to vector<16xi32>
        %mul3A_181 = arith.muli %iota3A, %mul3A_180 : vector<16xi32>
        %add3A_182 = arith.constant 160 : i32
        %add3A_183 = vector.broadcast %add3A_182 : i32 to vector<16xi32>
        %add3A_184 = arith.addi %add3A_183, %mul3A_181 : vector<16xi32>
        %mul3A_185 = arith.mulf %unpack3A_175, %gather3A : vector<16xf32>
        %mul3A_186 = arith.mulf %unpack3A_177, %gather3A_34 : vector<16xf32>
        %add3A_187 = arith.addf %mul3A_185, %mul3A_186 : vector<16xf32>
        tpu.vector_store_idx %arg14[%broadcast_in_dim3A, %add3A_184], %add3A_187 : memref<32x1024xf32, #tpu.memory_space<vmem>>[vector<16xi32>, vector<16xi32>], vector<16xf32>,
        %add3A_188 = arith.constant 1 : i32
        %add3A_189 = vector.broadcast %add3A_188 : i32 to vector<16xi32>
        %add3A_190 = arith.addi %add3A_184, %add3A_189 : vector<16xi32>
        %mul3A_191 = arith.mulf %unpack3A_176, %gather3A : vector<16xf32>
        %mul3A_192 = arith.mulf %unpack3A_178, %gather3A_34 : vector<16xf32>
        %add3A_193 = arith.addf %mul3A_191, %mul3A_192 : vector<16xf32>
        tpu.vector_store_idx %arg14[%broadcast_in_dim3A, %add3A_190], %add3A_193 : memref<32x1024xf32, #tpu.memory_space<vmem>>[vector<16xi32>, vector<16xi32>], vector<16xf32>,
        %get3A_194 = arith.index_cast %scan3A_32 : i32 to index
        %get3A_195 = arith.constant 96 : index
        %get3A_196 = tpu.vector_load %arg12[%get3A_194, %get3A_195] {strides = array<i32>} : memref<32x512xf32, #tpu.memory_space<vmem>>, vector<16xf32>,
        %bitcast3A_197 = vector.bitcast %get3A_196 : vector<16xf32> to vector<32xbf16>
        %get3A_198 = arith.index_cast %scan3A_32 : i32 to index
        %get3A_199 = arith.constant 96 : index
        %get3A_200 = tpu.vector_load %arg13[%get3A_198, %get3A_199] {strides = array<i32>} : memref<32x512xf32, #tpu.memory_space<vmem>>, vector<16xf32>,
        %bitcast3A_201 = vector.bitcast %get3A_200 : vector<16xf32> to vector<32xbf16>
        %unpack3A_202 = tpu.unpack_subelements %bitcast3A_197, 0 {pack_format = #tpu.pack_format<interleaved>} : vector<32xbf16> -> vector<16xf32>
        %unpack3A_203 = tpu.unpack_subelements %bitcast3A_197, 1 {pack_format = #tpu.pack_format<interleaved>} : vector<32xbf16> -> vector<16xf32>
        %unpack3A_204 = tpu.unpack_subelements %bitcast3A_201, 0 {pack_format = #tpu.pack_format<interleaved>} : vector<32xbf16> -> vector<16xf32>
        %unpack3A_205 = tpu.unpack_subelements %bitcast3A_201, 1 {pack_format = #tpu.pack_format<interleaved>} : vector<32xbf16> -> vector<16xf32>
        %mul3A_206 = arith.constant 2 : i32
        %mul3A_207 = vector.broadcast %mul3A_206 : i32 to vector<16xi32>
        %mul3A_208 = arith.muli %iota3A, %mul3A_207 : vector<16xi32>
        %add3A_209 = arith.constant 192 : i32
        %add3A_210 = vector.broadcast %add3A_209 : i32 to vector<16xi32>
        %add3A_211 = arith.addi %add3A_210, %mul3A_208 : vector<16xi32>
        %mul3A_212 = arith.mulf %unpack3A_202, %gather3A : vector<16xf32>
        %mul3A_213 = arith.mulf %unpack3A_204, %gather3A_34 : vector<16xf32>
        %add3A_214 = arith.addf %mul3A_212, %mul3A_213 : vector<16xf32>
        tpu.vector_store_idx %arg14[%broadcast_in_dim3A, %add3A_211], %add3A_214 : memref<32x1024xf32, #tpu.memory_space<vmem>>[vector<16xi32>, vector<16xi32>], vector<16xf32>,
        %add3A_215 = arith.constant 1 : i32
        %add3A_216 = vector.broadcast %add3A_215 : i32 to vector<16xi32>
        %add3A_217 = arith.addi %add3A_211, %add3A_216 : vector<16xi32>
        %mul3A_218 = arith.mulf %unpack3A_203, %gather3A : vector<16xf32>
        %mul3A_219 = arith.mulf %unpack3A_205, %gather3A_34 : vector<16xf32>
        %add3A_220 = arith.addf %mul3A_218, %mul3A_219 : vector<16xf32>
        tpu.vector_store_idx %arg14[%broadcast_in_dim3A, %add3A_217], %add3A_220 : memref<32x1024xf32, #tpu.memory_space<vmem>>[vector<16xi32>, vector<16xi32>], vector<16xf32>,
        %get3A_221 = arith.index_cast %scan3A_32 : i32 to index
        %get3A_222 = arith.constant 112 : index
        %get3A_223 = tpu.vector_load %arg12[%get3A_221, %get3A_222] {strides = array<i32>} : memref<32x512xf32, #tpu.memory_space<vmem>>, vector<16xf32>,
        %bitcast3A_224 = vector.bitcast %get3A_223 : vector<16xf32> to vector<32xbf16>
        %get3A_225 = arith.index_cast %scan3A_32 : i32 to index
        %get3A_226 = arith.constant 112 : index
        %get3A_227 = tpu.vector_load %arg13[%get3A_225, %get3A_226] {strides = array<i32>} : memref<32x512xf32, #tpu.memory_space<vmem>>, vector<16xf32>,
        %bitcast3A_228 = vector.bitcast %get3A_227 : vector<16xf32> to vector<32xbf16>
        %unpack3A_229 = tpu.unpack_subelements %bitcast3A_224, 0 {pack_format = #tpu.pack_format<interleaved>} : vector<32xbf16> -> vector<16xf32>
        %unpack3A_230 = tpu.unpack_subelements %bitcast3A_224, 1 {pack_format = #tpu.pack_format<interleaved>} : vector<32xbf16> -> vector<16xf32>
        %unpack3A_231 = tpu.unpack_subelements %bitcast3A_228, 0 {pack_format = #tpu.pack_format<interleaved>} : vector<32xbf16> -> vector<16xf32>
        %unpack3A_232 = tpu.unpack_subelements %bitcast3A_228, 1 {pack_format = #tpu.pack_format<interleaved>} : vector<32xbf16> -> vector<16xf32>
        %mul3A_233 = arith.constant 2 : i32
        %mul3A_234 = vector.broadcast %mul3A_233 : i32 to vector<16xi32>
        %mul3A_235 = arith.muli %iota3A, %mul3A_234 : vector<16xi32>
        %add3A_236 = arith.constant 224 : i32
        %add3A_237 = vector.broadcast %add3A_236 : i32 to vector<16xi32>
        %add3A_238 = arith.addi %add3A_237, %mul3A_235 : vector<16xi32>
        %mul3A_239 = arith.mulf %unpack3A_229, %gather3A : vector<16xf32>
        %mul3A_240 = arith.mulf %unpack3A_231, %gather3A_34 : vector<16xf32>
        %add3A_241 = arith.addf %mul3A_239, %mul3A_240 : vector<16xf32>
        tpu.vector_store_idx %arg14[%broadcast_in_dim3A, %add3A_238], %add3A_241 : memref<32x1024xf32, #tpu.memory_space<vmem>>[vector<16xi32>, vector<16xi32>], vector<16xf32>,
        %add3A_242 = arith.constant 1 : i32
        %add3A_243 = vector.broadcast %add3A_242 : i32 to vector<16xi32>
        %add3A_244 = arith.addi %add3A_238, %add3A_243 : vector<16xi32>
        %mul3A_245 = arith.mulf %unpack3A_230, %gather3A : vector<16xf32>
        %mul3A_246 = arith.mulf %unpack3A_232, %gather3A_34 : vector<16xf32>
        %add3A_247 = arith.addf %mul3A_245, %mul3A_246 : vector<16xf32>
        tpu.vector_store_idx %arg14[%broadcast_in_dim3A, %add3A_244], %add3A_247 : memref<32x1024xf32, #tpu.memory_space<vmem>>[vector<16xi32>, vector<16xi32>], vector<16xf32>,
        %get3A_248 = arith.index_cast %scan3A_32 : i32 to index
        %get3A_249 = arith.constant 128 : index
        %get3A_250 = tpu.vector_load %arg12[%get3A_248, %get3A_249] {strides = array<i32>} : memref<32x512xf32, #tpu.memory_space<vmem>>, vector<16xf32>,
        %bitcast3A_251 = vector.bitcast %get3A_250 : vector<16xf32> to vector<32xbf16>
        %get3A_252 = arith.index_cast %scan3A_32 : i32 to index
        %get3A_253 = arith.constant 128 : index
        %get3A_254 = tpu.vector_load %arg13[%get3A_252, %get3A_253] {strides = array<i32>} : memref<32x512xf32, #tpu.memory_space<vmem>>, vector<16xf32>,
        %bitcast3A_255 = vector.bitcast %get3A_254 : vector<16xf32> to vector<32xbf16>
        %unpack3A_256 = tpu.unpack_subelements %bitcast3A_251, 0 {pack_format = #tpu.pack_format<interleaved>} : vector<32xbf16> -> vector<16xf32>
        %unpack3A_257 = tpu.unpack_subelements %bitcast3A_251, 1 {pack_format = #tpu.pack_format<interleaved>} : vector<32xbf16> -> vector<16xf32>
        %unpack3A_258 = tpu.unpack_subelements %bitcast3A_255, 0 {pack_format = #tpu.pack_format<interleaved>} : vector<32xbf16> -> vector<16xf32>
        %unpack3A_259 = tpu.unpack_subelements %bitcast3A_255, 1 {pack_format = #tpu.pack_format<interleaved>} : vector<32xbf16> -> vector<16xf32>
        %mul3A_260 = arith.constant 2 : i32
        %mul3A_261 = vector.broadcast %mul3A_260 : i32 to vector<16xi32>
        %mul3A_262 = arith.muli %iota3A, %mul3A_261 : vector<16xi32>
        %add3A_263 = arith.constant 256 : i32
        %add3A_264 = vector.broadcast %add3A_263 : i32 to vector<16xi32>
        %add3A_265 = arith.addi %add3A_264, %mul3A_262 : vector<16xi32>
        %mul3A_266 = arith.mulf %unpack3A_256, %gather3A : vector<16xf32>
        %mul3A_267 = arith.mulf %unpack3A_258, %gather3A_34 : vector<16xf32>
        %add3A_268 = arith.addf %mul3A_266, %mul3A_267 : vector<16xf32>
        tpu.vector_store_idx %arg14[%broadcast_in_dim3A, %add3A_265], %add3A_268 : memref<32x1024xf32, #tpu.memory_space<vmem>>[vector<16xi32>, vector<16xi32>], vector<16xf32>,
        %add3A_269 = arith.constant 1 : i32
        %add3A_270 = vector.broadcast %add3A_269 : i32 to vector<16xi32>
        %add3A_271 = arith.addi %add3A_265, %add3A_270 : vector<16xi32>
        %mul3A_272 = arith.mulf %unpack3A_257, %gather3A : vector<16xf32>
        %mul3A_273 = arith.mulf %unpack3A_259, %gather3A_34 : vector<16xf32>
        %add3A_274 = arith.addf %mul3A_272, %mul3A_273 : vector<16xf32>
        tpu.vector_store_idx %arg14[%broadcast_in_dim3A, %add3A_271], %add3A_274 : memref<32x1024xf32, #tpu.memory_space<vmem>>[vector<16xi32>, vector<16xi32>], vector<16xf32>,
        %get3A_275 = arith.index_cast %scan3A_32 : i32 to index
        %get3A_276 = arith.constant 144 : index
        %get3A_277 = tpu.vector_load %arg12[%get3A_275, %get3A_276] {strides = array<i32>} : memref<32x512xf32, #tpu.memory_space<vmem>>, vector<16xf32>,
        %bitcast3A_278 = vector.bitcast %get3A_277 : vector<16xf32> to vector<32xbf16>
        %get3A_279 = arith.index_cast %scan3A_32 : i32 to index
        %get3A_280 = arith.constant 144 : index
        %get3A_281 = tpu.vector_load %arg13[%get3A_279, %get3A_280] {strides = array<i32>} : memref<32x512xf32, #tpu.memory_space<vmem>>, vector<16xf32>,
        %bitcast3A_282 = vector.bitcast %get3A_281 : vector<16xf32> to vector<32xbf16>
        %unpack3A_283 = tpu.unpack_subelements %bitcast3A_278, 0 {pack_format = #tpu.pack_format<interleaved>} : vector<32xbf16> -> vector<16xf32>
        %unpack3A_284 = tpu.unpack_subelements %bitcast3A_278, 1 {pack_format = #tpu.pack_format<interleaved>} : vector<32xbf16> -> vector<16xf32>
        %unpack3A_285 = tpu.unpack_subelements %bitcast3A_282, 0 {pack_format = #tpu.pack_format<interleaved>} : vector<32xbf16> -> vector<16xf32>
        %unpack3A_286 = tpu.unpack_subelements %bitcast3A_282, 1 {pack_format = #tpu.pack_format<interleaved>} : vector<32xbf16> -> vector<16xf32>
        %mul3A_287 = arith.constant 2 : i32
        %mul3A_288 = vector.broadcast %mul3A_287 : i32 to vector<16xi32>
        %mul3A_289 = arith.muli %iota3A, %mul3A_288 : vector<16xi32>
        %add3A_290 = arith.constant 288 : i32
        %add3A_291 = vector.broadcast %add3A_290 : i32 to vector<16xi32>
        %add3A_292 = arith.addi %add3A_291, %mul3A_289 : vector<16xi32>
        %mul3A_293 = arith.mulf %unpack3A_283, %gather3A : vector<16xf32>
        %mul3A_294 = arith.mulf %unpack3A_285, %gather3A_34 : vector<16xf32>
        %add3A_295 = arith.addf %mul3A_293, %mul3A_294 : vector<16xf32>
        tpu.vector_store_idx %arg14[%broadcast_in_dim3A, %add3A_292], %add3A_295 : memref<32x1024xf32, #tpu.memory_space<vmem>>[vector<16xi32>, vector<16xi32>], vector<16xf32>,
        %add3A_296 = arith.constant 1 : i32
        %add3A_297 = vector.broadcast %add3A_296 : i32 to vector<16xi32>
        %add3A_298 = arith.addi %add3A_292, %add3A_297 : vector<16xi32>
        %mul3A_299 = arith.mulf %unpack3A_284, %gather3A : vector<16xf32>
        %mul3A_300 = arith.mulf %unpack3A_286, %gather3A_34 : vector<16xf32>
        %add3A_301 = arith.addf %mul3A_299, %mul3A_300 : vector<16xf32>
        tpu.vector_store_idx %arg14[%broadcast_in_dim3A, %add3A_298], %add3A_301 : memref<32x1024xf32, #tpu.memory_space<vmem>>[vector<16xi32>, vector<16xi32>], vector<16xf32>,
        %get3A_302 = arith.index_cast %scan3A_32 : i32 to index
        %get3A_303 = arith.constant 160 : index
        %get3A_304 = tpu.vector_load %arg12[%get3A_302, %get3A_303] {strides = array<i32>} : memref<32x512xf32, #tpu.memory_space<vmem>>, vector<16xf32>,
        %bitcast3A_305 = vector.bitcast %get3A_304 : vector<16xf32> to vector<32xbf16>
        %get3A_306 = arith.index_cast %scan3A_32 : i32 to index
        %get3A_307 = arith.constant 160 : index
        %get3A_308 = tpu.vector_load %arg13[%get3A_306, %get3A_307] {strides = array<i32>} : memref<32x512xf32, #tpu.memory_space<vmem>>, vector<16xf32>,
        %bitcast3A_309 = vector.bitcast %get3A_308 : vector<16xf32> to vector<32xbf16>
        %unpack3A_310 = tpu.unpack_subelements %bitcast3A_305, 0 {pack_format = #tpu.pack_format<interleaved>} : vector<32xbf16> -> vector<16xf32>
        %unpack3A_311 = tpu.unpack_subelements %bitcast3A_305, 1 {pack_format = #tpu.pack_format<interleaved>} : vector<32xbf16> -> vector<16xf32>
        %unpack3A_312 = tpu.unpack_subelements %bitcast3A_309, 0 {pack_format = #tpu.pack_format<interleaved>} : vector<32xbf16> -> vector<16xf32>
        %unpack3A_313 = tpu.unpack_subelements %bitcast3A_309, 1 {pack_format = #tpu.pack_format<interleaved>} : vector<32xbf16> -> vector<16xf32>
        %mul3A_314 = arith.constant 2 : i32
        %mul3A_315 = vector.broadcast %mul3A_314 : i32 to vector<16xi32>
        %mul3A_316 = arith.muli %iota3A, %mul3A_315 : vector<16xi32>
        %add3A_317 = arith.constant 320 : i32
        %add3A_318 = vector.broadcast %add3A_317 : i32 to vector<16xi32>
        %add3A_319 = arith.addi %add3A_318, %mul3A_316 : vector<16xi32>
        %mul3A_320 = arith.mulf %unpack3A_310, %gather3A : vector<16xf32>
        %mul3A_321 = arith.mulf %unpack3A_312, %gather3A_34 : vector<16xf32>
        %add3A_322 = arith.addf %mul3A_320, %mul3A_321 : vector<16xf32>
        tpu.vector_store_idx %arg14[%broadcast_in_dim3A, %add3A_319], %add3A_322 : memref<32x1024xf32, #tpu.memory_space<vmem>>[vector<16xi32>, vector<16xi32>], vector<16xf32>,
        %add3A_323 = arith.constant 1 : i32
        %add3A_324 = vector.broadcast %add3A_323 : i32 to vector<16xi32>
        %add3A_325 = arith.addi %add3A_319, %add3A_324 : vector<16xi32>
        %mul3A_326 = arith.mulf %unpack3A_311, %gather3A : vector<16xf32>
        %mul3A_327 = arith.mulf %unpack3A_313, %gather3A_34 : vector<16xf32>
        %add3A_328 = arith.addf %mul3A_326, %mul3A_327 : vector<16xf32>
        tpu.vector_store_idx %arg14[%broadcast_in_dim3A, %add3A_325], %add3A_328 : memref<32x1024xf32, #tpu.memory_space<vmem>>[vector<16xi32>, vector<16xi32>], vector<16xf32>,
        %get3A_329 = arith.index_cast %scan3A_32 : i32 to index
        %get3A_330 = arith.constant 176 : index
        %get3A_331 = tpu.vector_load %arg12[%get3A_329, %get3A_330] {strides = array<i32>} : memref<32x512xf32, #tpu.memory_space<vmem>>, vector<16xf32>,
        %bitcast3A_332 = vector.bitcast %get3A_331 : vector<16xf32> to vector<32xbf16>
        %get3A_333 = arith.index_cast %scan3A_32 : i32 to index
        %get3A_334 = arith.constant 176 : index
        %get3A_335 = tpu.vector_load %arg13[%get3A_333, %get3A_334] {strides = array<i32>} : memref<32x512xf32, #tpu.memory_space<vmem>>, vector<16xf32>,
        %bitcast3A_336 = vector.bitcast %get3A_335 : vector<16xf32> to vector<32xbf16>
        %unpack3A_337 = tpu.unpack_subelements %bitcast3A_332, 0 {pack_format = #tpu.pack_format<interleaved>} : vector<32xbf16> -> vector<16xf32>
        %unpack3A_338 = tpu.unpack_subelements %bitcast3A_332, 1 {pack_format = #tpu.pack_format<interleaved>} : vector<32xbf16> -> vector<16xf32>
        %unpack3A_339 = tpu.unpack_subelements %bitcast3A_336, 0 {pack_format = #tpu.pack_format<interleaved>} : vector<32xbf16> -> vector<16xf32>
        %unpack3A_340 = tpu.unpack_subelements %bitcast3A_336, 1 {pack_format = #tpu.pack_format<interleaved>} : vector<32xbf16> -> vector<16xf32>
        %mul3A_341 = arith.constant 2 : i32
        %mul3A_342 = vector.broadcast %mul3A_341 : i32 to vector<16xi32>
        %mul3A_343 = arith.muli %iota3A, %mul3A_342 : vector<16xi32>
        %add3A_344 = arith.constant 352 : i32
        %add3A_345 = vector.broadcast %add3A_344 : i32 to vector<16xi32>
        %add3A_346 = arith.addi %add3A_345, %mul3A_343 : vector<16xi32>
        %mul3A_347 = arith.mulf %unpack3A_337, %gather3A : vector<16xf32>
        %mul3A_348 = arith.mulf %unpack3A_339, %gather3A_34 : vector<16xf32>
        %add3A_349 = arith.addf %mul3A_347, %mul3A_348 : vector<16xf32>
        tpu.vector_store_idx %arg14[%broadcast_in_dim3A, %add3A_346], %add3A_349 : memref<32x1024xf32, #tpu.memory_space<vmem>>[vector<16xi32>, vector<16xi32>], vector<16xf32>,
        %add3A_350 = arith.constant 1 : i32
        %add3A_351 = vector.broadcast %add3A_350 : i32 to vector<16xi32>
        %add3A_352 = arith.addi %add3A_346, %add3A_351 : vector<16xi32>
        %mul3A_353 = arith.mulf %unpack3A_338, %gather3A : vector<16xf32>
        %mul3A_354 = arith.mulf %unpack3A_340, %gather3A_34 : vector<16xf32>
        %add3A_355 = arith.addf %mul3A_353, %mul3A_354 : vector<16xf32>
        tpu.vector_store_idx %arg14[%broadcast_in_dim3A, %add3A_352], %add3A_355 : memref<32x1024xf32, #tpu.memory_space<vmem>>[vector<16xi32>, vector<16xi32>], vector<16xf32>,
        %get3A_356 = arith.index_cast %scan3A_32 : i32 to index
        %get3A_357 = arith.constant 192 : index
        %get3A_358 = tpu.vector_load %arg12[%get3A_356, %get3A_357] {strides = array<i32>} : memref<32x512xf32, #tpu.memory_space<vmem>>, vector<16xf32>,
        %bitcast3A_359 = vector.bitcast %get3A_358 : vector<16xf32> to vector<32xbf16>
        %get3A_360 = arith.index_cast %scan3A_32 : i32 to index
        %get3A_361 = arith.constant 192 : index
        %get3A_362 = tpu.vector_load %arg13[%get3A_360, %get3A_361] {strides = array<i32>} : memref<32x512xf32, #tpu.memory_space<vmem>>, vector<16xf32>,
        %bitcast3A_363 = vector.bitcast %get3A_362 : vector<16xf32> to vector<32xbf16>
        %unpack3A_364 = tpu.unpack_subelements %bitcast3A_359, 0 {pack_format = #tpu.pack_format<interleaved>} : vector<32xbf16> -> vector<16xf32>
        %unpack3A_365 = tpu.unpack_subelements %bitcast3A_359, 1 {pack_format = #tpu.pack_format<interleaved>} : vector<32xbf16> -> vector<16xf32>
        %unpack3A_366 = tpu.unpack_subelements %bitcast3A_363, 0 {pack_format = #tpu.pack_format<interleaved>} : vector<32xbf16> -> vector<16xf32>
        %unpack3A_367 = tpu.unpack_subelements %bitcast3A_363, 1 {pack_format = #tpu.pack_format<interleaved>} : vector<32xbf16> -> vector<16xf32>
        %mul3A_368 = arith.constant 2 : i32
        %mul3A_369 = vector.broadcast %mul3A_368 : i32 to vector<16xi32>
        %mul3A_370 = arith.muli %iota3A, %mul3A_369 : vector<16xi32>
        %add3A_371 = arith.constant 384 : i32
        %add3A_372 = vector.broadcast %add3A_371 : i32 to vector<16xi32>
        %add3A_373 = arith.addi %add3A_372, %mul3A_370 : vector<16xi32>
        %mul3A_374 = arith.mulf %unpack3A_364, %gather3A : vector<16xf32>
        %mul3A_375 = arith.mulf %unpack3A_366, %gather3A_34 : vector<16xf32>
        %add3A_376 = arith.addf %mul3A_374, %mul3A_375 : vector<16xf32>
        tpu.vector_store_idx %arg14[%broadcast_in_dim3A, %add3A_373], %add3A_376 : memref<32x1024xf32, #tpu.memory_space<vmem>>[vector<16xi32>, vector<16xi32>], vector<16xf32>,
        %add3A_377 = arith.constant 1 : i32
        %add3A_378 = vector.broadcast %add3A_377 : i32 to vector<16xi32>
        %add3A_379 = arith.addi %add3A_373, %add3A_378 : vector<16xi32>
        %mul3A_380 = arith.mulf %unpack3A_365, %gather3A : vector<16xf32>
        %mul3A_381 = arith.mulf %unpack3A_367, %gather3A_34 : vector<16xf32>
        %add3A_382 = arith.addf %mul3A_380, %mul3A_381 : vector<16xf32>
        tpu.vector_store_idx %arg14[%broadcast_in_dim3A, %add3A_379], %add3A_382 : memref<32x1024xf32, #tpu.memory_space<vmem>>[vector<16xi32>, vector<16xi32>], vector<16xf32>,
        %get3A_383 = arith.index_cast %scan3A_32 : i32 to index
        %get3A_384 = arith.constant 208 : index
        %get3A_385 = tpu.vector_load %arg12[%get3A_383, %get3A_384] {strides = array<i32>} : memref<32x512xf32, #tpu.memory_space<vmem>>, vector<16xf32>,
        %bitcast3A_386 = vector.bitcast %get3A_385 : vector<16xf32> to vector<32xbf16>
        %get3A_387 = arith.index_cast %scan3A_32 : i32 to index
        %get3A_388 = arith.constant 208 : index
        %get3A_389 = tpu.vector_load %arg13[%get3A_387, %get3A_388] {strides = array<i32>} : memref<32x512xf32, #tpu.memory_space<vmem>>, vector<16xf32>,
        %bitcast3A_390 = vector.bitcast %get3A_389 : vector<16xf32> to vector<32xbf16>
        %unpack3A_391 = tpu.unpack_subelements %bitcast3A_386, 0 {pack_format = #tpu.pack_format<interleaved>} : vector<32xbf16> -> vector<16xf32>
        %unpack3A_392 = tpu.unpack_subelements %bitcast3A_386, 1 {pack_format = #tpu.pack_format<interleaved>} : vector<32xbf16> -> vector<16xf32>
        %unpack3A_393 = tpu.unpack_subelements %bitcast3A_390, 0 {pack_format = #tpu.pack_format<interleaved>} : vector<32xbf16> -> vector<16xf32>
        %unpack3A_394 = tpu.unpack_subelements %bitcast3A_390, 1 {pack_format = #tpu.pack_format<interleaved>} : vector<32xbf16> -> vector<16xf32>
        %mul3A_395 = arith.constant 2 : i32
        %mul3A_396 = vector.broadcast %mul3A_395 : i32 to vector<16xi32>
        %mul3A_397 = arith.muli %iota3A, %mul3A_396 : vector<16xi32>
        %add3A_398 = arith.constant 416 : i32
        %add3A_399 = vector.broadcast %add3A_398 : i32 to vector<16xi32>
        %add3A_400 = arith.addi %add3A_399, %mul3A_397 : vector<16xi32>
        %mul3A_401 = arith.mulf %unpack3A_391, %gather3A : vector<16xf32>
        %mul3A_402 = arith.mulf %unpack3A_393, %gather3A_34 : vector<16xf32>
        %add3A_403 = arith.addf %mul3A_401, %mul3A_402 : vector<16xf32>
        tpu.vector_store_idx %arg14[%broadcast_in_dim3A, %add3A_400], %add3A_403 : memref<32x1024xf32, #tpu.memory_space<vmem>>[vector<16xi32>, vector<16xi32>], vector<16xf32>,
        %add3A_404 = arith.constant 1 : i32
        %add3A_405 = vector.broadcast %add3A_404 : i32 to vector<16xi32>
        %add3A_406 = arith.addi %add3A_400, %add3A_405 : vector<16xi32>
        %mul3A_407 = arith.mulf %unpack3A_392, %gather3A : vector<16xf32>
        %mul3A_408 = arith.mulf %unpack3A_394, %gather3A_34 : vector<16xf32>
        %add3A_409 = arith.addf %mul3A_407, %mul3A_408 : vector<16xf32>
        tpu.vector_store_idx %arg14[%broadcast_in_dim3A, %add3A_406], %add3A_409 : memref<32x1024xf32, #tpu.memory_space<vmem>>[vector<16xi32>, vector<16xi32>], vector<16xf32>,
        %get3A_410 = arith.index_cast %scan3A_32 : i32 to index
        %get3A_411 = arith.constant 224 : index
        %get3A_412 = tpu.vector_load %arg12[%get3A_410, %get3A_411] {strides = array<i32>} : memref<32x512xf32, #tpu.memory_space<vmem>>, vector<16xf32>,
        %bitcast3A_413 = vector.bitcast %get3A_412 : vector<16xf32> to vector<32xbf16>
        %get3A_414 = arith.index_cast %scan3A_32 : i32 to index
        %get3A_415 = arith.constant 224 : index
        %get3A_416 = tpu.vector_load %arg13[%get3A_414, %get3A_415] {strides = array<i32>} : memref<32x512xf32, #tpu.memory_space<vmem>>, vector<16xf32>,
        %bitcast3A_417 = vector.bitcast %get3A_416 : vector<16xf32> to vector<32xbf16>
        %unpack3A_418 = tpu.unpack_subelements %bitcast3A_413, 0 {pack_format = #tpu.pack_format<interleaved>} : vector<32xbf16> -> vector<16xf32>
        %unpack3A_419 = tpu.unpack_subelements %bitcast3A_413, 1 {pack_format = #tpu.pack_format<interleaved>} : vector<32xbf16> -> vector<16xf32>
        %unpack3A_420 = tpu.unpack_subelements %bitcast3A_417, 0 {pack_format = #tpu.pack_format<interleaved>} : vector<32xbf16> -> vector<16xf32>
        %unpack3A_421 = tpu.unpack_subelements %bitcast3A_417, 1 {pack_format = #tpu.pack_format<interleaved>} : vector<32xbf16> -> vector<16xf32>
        %mul3A_422 = arith.constant 2 : i32
        %mul3A_423 = vector.broadcast %mul3A_422 : i32 to vector<16xi32>
        %mul3A_424 = arith.muli %iota3A, %mul3A_423 : vector<16xi32>
        %add3A_425 = arith.constant 448 : i32
        %add3A_426 = vector.broadcast %add3A_425 : i32 to vector<16xi32>
        %add3A_427 = arith.addi %add3A_426, %mul3A_424 : vector<16xi32>
        %mul3A_428 = arith.mulf %unpack3A_418, %gather3A : vector<16xf32>
        %mul3A_429 = arith.mulf %unpack3A_420, %gather3A_34 : vector<16xf32>
        %add3A_430 = arith.addf %mul3A_428, %mul3A_429 : vector<16xf32>
        tpu.vector_store_idx %arg14[%broadcast_in_dim3A, %add3A_427], %add3A_430 : memref<32x1024xf32, #tpu.memory_space<vmem>>[vector<16xi32>, vector<16xi32>], vector<16xf32>,
        %add3A_431 = arith.constant 1 : i32
        %add3A_432 = vector.broadcast %add3A_431 : i32 to vector<16xi32>
        %add3A_433 = arith.addi %add3A_427, %add3A_432 : vector<16xi32>
        %mul3A_434 = arith.mulf %unpack3A_419, %gather3A : vector<16xf32>
        %mul3A_435 = arith.mulf %unpack3A_421, %gather3A_34 : vector<16xf32>
        %add3A_436 = arith.addf %mul3A_434, %mul3A_435 : vector<16xf32>
        tpu.vector_store_idx %arg14[%broadcast_in_dim3A, %add3A_433], %add3A_436 : memref<32x1024xf32, #tpu.memory_space<vmem>>[vector<16xi32>, vector<16xi32>], vector<16xf32>,
        %get3A_437 = arith.index_cast %scan3A_32 : i32 to index
        %get3A_438 = arith.constant 240 : index
        %get3A_439 = tpu.vector_load %arg12[%get3A_437, %get3A_438] {strides = array<i32>} : memref<32x512xf32, #tpu.memory_space<vmem>>, vector<16xf32>,
        %bitcast3A_440 = vector.bitcast %get3A_439 : vector<16xf32> to vector<32xbf16>
        %get3A_441 = arith.index_cast %scan3A_32 : i32 to index
        %get3A_442 = arith.constant 240 : index
        %get3A_443 = tpu.vector_load %arg13[%get3A_441, %get3A_442] {strides = array<i32>} : memref<32x512xf32, #tpu.memory_space<vmem>>, vector<16xf32>,
        %bitcast3A_444 = vector.bitcast %get3A_443 : vector<16xf32> to vector<32xbf16>
        %unpack3A_445 = tpu.unpack_subelements %bitcast3A_440, 0 {pack_format = #tpu.pack_format<interleaved>} : vector<32xbf16> -> vector<16xf32>
        %unpack3A_446 = tpu.unpack_subelements %bitcast3A_440, 1 {pack_format = #tpu.pack_format<interleaved>} : vector<32xbf16> -> vector<16xf32>
        %unpack3A_447 = tpu.unpack_subelements %bitcast3A_444, 0 {pack_format = #tpu.pack_format<interleaved>} : vector<32xbf16> -> vector<16xf32>
        %unpack3A_448 = tpu.unpack_subelements %bitcast3A_444, 1 {pack_format = #tpu.pack_format<interleaved>} : vector<32xbf16> -> vector<16xf32>
        %mul3A_449 = arith.constant 2 : i32
        %mul3A_450 = vector.broadcast %mul3A_449 : i32 to vector<16xi32>
        %mul3A_451 = arith.muli %iota3A, %mul3A_450 : vector<16xi32>
        %add3A_452 = arith.constant 480 : i32
        %add3A_453 = vector.broadcast %add3A_452 : i32 to vector<16xi32>
        %add3A_454 = arith.addi %add3A_453, %mul3A_451 : vector<16xi32>
        %mul3A_455 = arith.mulf %unpack3A_445, %gather3A : vector<16xf32>
        %mul3A_456 = arith.mulf %unpack3A_447, %gather3A_34 : vector<16xf32>
        %add3A_457 = arith.addf %mul3A_455, %mul3A_456 : vector<16xf32>
        tpu.vector_store_idx %arg14[%broadcast_in_dim3A, %add3A_454], %add3A_457 : memref<32x1024xf32, #tpu.memory_space<vmem>>[vector<16xi32>, vector<16xi32>], vector<16xf32>,
        %add3A_458 = arith.constant 1 : i32
        %add3A_459 = vector.broadcast %add3A_458 : i32 to vector<16xi32>
        %add3A_460 = arith.addi %add3A_454, %add3A_459 : vector<16xi32>
        %mul3A_461 = arith.mulf %unpack3A_446, %gather3A : vector<16xf32>
        %mul3A_462 = arith.mulf %unpack3A_448, %gather3A_34 : vector<16xf32>
        %add3A_463 = arith.addf %mul3A_461, %mul3A_462 : vector<16xf32>
        tpu.vector_store_idx %arg14[%broadcast_in_dim3A, %add3A_460], %add3A_463 : memref<32x1024xf32, #tpu.memory_space<vmem>>[vector<16xi32>, vector<16xi32>], vector<16xf32>,
        %get3A_464 = arith.index_cast %scan3A_32 : i32 to index
        %get3A_465 = arith.constant 256 : index
        %get3A_466 = tpu.vector_load %arg12[%get3A_464, %get3A_465] {strides = array<i32>} : memref<32x512xf32, #tpu.memory_space<vmem>>, vector<16xf32>,
        %bitcast3A_467 = vector.bitcast %get3A_466 : vector<16xf32> to vector<32xbf16>
        %get3A_468 = arith.index_cast %scan3A_32 : i32 to index
        %get3A_469 = arith.constant 256 : index
        %get3A_470 = tpu.vector_load %arg13[%get3A_468, %get3A_469] {strides = array<i32>} : memref<32x512xf32, #tpu.memory_space<vmem>>, vector<16xf32>,
        %bitcast3A_471 = vector.bitcast %get3A_470 : vector<16xf32> to vector<32xbf16>
        %unpack3A_472 = tpu.unpack_subelements %bitcast3A_467, 0 {pack_format = #tpu.pack_format<interleaved>} : vector<32xbf16> -> vector<16xf32>
        %unpack3A_473 = tpu.unpack_subelements %bitcast3A_467, 1 {pack_format = #tpu.pack_format<interleaved>} : vector<32xbf16> -> vector<16xf32>
        %unpack3A_474 = tpu.unpack_subelements %bitcast3A_471, 0 {pack_format = #tpu.pack_format<interleaved>} : vector<32xbf16> -> vector<16xf32>
        %unpack3A_475 = tpu.unpack_subelements %bitcast3A_471, 1 {pack_format = #tpu.pack_format<interleaved>} : vector<32xbf16> -> vector<16xf32>
        %mul3A_476 = arith.constant 2 : i32
        %mul3A_477 = vector.broadcast %mul3A_476 : i32 to vector<16xi32>
        %mul3A_478 = arith.muli %iota3A, %mul3A_477 : vector<16xi32>
        %add3A_479 = arith.constant 512 : i32
        %add3A_480 = vector.broadcast %add3A_479 : i32 to vector<16xi32>
        %add3A_481 = arith.addi %add3A_480, %mul3A_478 : vector<16xi32>
        %mul3A_482 = arith.mulf %unpack3A_472, %gather3A : vector<16xf32>
        %mul3A_483 = arith.mulf %unpack3A_474, %gather3A_34 : vector<16xf32>
        %add3A_484 = arith.addf %mul3A_482, %mul3A_483 : vector<16xf32>
        tpu.vector_store_idx %arg14[%broadcast_in_dim3A, %add3A_481], %add3A_484 : memref<32x1024xf32, #tpu.memory_space<vmem>>[vector<16xi32>, vector<16xi32>], vector<16xf32>,
        %add3A_485 = arith.constant 1 : i32
        %add3A_486 = vector.broadcast %add3A_485 : i32 to vector<16xi32>
        %add3A_487 = arith.addi %add3A_481, %add3A_486 : vector<16xi32>
        %mul3A_488 = arith.mulf %unpack3A_473, %gather3A : vector<16xf32>
        %mul3A_489 = arith.mulf %unpack3A_475, %gather3A_34 : vector<16xf32>
        %add3A_490 = arith.addf %mul3A_488, %mul3A_489 : vector<16xf32>
        tpu.vector_store_idx %arg14[%broadcast_in_dim3A, %add3A_487], %add3A_490 : memref<32x1024xf32, #tpu.memory_space<vmem>>[vector<16xi32>, vector<16xi32>], vector<16xf32>,
        %get3A_491 = arith.index_cast %scan3A_32 : i32 to index
        %get3A_492 = arith.constant 272 : index
        %get3A_493 = tpu.vector_load %arg12[%get3A_491, %get3A_492] {strides = array<i32>} : memref<32x512xf32, #tpu.memory_space<vmem>>, vector<16xf32>,
        %bitcast3A_494 = vector.bitcast %get3A_493 : vector<16xf32> to vector<32xbf16>
        %get3A_495 = arith.index_cast %scan3A_32 : i32 to index
        %get3A_496 = arith.constant 272 : index
        %get3A_497 = tpu.vector_load %arg13[%get3A_495, %get3A_496] {strides = array<i32>} : memref<32x512xf32, #tpu.memory_space<vmem>>, vector<16xf32>,
        %bitcast3A_498 = vector.bitcast %get3A_497 : vector<16xf32> to vector<32xbf16>
        %unpack3A_499 = tpu.unpack_subelements %bitcast3A_494, 0 {pack_format = #tpu.pack_format<interleaved>} : vector<32xbf16> -> vector<16xf32>
        %unpack3A_500 = tpu.unpack_subelements %bitcast3A_494, 1 {pack_format = #tpu.pack_format<interleaved>} : vector<32xbf16> -> vector<16xf32>
        %unpack3A_501 = tpu.unpack_subelements %bitcast3A_498, 0 {pack_format = #tpu.pack_format<interleaved>} : vector<32xbf16> -> vector<16xf32>
        %unpack3A_502 = tpu.unpack_subelements %bitcast3A_498, 1 {pack_format = #tpu.pack_format<interleaved>} : vector<32xbf16> -> vector<16xf32>
        %mul3A_503 = arith.constant 2 : i32
        %mul3A_504 = vector.broadcast %mul3A_503 : i32 to vector<16xi32>
        %mul3A_505 = arith.muli %iota3A, %mul3A_504 : vector<16xi32>
        %add3A_506 = arith.constant 544 : i32
        %add3A_507 = vector.broadcast %add3A_506 : i32 to vector<16xi32>
        %add3A_508 = arith.addi %add3A_507, %mul3A_505 : vector<16xi32>
        %mul3A_509 = arith.mulf %unpack3A_499, %gather3A : vector<16xf32>
        %mul3A_510 = arith.mulf %unpack3A_501, %gather3A_34 : vector<16xf32>
        %add3A_511 = arith.addf %mul3A_509, %mul3A_510 : vector<16xf32>
        tpu.vector_store_idx %arg14[%broadcast_in_dim3A, %add3A_508], %add3A_511 : memref<32x1024xf32, #tpu.memory_space<vmem>>[vector<16xi32>, vector<16xi32>], vector<16xf32>,
        %add3A_512 = arith.constant 1 : i32
        %add3A_513 = vector.broadcast %add3A_512 : i32 to vector<16xi32>
        %add3A_514 = arith.addi %add3A_508, %add3A_513 : vector<16xi32>
        %mul3A_515 = arith.mulf %unpack3A_500, %gather3A : vector<16xf32>
        %mul3A_516 = arith.mulf %unpack3A_502, %gather3A_34 : vector<16xf32>
        %add3A_517 = arith.addf %mul3A_515, %mul3A_516 : vector<16xf32>
        tpu.vector_store_idx %arg14[%broadcast_in_dim3A, %add3A_514], %add3A_517 : memref<32x1024xf32, #tpu.memory_space<vmem>>[vector<16xi32>, vector<16xi32>], vector<16xf32>,
        %get3A_518 = arith.index_cast %scan3A_32 : i32 to index
        %get3A_519 = arith.constant 288 : index
        %get3A_520 = tpu.vector_load %arg12[%get3A_518, %get3A_519] {strides = array<i32>} : memref<32x512xf32, #tpu.memory_space<vmem>>, vector<16xf32>,
        %bitcast3A_521 = vector.bitcast %get3A_520 : vector<16xf32> to vector<32xbf16>
        %get3A_522 = arith.index_cast %scan3A_32 : i32 to index
        %get3A_523 = arith.constant 288 : index
        %get3A_524 = tpu.vector_load %arg13[%get3A_522, %get3A_523] {strides = array<i32>} : memref<32x512xf32, #tpu.memory_space<vmem>>, vector<16xf32>,
        %bitcast3A_525 = vector.bitcast %get3A_524 : vector<16xf32> to vector<32xbf16>
        %unpack3A_526 = tpu.unpack_subelements %bitcast3A_521, 0 {pack_format = #tpu.pack_format<interleaved>} : vector<32xbf16> -> vector<16xf32>
        %unpack3A_527 = tpu.unpack_subelements %bitcast3A_521, 1 {pack_format = #tpu.pack_format<interleaved>} : vector<32xbf16> -> vector<16xf32>
        %unpack3A_528 = tpu.unpack_subelements %bitcast3A_525, 0 {pack_format = #tpu.pack_format<interleaved>} : vector<32xbf16> -> vector<16xf32>
        %unpack3A_529 = tpu.unpack_subelements %bitcast3A_525, 1 {pack_format = #tpu.pack_format<interleaved>} : vector<32xbf16> -> vector<16xf32>
        %mul3A_530 = arith.constant 2 : i32
        %mul3A_531 = vector.broadcast %mul3A_530 : i32 to vector<16xi32>
        %mul3A_532 = arith.muli %iota3A, %mul3A_531 : vector<16xi32>
        %add3A_533 = arith.constant 576 : i32
        %add3A_534 = vector.broadcast %add3A_533 : i32 to vector<16xi32>
        %add3A_535 = arith.addi %add3A_534, %mul3A_532 : vector<16xi32>
        %mul3A_536 = arith.mulf %unpack3A_526, %gather3A : vector<16xf32>
        %mul3A_537 = arith.mulf %unpack3A_528, %gather3A_34 : vector<16xf32>
        %add3A_538 = arith.addf %mul3A_536, %mul3A_537 : vector<16xf32>
        tpu.vector_store_idx %arg14[%broadcast_in_dim3A, %add3A_535], %add3A_538 : memref<32x1024xf32, #tpu.memory_space<vmem>>[vector<16xi32>, vector<16xi32>], vector<16xf32>,
        %add3A_539 = arith.constant 1 : i32
        %add3A_540 = vector.broadcast %add3A_539 : i32 to vector<16xi32>
        %add3A_541 = arith.addi %add3A_535, %add3A_540 : vector<16xi32>
        %mul3A_542 = arith.mulf %unpack3A_527, %gather3A : vector<16xf32>
        %mul3A_543 = arith.mulf %unpack3A_529, %gather3A_34 : vector<16xf32>
        %add3A_544 = arith.addf %mul3A_542, %mul3A_543 : vector<16xf32>
        tpu.vector_store_idx %arg14[%broadcast_in_dim3A, %add3A_541], %add3A_544 : memref<32x1024xf32, #tpu.memory_space<vmem>>[vector<16xi32>, vector<16xi32>], vector<16xf32>,
        %get3A_545 = arith.index_cast %scan3A_32 : i32 to index
        %get3A_546 = arith.constant 304 : index
        %get3A_547 = tpu.vector_load %arg12[%get3A_545, %get3A_546] {strides = array<i32>} : memref<32x512xf32, #tpu.memory_space<vmem>>, vector<16xf32>,
        %bitcast3A_548 = vector.bitcast %get3A_547 : vector<16xf32> to vector<32xbf16>
        %get3A_549 = arith.index_cast %scan3A_32 : i32 to index
        %get3A_550 = arith.constant 304 : index
        %get3A_551 = tpu.vector_load %arg13[%get3A_549, %get3A_550] {strides = array<i32>} : memref<32x512xf32, #tpu.memory_space<vmem>>, vector<16xf32>,
        %bitcast3A_552 = vector.bitcast %get3A_551 : vector<16xf32> to vector<32xbf16>
        %unpack3A_553 = tpu.unpack_subelements %bitcast3A_548, 0 {pack_format = #tpu.pack_format<interleaved>} : vector<32xbf16> -> vector<16xf32>
        %unpack3A_554 = tpu.unpack_subelements %bitcast3A_548, 1 {pack_format = #tpu.pack_format<interleaved>} : vector<32xbf16> -> vector<16xf32>
        %unpack3A_555 = tpu.unpack_subelements %bitcast3A_552, 0 {pack_format = #tpu.pack_format<interleaved>} : vector<32xbf16> -> vector<16xf32>
        %unpack3A_556 = tpu.unpack_subelements %bitcast3A_552, 1 {pack_format = #tpu.pack_format<interleaved>} : vector<32xbf16> -> vector<16xf32>
        %mul3A_557 = arith.constant 2 : i32
        %mul3A_558 = vector.broadcast %mul3A_557 : i32 to vector<16xi32>
        %mul3A_559 = arith.muli %iota3A, %mul3A_558 : vector<16xi32>
        %add3A_560 = arith.constant 608 : i32
        %add3A_561 = vector.broadcast %add3A_560 : i32 to vector<16xi32>
        %add3A_562 = arith.addi %add3A_561, %mul3A_559 : vector<16xi32>
        %mul3A_563 = arith.mulf %unpack3A_553, %gather3A : vector<16xf32>
        %mul3A_564 = arith.mulf %unpack3A_555, %gather3A_34 : vector<16xf32>
        %add3A_565 = arith.addf %mul3A_563, %mul3A_564 : vector<16xf32>
        tpu.vector_store_idx %arg14[%broadcast_in_dim3A, %add3A_562], %add3A_565 : memref<32x1024xf32, #tpu.memory_space<vmem>>[vector<16xi32>, vector<16xi32>], vector<16xf32>,
        %add3A_566 = arith.constant 1 : i32
        %add3A_567 = vector.broadcast %add3A_566 : i32 to vector<16xi32>
        %add3A_568 = arith.addi %add3A_562, %add3A_567 : vector<16xi32>
        %mul3A_569 = arith.mulf %unpack3A_554, %gather3A : vector<16xf32>
        %mul3A_570 = arith.mulf %unpack3A_556, %gather3A_34 : vector<16xf32>
        %add3A_571 = arith.addf %mul3A_569, %mul3A_570 : vector<16xf32>
        tpu.vector_store_idx %arg14[%broadcast_in_dim3A, %add3A_568], %add3A_571 : memref<32x1024xf32, #tpu.memory_space<vmem>>[vector<16xi32>, vector<16xi32>], vector<16xf32>,
        %get3A_572 = arith.index_cast %scan3A_32 : i32 to index
        %get3A_573 = arith.constant 320 : index
        %get3A_574 = tpu.vector_load %arg12[%get3A_572, %get3A_573] {strides = array<i32>} : memref<32x512xf32, #tpu.memory_space<vmem>>, vector<16xf32>,
        %bitcast3A_575 = vector.bitcast %get3A_574 : vector<16xf32> to vector<32xbf16>
        %get3A_576 = arith.index_cast %scan3A_32 : i32 to index
        %get3A_577 = arith.constant 320 : index
        %get3A_578 = tpu.vector_load %arg13[%get3A_576, %get3A_577] {strides = array<i32>} : memref<32x512xf32, #tpu.memory_space<vmem>>, vector<16xf32>,
        %bitcast3A_579 = vector.bitcast %get3A_578 : vector<16xf32> to vector<32xbf16>
        %unpack3A_580 = tpu.unpack_subelements %bitcast3A_575, 0 {pack_format = #tpu.pack_format<interleaved>} : vector<32xbf16> -> vector<16xf32>
        %unpack3A_581 = tpu.unpack_subelements %bitcast3A_575, 1 {pack_format = #tpu.pack_format<interleaved>} : vector<32xbf16> -> vector<16xf32>
        %unpack3A_582 = tpu.unpack_subelements %bitcast3A_579, 0 {pack_format = #tpu.pack_format<interleaved>} : vector<32xbf16> -> vector<16xf32>
        %unpack3A_583 = tpu.unpack_subelements %bitcast3A_579, 1 {pack_format = #tpu.pack_format<interleaved>} : vector<32xbf16> -> vector<16xf32>
        %mul3A_584 = arith.constant 2 : i32
        %mul3A_585 = vector.broadcast %mul3A_584 : i32 to vector<16xi32>
        %mul3A_586 = arith.muli %iota3A, %mul3A_585 : vector<16xi32>
        %add3A_587 = arith.constant 640 : i32
        %add3A_588 = vector.broadcast %add3A_587 : i32 to vector<16xi32>
        %add3A_589 = arith.addi %add3A_588, %mul3A_586 : vector<16xi32>
        %mul3A_590 = arith.mulf %unpack3A_580, %gather3A : vector<16xf32>
        %mul3A_591 = arith.mulf %unpack3A_582, %gather3A_34 : vector<16xf32>
        %add3A_592 = arith.addf %mul3A_590, %mul3A_591 : vector<16xf32>
        tpu.vector_store_idx %arg14[%broadcast_in_dim3A, %add3A_589], %add3A_592 : memref<32x1024xf32, #tpu.memory_space<vmem>>[vector<16xi32>, vector<16xi32>], vector<16xf32>,
        %add3A_593 = arith.constant 1 : i32
        %add3A_594 = vector.broadcast %add3A_593 : i32 to vector<16xi32>
        %add3A_595 = arith.addi %add3A_589, %add3A_594 : vector<16xi32>
        %mul3A_596 = arith.mulf %unpack3A_581, %gather3A : vector<16xf32>
        %mul3A_597 = arith.mulf %unpack3A_583, %gather3A_34 : vector<16xf32>
        %add3A_598 = arith.addf %mul3A_596, %mul3A_597 : vector<16xf32>
        tpu.vector_store_idx %arg14[%broadcast_in_dim3A, %add3A_595], %add3A_598 : memref<32x1024xf32, #tpu.memory_space<vmem>>[vector<16xi32>, vector<16xi32>], vector<16xf32>,
        %get3A_599 = arith.index_cast %scan3A_32 : i32 to index
        %get3A_600 = arith.constant 336 : index
        %get3A_601 = tpu.vector_load %arg12[%get3A_599, %get3A_600] {strides = array<i32>} : memref<32x512xf32, #tpu.memory_space<vmem>>, vector<16xf32>,
        %bitcast3A_602 = vector.bitcast %get3A_601 : vector<16xf32> to vector<32xbf16>
        %get3A_603 = arith.index_cast %scan3A_32 : i32 to index
        %get3A_604 = arith.constant 336 : index
        %get3A_605 = tpu.vector_load %arg13[%get3A_603, %get3A_604] {strides = array<i32>} : memref<32x512xf32, #tpu.memory_space<vmem>>, vector<16xf32>,
        %bitcast3A_606 = vector.bitcast %get3A_605 : vector<16xf32> to vector<32xbf16>
        %unpack3A_607 = tpu.unpack_subelements %bitcast3A_602, 0 {pack_format = #tpu.pack_format<interleaved>} : vector<32xbf16> -> vector<16xf32>
        %unpack3A_608 = tpu.unpack_subelements %bitcast3A_602, 1 {pack_format = #tpu.pack_format<interleaved>} : vector<32xbf16> -> vector<16xf32>
        %unpack3A_609 = tpu.unpack_subelements %bitcast3A_606, 0 {pack_format = #tpu.pack_format<interleaved>} : vector<32xbf16> -> vector<16xf32>
        %unpack3A_610 = tpu.unpack_subelements %bitcast3A_606, 1 {pack_format = #tpu.pack_format<interleaved>} : vector<32xbf16> -> vector<16xf32>
        %mul3A_611 = arith.constant 2 : i32
        %mul3A_612 = vector.broadcast %mul3A_611 : i32 to vector<16xi32>
        %mul3A_613 = arith.muli %iota3A, %mul3A_612 : vector<16xi32>
        %add3A_614 = arith.constant 672 : i32
        %add3A_615 = vector.broadcast %add3A_614 : i32 to vector<16xi32>
        %add3A_616 = arith.addi %add3A_615, %mul3A_613 : vector<16xi32>
        %mul3A_617 = arith.mulf %unpack3A_607, %gather3A : vector<16xf32>
        %mul3A_618 = arith.mulf %unpack3A_609, %gather3A_34 : vector<16xf32>
        %add3A_619 = arith.addf %mul3A_617, %mul3A_618 : vector<16xf32>
        tpu.vector_store_idx %arg14[%broadcast_in_dim3A, %add3A_616], %add3A_619 : memref<32x1024xf32, #tpu.memory_space<vmem>>[vector<16xi32>, vector<16xi32>], vector<16xf32>,
        %add3A_620 = arith.constant 1 : i32
        %add3A_621 = vector.broadcast %add3A_620 : i32 to vector<16xi32>
        %add3A_622 = arith.addi %add3A_616, %add3A_621 : vector<16xi32>
        %mul3A_623 = arith.mulf %unpack3A_608, %gather3A : vector<16xf32>
        %mul3A_624 = arith.mulf %unpack3A_610, %gather3A_34 : vector<16xf32>
        %add3A_625 = arith.addf %mul3A_623, %mul3A_624 : vector<16xf32>
        tpu.vector_store_idx %arg14[%broadcast_in_dim3A, %add3A_622], %add3A_625 : memref<32x1024xf32, #tpu.memory_space<vmem>>[vector<16xi32>, vector<16xi32>], vector<16xf32>,
        %get3A_626 = arith.index_cast %scan3A_32 : i32 to index
        %get3A_627 = arith.constant 352 : index
        %get3A_628 = tpu.vector_load %arg12[%get3A_626, %get3A_627] {strides = array<i32>} : memref<32x512xf32, #tpu.memory_space<vmem>>, vector<16xf32>,
        %bitcast3A_629 = vector.bitcast %get3A_628 : vector<16xf32> to vector<32xbf16>
        %get3A_630 = arith.index_cast %scan3A_32 : i32 to index
        %get3A_631 = arith.constant 352 : index
        %get3A_632 = tpu.vector_load %arg13[%get3A_630, %get3A_631] {strides = array<i32>} : memref<32x512xf32, #tpu.memory_space<vmem>>, vector<16xf32>,
        %bitcast3A_633 = vector.bitcast %get3A_632 : vector<16xf32> to vector<32xbf16>
        %unpack3A_634 = tpu.unpack_subelements %bitcast3A_629, 0 {pack_format = #tpu.pack_format<interleaved>} : vector<32xbf16> -> vector<16xf32>
        %unpack3A_635 = tpu.unpack_subelements %bitcast3A_629, 1 {pack_format = #tpu.pack_format<interleaved>} : vector<32xbf16> -> vector<16xf32>
        %unpack3A_636 = tpu.unpack_subelements %bitcast3A_633, 0 {pack_format = #tpu.pack_format<interleaved>} : vector<32xbf16> -> vector<16xf32>
        %unpack3A_637 = tpu.unpack_subelements %bitcast3A_633, 1 {pack_format = #tpu.pack_format<interleaved>} : vector<32xbf16> -> vector<16xf32>
        %mul3A_638 = arith.constant 2 : i32
        %mul3A_639 = vector.broadcast %mul3A_638 : i32 to vector<16xi32>
        %mul3A_640 = arith.muli %iota3A, %mul3A_639 : vector<16xi32>
        %add3A_641 = arith.constant 704 : i32
        %add3A_642 = vector.broadcast %add3A_641 : i32 to vector<16xi32>
        %add3A_643 = arith.addi %add3A_642, %mul3A_640 : vector<16xi32>
        %mul3A_644 = arith.mulf %unpack3A_634, %gather3A : vector<16xf32>
        %mul3A_645 = arith.mulf %unpack3A_636, %gather3A_34 : vector<16xf32>
        %add3A_646 = arith.addf %mul3A_644, %mul3A_645 : vector<16xf32>
        tpu.vector_store_idx %arg14[%broadcast_in_dim3A, %add3A_643], %add3A_646 : memref<32x1024xf32, #tpu.memory_space<vmem>>[vector<16xi32>, vector<16xi32>], vector<16xf32>,
        %add3A_647 = arith.constant 1 : i32
        %add3A_648 = vector.broadcast %add3A_647 : i32 to vector<16xi32>
        %add3A_649 = arith.addi %add3A_643, %add3A_648 : vector<16xi32>
        %mul3A_650 = arith.mulf %unpack3A_635, %gather3A : vector<16xf32>
        %mul3A_651 = arith.mulf %unpack3A_637, %gather3A_34 : vector<16xf32>
        %add3A_652 = arith.addf %mul3A_650, %mul3A_651 : vector<16xf32>
        tpu.vector_store_idx %arg14[%broadcast_in_dim3A, %add3A_649], %add3A_652 : memref<32x1024xf32, #tpu.memory_space<vmem>>[vector<16xi32>, vector<16xi32>], vector<16xf32>,
        %get3A_653 = arith.index_cast %scan3A_32 : i32 to index
        %get3A_654 = arith.constant 368 : index
        %get3A_655 = tpu.vector_load %arg12[%get3A_653, %get3A_654] {strides = array<i32>} : memref<32x512xf32, #tpu.memory_space<vmem>>, vector<16xf32>,
        %bitcast3A_656 = vector.bitcast %get3A_655 : vector<16xf32> to vector<32xbf16>
        %get3A_657 = arith.index_cast %scan3A_32 : i32 to index
        %get3A_658 = arith.constant 368 : index
        %get3A_659 = tpu.vector_load %arg13[%get3A_657, %get3A_658] {strides = array<i32>} : memref<32x512xf32, #tpu.memory_space<vmem>>, vector<16xf32>,
        %bitcast3A_660 = vector.bitcast %get3A_659 : vector<16xf32> to vector<32xbf16>
        %unpack3A_661 = tpu.unpack_subelements %bitcast3A_656, 0 {pack_format = #tpu.pack_format<interleaved>} : vector<32xbf16> -> vector<16xf32>
        %unpack3A_662 = tpu.unpack_subelements %bitcast3A_656, 1 {pack_format = #tpu.pack_format<interleaved>} : vector<32xbf16> -> vector<16xf32>
        %unpack3A_663 = tpu.unpack_subelements %bitcast3A_660, 0 {pack_format = #tpu.pack_format<interleaved>} : vector<32xbf16> -> vector<16xf32>
        %unpack3A_664 = tpu.unpack_subelements %bitcast3A_660, 1 {pack_format = #tpu.pack_format<interleaved>} : vector<32xbf16> -> vector<16xf32>
        %mul3A_665 = arith.constant 2 : i32
        %mul3A_666 = vector.broadcast %mul3A_665 : i32 to vector<16xi32>
        %mul3A_667 = arith.muli %iota3A, %mul3A_666 : vector<16xi32>
        %add3A_668 = arith.constant 736 : i32
        %add3A_669 = vector.broadcast %add3A_668 : i32 to vector<16xi32>
        %add3A_670 = arith.addi %add3A_669, %mul3A_667 : vector<16xi32>
        %mul3A_671 = arith.mulf %unpack3A_661, %gather3A : vector<16xf32>
        %mul3A_672 = arith.mulf %unpack3A_663, %gather3A_34 : vector<16xf32>
        %add3A_673 = arith.addf %mul3A_671, %mul3A_672 : vector<16xf32>
        tpu.vector_store_idx %arg14[%broadcast_in_dim3A, %add3A_670], %add3A_673 : memref<32x1024xf32, #tpu.memory_space<vmem>>[vector<16xi32>, vector<16xi32>], vector<16xf32>,
        %add3A_674 = arith.constant 1 : i32
        %add3A_675 = vector.broadcast %add3A_674 : i32 to vector<16xi32>
        %add3A_676 = arith.addi %add3A_670, %add3A_675 : vector<16xi32>
        %mul3A_677 = arith.mulf %unpack3A_662, %gather3A : vector<16xf32>
        %mul3A_678 = arith.mulf %unpack3A_664, %gather3A_34 : vector<16xf32>
        %add3A_679 = arith.addf %mul3A_677, %mul3A_678 : vector<16xf32>
        tpu.vector_store_idx %arg14[%broadcast_in_dim3A, %add3A_676], %add3A_679 : memref<32x1024xf32, #tpu.memory_space<vmem>>[vector<16xi32>, vector<16xi32>], vector<16xf32>,
        %get3A_680 = arith.index_cast %scan3A_32 : i32 to index
        %get3A_681 = arith.constant 384 : index
        %get3A_682 = tpu.vector_load %arg12[%get3A_680, %get3A_681] {strides = array<i32>} : memref<32x512xf32, #tpu.memory_space<vmem>>, vector<16xf32>,
        %bitcast3A_683 = vector.bitcast %get3A_682 : vector<16xf32> to vector<32xbf16>
        %get3A_684 = arith.index_cast %scan3A_32 : i32 to index
        %get3A_685 = arith.constant 384 : index
        %get3A_686 = tpu.vector_load %arg13[%get3A_684, %get3A_685] {strides = array<i32>} : memref<32x512xf32, #tpu.memory_space<vmem>>, vector<16xf32>,
        %bitcast3A_687 = vector.bitcast %get3A_686 : vector<16xf32> to vector<32xbf16>
        %unpack3A_688 = tpu.unpack_subelements %bitcast3A_683, 0 {pack_format = #tpu.pack_format<interleaved>} : vector<32xbf16> -> vector<16xf32>
        %unpack3A_689 = tpu.unpack_subelements %bitcast3A_683, 1 {pack_format = #tpu.pack_format<interleaved>} : vector<32xbf16> -> vector<16xf32>
        %unpack3A_690 = tpu.unpack_subelements %bitcast3A_687, 0 {pack_format = #tpu.pack_format<interleaved>} : vector<32xbf16> -> vector<16xf32>
        %unpack3A_691 = tpu.unpack_subelements %bitcast3A_687, 1 {pack_format = #tpu.pack_format<interleaved>} : vector<32xbf16> -> vector<16xf32>
        %mul3A_692 = arith.constant 2 : i32
        %mul3A_693 = vector.broadcast %mul3A_692 : i32 to vector<16xi32>
        %mul3A_694 = arith.muli %iota3A, %mul3A_693 : vector<16xi32>
        %add3A_695 = arith.constant 768 : i32
        %add3A_696 = vector.broadcast %add3A_695 : i32 to vector<16xi32>
        %add3A_697 = arith.addi %add3A_696, %mul3A_694 : vector<16xi32>
        %mul3A_698 = arith.mulf %unpack3A_688, %gather3A : vector<16xf32>
        %mul3A_699 = arith.mulf %unpack3A_690, %gather3A_34 : vector<16xf32>
        %add3A_700 = arith.addf %mul3A_698, %mul3A_699 : vector<16xf32>
        tpu.vector_store_idx %arg14[%broadcast_in_dim3A, %add3A_697], %add3A_700 : memref<32x1024xf32, #tpu.memory_space<vmem>>[vector<16xi32>, vector<16xi32>], vector<16xf32>,
        %add3A_701 = arith.constant 1 : i32
        %add3A_702 = vector.broadcast %add3A_701 : i32 to vector<16xi32>
        %add3A_703 = arith.addi %add3A_697, %add3A_702 : vector<16xi32>
        %mul3A_704 = arith.mulf %unpack3A_689, %gather3A : vector<16xf32>
        %mul3A_705 = arith.mulf %unpack3A_691, %gather3A_34 : vector<16xf32>
        %add3A_706 = arith.addf %mul3A_704, %mul3A_705 : vector<16xf32>
        tpu.vector_store_idx %arg14[%broadcast_in_dim3A, %add3A_703], %add3A_706 : memref<32x1024xf32, #tpu.memory_space<vmem>>[vector<16xi32>, vector<16xi32>], vector<16xf32>,
        %get3A_707 = arith.index_cast %scan3A_32 : i32 to index
        %get3A_708 = arith.constant 400 : index
        %get3A_709 = tpu.vector_load %arg12[%get3A_707, %get3A_708] {strides = array<i32>} : memref<32x512xf32, #tpu.memory_space<vmem>>, vector<16xf32>,
        %bitcast3A_710 = vector.bitcast %get3A_709 : vector<16xf32> to vector<32xbf16>
        %get3A_711 = arith.index_cast %scan3A_32 : i32 to index
        %get3A_712 = arith.constant 400 : index
        %get3A_713 = tpu.vector_load %arg13[%get3A_711, %get3A_712] {strides = array<i32>} : memref<32x512xf32, #tpu.memory_space<vmem>>, vector<16xf32>,
        %bitcast3A_714 = vector.bitcast %get3A_713 : vector<16xf32> to vector<32xbf16>
        %unpack3A_715 = tpu.unpack_subelements %bitcast3A_710, 0 {pack_format = #tpu.pack_format<interleaved>} : vector<32xbf16> -> vector<16xf32>
        %unpack3A_716 = tpu.unpack_subelements %bitcast3A_710, 1 {pack_format = #tpu.pack_format<interleaved>} : vector<32xbf16> -> vector<16xf32>
        %unpack3A_717 = tpu.unpack_subelements %bitcast3A_714, 0 {pack_format = #tpu.pack_format<interleaved>} : vector<32xbf16> -> vector<16xf32>
        %unpack3A_718 = tpu.unpack_subelements %bitcast3A_714, 1 {pack_format = #tpu.pack_format<interleaved>} : vector<32xbf16> -> vector<16xf32>
        %mul3A_719 = arith.constant 2 : i32
        %mul3A_720 = vector.broadcast %mul3A_719 : i32 to vector<16xi32>
        %mul3A_721 = arith.muli %iota3A, %mul3A_720 : vector<16xi32>
        %add3A_722 = arith.constant 800 : i32
        %add3A_723 = vector.broadcast %add3A_722 : i32 to vector<16xi32>
        %add3A_724 = arith.addi %add3A_723, %mul3A_721 : vector<16xi32>
        %mul3A_725 = arith.mulf %unpack3A_715, %gather3A : vector<16xf32>
        %mul3A_726 = arith.mulf %unpack3A_717, %gather3A_34 : vector<16xf32>
        %add3A_727 = arith.addf %mul3A_725, %mul3A_726 : vector<16xf32>
        tpu.vector_store_idx %arg14[%broadcast_in_dim3A, %add3A_724], %add3A_727 : memref<32x1024xf32, #tpu.memory_space<vmem>>[vector<16xi32>, vector<16xi32>], vector<16xf32>,
        %add3A_728 = arith.constant 1 : i32
        %add3A_729 = vector.broadcast %add3A_728 : i32 to vector<16xi32>
        %add3A_730 = arith.addi %add3A_724, %add3A_729 : vector<16xi32>
        %mul3A_731 = arith.mulf %unpack3A_716, %gather3A : vector<16xf32>
        %mul3A_732 = arith.mulf %unpack3A_718, %gather3A_34 : vector<16xf32>
        %add3A_733 = arith.addf %mul3A_731, %mul3A_732 : vector<16xf32>
        tpu.vector_store_idx %arg14[%broadcast_in_dim3A, %add3A_730], %add3A_733 : memref<32x1024xf32, #tpu.memory_space<vmem>>[vector<16xi32>, vector<16xi32>], vector<16xf32>,
        %get3A_734 = arith.index_cast %scan3A_32 : i32 to index
        %get3A_735 = arith.constant 416 : index
        %get3A_736 = tpu.vector_load %arg12[%get3A_734, %get3A_735] {strides = array<i32>} : memref<32x512xf32, #tpu.memory_space<vmem>>, vector<16xf32>,
        %bitcast3A_737 = vector.bitcast %get3A_736 : vector<16xf32> to vector<32xbf16>
        %get3A_738 = arith.index_cast %scan3A_32 : i32 to index
        %get3A_739 = arith.constant 416 : index
        %get3A_740 = tpu.vector_load %arg13[%get3A_738, %get3A_739] {strides = array<i32>} : memref<32x512xf32, #tpu.memory_space<vmem>>, vector<16xf32>,
        %bitcast3A_741 = vector.bitcast %get3A_740 : vector<16xf32> to vector<32xbf16>
        %unpack3A_742 = tpu.unpack_subelements %bitcast3A_737, 0 {pack_format = #tpu.pack_format<interleaved>} : vector<32xbf16> -> vector<16xf32>
        %unpack3A_743 = tpu.unpack_subelements %bitcast3A_737, 1 {pack_format = #tpu.pack_format<interleaved>} : vector<32xbf16> -> vector<16xf32>
        %unpack3A_744 = tpu.unpack_subelements %bitcast3A_741, 0 {pack_format = #tpu.pack_format<interleaved>} : vector<32xbf16> -> vector<16xf32>
        %unpack3A_745 = tpu.unpack_subelements %bitcast3A_741, 1 {pack_format = #tpu.pack_format<interleaved>} : vector<32xbf16> -> vector<16xf32>
        %mul3A_746 = arith.constant 2 : i32
        %mul3A_747 = vector.broadcast %mul3A_746 : i32 to vector<16xi32>
        %mul3A_748 = arith.muli %iota3A, %mul3A_747 : vector<16xi32>
        %add3A_749 = arith.constant 832 : i32
        %add3A_750 = vector.broadcast %add3A_749 : i32 to vector<16xi32>
        %add3A_751 = arith.addi %add3A_750, %mul3A_748 : vector<16xi32>
        %mul3A_752 = arith.mulf %unpack3A_742, %gather3A : vector<16xf32>
        %mul3A_753 = arith.mulf %unpack3A_744, %gather3A_34 : vector<16xf32>
        %add3A_754 = arith.addf %mul3A_752, %mul3A_753 : vector<16xf32>
        tpu.vector_store_idx %arg14[%broadcast_in_dim3A, %add3A_751], %add3A_754 : memref<32x1024xf32, #tpu.memory_space<vmem>>[vector<16xi32>, vector<16xi32>], vector<16xf32>,
        %add3A_755 = arith.constant 1 : i32
        %add3A_756 = vector.broadcast %add3A_755 : i32 to vector<16xi32>
        %add3A_757 = arith.addi %add3A_751, %add3A_756 : vector<16xi32>
        %mul3A_758 = arith.mulf %unpack3A_743, %gather3A : vector<16xf32>
        %mul3A_759 = arith.mulf %unpack3A_745, %gather3A_34 : vector<16xf32>
        %add3A_760 = arith.addf %mul3A_758, %mul3A_759 : vector<16xf32>
        tpu.vector_store_idx %arg14[%broadcast_in_dim3A, %add3A_757], %add3A_760 : memref<32x1024xf32, #tpu.memory_space<vmem>>[vector<16xi32>, vector<16xi32>], vector<16xf32>,
        %get3A_761 = arith.index_cast %scan3A_32 : i32 to index
        %get3A_762 = arith.constant 432 : index
        %get3A_763 = tpu.vector_load %arg12[%get3A_761, %get3A_762] {strides = array<i32>} : memref<32x512xf32, #tpu.memory_space<vmem>>, vector<16xf32>,
        %bitcast3A_764 = vector.bitcast %get3A_763 : vector<16xf32> to vector<32xbf16>
        %get3A_765 = arith.index_cast %scan3A_32 : i32 to index
        %get3A_766 = arith.constant 432 : index
        %get3A_767 = tpu.vector_load %arg13[%get3A_765, %get3A_766] {strides = array<i32>} : memref<32x512xf32, #tpu.memory_space<vmem>>, vector<16xf32>,
        %bitcast3A_768 = vector.bitcast %get3A_767 : vector<16xf32> to vector<32xbf16>
        %unpack3A_769 = tpu.unpack_subelements %bitcast3A_764, 0 {pack_format = #tpu.pack_format<interleaved>} : vector<32xbf16> -> vector<16xf32>
        %unpack3A_770 = tpu.unpack_subelements %bitcast3A_764, 1 {pack_format = #tpu.pack_format<interleaved>} : vector<32xbf16> -> vector<16xf32>
        %unpack3A_771 = tpu.unpack_subelements %bitcast3A_768, 0 {pack_format = #tpu.pack_format<interleaved>} : vector<32xbf16> -> vector<16xf32>
        %unpack3A_772 = tpu.unpack_subelements %bitcast3A_768, 1 {pack_format = #tpu.pack_format<interleaved>} : vector<32xbf16> -> vector<16xf32>
        %mul3A_773 = arith.constant 2 : i32
        %mul3A_774 = vector.broadcast %mul3A_773 : i32 to vector<16xi32>
        %mul3A_775 = arith.muli %iota3A, %mul3A_774 : vector<16xi32>
        %add3A_776 = arith.constant 864 : i32
        %add3A_777 = vector.broadcast %add3A_776 : i32 to vector<16xi32>
        %add3A_778 = arith.addi %add3A_777, %mul3A_775 : vector<16xi32>
        %mul3A_779 = arith.mulf %unpack3A_769, %gather3A : vector<16xf32>
        %mul3A_780 = arith.mulf %unpack3A_771, %gather3A_34 : vector<16xf32>
        %add3A_781 = arith.addf %mul3A_779, %mul3A_780 : vector<16xf32>
        tpu.vector_store_idx %arg14[%broadcast_in_dim3A, %add3A_778], %add3A_781 : memref<32x1024xf32, #tpu.memory_space<vmem>>[vector<16xi32>, vector<16xi32>], vector<16xf32>,
        %add3A_782 = arith.constant 1 : i32
        %add3A_783 = vector.broadcast %add3A_782 : i32 to vector<16xi32>
        %add3A_784 = arith.addi %add3A_778, %add3A_783 : vector<16xi32>
        %mul3A_785 = arith.mulf %unpack3A_770, %gather3A : vector<16xf32>
        %mul3A_786 = arith.mulf %unpack3A_772, %gather3A_34 : vector<16xf32>
        %add3A_787 = arith.addf %mul3A_785, %mul3A_786 : vector<16xf32>
        tpu.vector_store_idx %arg14[%broadcast_in_dim3A, %add3A_784], %add3A_787 : memref<32x1024xf32, #tpu.memory_space<vmem>>[vector<16xi32>, vector<16xi32>], vector<16xf32>,
        %get3A_788 = arith.index_cast %scan3A_32 : i32 to index
        %get3A_789 = arith.constant 448 : index
        %get3A_790 = tpu.vector_load %arg12[%get3A_788, %get3A_789] {strides = array<i32>} : memref<32x512xf32, #tpu.memory_space<vmem>>, vector<16xf32>,
        %bitcast3A_791 = vector.bitcast %get3A_790 : vector<16xf32> to vector<32xbf16>
        %get3A_792 = arith.index_cast %scan3A_32 : i32 to index
        %get3A_793 = arith.constant 448 : index
        %get3A_794 = tpu.vector_load %arg13[%get3A_792, %get3A_793] {strides = array<i32>} : memref<32x512xf32, #tpu.memory_space<vmem>>, vector<16xf32>,
        %bitcast3A_795 = vector.bitcast %get3A_794 : vector<16xf32> to vector<32xbf16>
        %unpack3A_796 = tpu.unpack_subelements %bitcast3A_791, 0 {pack_format = #tpu.pack_format<interleaved>} : vector<32xbf16> -> vector<16xf32>
        %unpack3A_797 = tpu.unpack_subelements %bitcast3A_791, 1 {pack_format = #tpu.pack_format<interleaved>} : vector<32xbf16> -> vector<16xf32>
        %unpack3A_798 = tpu.unpack_subelements %bitcast3A_795, 0 {pack_format = #tpu.pack_format<interleaved>} : vector<32xbf16> -> vector<16xf32>
        %unpack3A_799 = tpu.unpack_subelements %bitcast3A_795, 1 {pack_format = #tpu.pack_format<interleaved>} : vector<32xbf16> -> vector<16xf32>
        %mul3A_800 = arith.constant 2 : i32
        %mul3A_801 = vector.broadcast %mul3A_800 : i32 to vector<16xi32>
        %mul3A_802 = arith.muli %iota3A, %mul3A_801 : vector<16xi32>
        %add3A_803 = arith.constant 896 : i32
        %add3A_804 = vector.broadcast %add3A_803 : i32 to vector<16xi32>
        %add3A_805 = arith.addi %add3A_804, %mul3A_802 : vector<16xi32>
        %mul3A_806 = arith.mulf %unpack3A_796, %gather3A : vector<16xf32>
        %mul3A_807 = arith.mulf %unpack3A_798, %gather3A_34 : vector<16xf32>
        %add3A_808 = arith.addf %mul3A_806, %mul3A_807 : vector<16xf32>
        tpu.vector_store_idx %arg14[%broadcast_in_dim3A, %add3A_805], %add3A_808 : memref<32x1024xf32, #tpu.memory_space<vmem>>[vector<16xi32>, vector<16xi32>], vector<16xf32>,
        %add3A_809 = arith.constant 1 : i32
        %add3A_810 = vector.broadcast %add3A_809 : i32 to vector<16xi32>
        %add3A_811 = arith.addi %add3A_805, %add3A_810 : vector<16xi32>
        %mul3A_812 = arith.mulf %unpack3A_797, %gather3A : vector<16xf32>
        %mul3A_813 = arith.mulf %unpack3A_799, %gather3A_34 : vector<16xf32>
        %add3A_814 = arith.addf %mul3A_812, %mul3A_813 : vector<16xf32>
        tpu.vector_store_idx %arg14[%broadcast_in_dim3A, %add3A_811], %add3A_814 : memref<32x1024xf32, #tpu.memory_space<vmem>>[vector<16xi32>, vector<16xi32>], vector<16xf32>,
        %get3A_815 = arith.index_cast %scan3A_32 : i32 to index
        %get3A_816 = arith.constant 464 : index
        %get3A_817 = tpu.vector_load %arg12[%get3A_815, %get3A_816] {strides = array<i32>} : memref<32x512xf32, #tpu.memory_space<vmem>>, vector<16xf32>,
        %bitcast3A_818 = vector.bitcast %get3A_817 : vector<16xf32> to vector<32xbf16>
        %get3A_819 = arith.index_cast %scan3A_32 : i32 to index
        %get3A_820 = arith.constant 464 : index
        %get3A_821 = tpu.vector_load %arg13[%get3A_819, %get3A_820] {strides = array<i32>} : memref<32x512xf32, #tpu.memory_space<vmem>>, vector<16xf32>,
        %bitcast3A_822 = vector.bitcast %get3A_821 : vector<16xf32> to vector<32xbf16>
        %unpack3A_823 = tpu.unpack_subelements %bitcast3A_818, 0 {pack_format = #tpu.pack_format<interleaved>} : vector<32xbf16> -> vector<16xf32>
        %unpack3A_824 = tpu.unpack_subelements %bitcast3A_818, 1 {pack_format = #tpu.pack_format<interleaved>} : vector<32xbf16> -> vector<16xf32>
        %unpack3A_825 = tpu.unpack_subelements %bitcast3A_822, 0 {pack_format = #tpu.pack_format<interleaved>} : vector<32xbf16> -> vector<16xf32>
        %unpack3A_826 = tpu.unpack_subelements %bitcast3A_822, 1 {pack_format = #tpu.pack_format<interleaved>} : vector<32xbf16> -> vector<16xf32>
        %mul3A_827 = arith.constant 2 : i32
        %mul3A_828 = vector.broadcast %mul3A_827 : i32 to vector<16xi32>
        %mul3A_829 = arith.muli %iota3A, %mul3A_828 : vector<16xi32>
        %add3A_830 = arith.constant 928 : i32
        %add3A_831 = vector.broadcast %add3A_830 : i32 to vector<16xi32>
        %add3A_832 = arith.addi %add3A_831, %mul3A_829 : vector<16xi32>
        %mul3A_833 = arith.mulf %unpack3A_823, %gather3A : vector<16xf32>
        %mul3A_834 = arith.mulf %unpack3A_825, %gather3A_34 : vector<16xf32>
        %add3A_835 = arith.addf %mul3A_833, %mul3A_834 : vector<16xf32>
        tpu.vector_store_idx %arg14[%broadcast_in_dim3A, %add3A_832], %add3A_835 : memref<32x1024xf32, #tpu.memory_space<vmem>>[vector<16xi32>, vector<16xi32>], vector<16xf32>,
        %add3A_836 = arith.constant 1 : i32
        %add3A_837 = vector.broadcast %add3A_836 : i32 to vector<16xi32>
        %add3A_838 = arith.addi %add3A_832, %add3A_837 : vector<16xi32>
        %mul3A_839 = arith.mulf %unpack3A_824, %gather3A : vector<16xf32>
        %mul3A_840 = arith.mulf %unpack3A_826, %gather3A_34 : vector<16xf32>
        %add3A_841 = arith.addf %mul3A_839, %mul3A_840 : vector<16xf32>
        tpu.vector_store_idx %arg14[%broadcast_in_dim3A, %add3A_838], %add3A_841 : memref<32x1024xf32, #tpu.memory_space<vmem>>[vector<16xi32>, vector<16xi32>], vector<16xf32>,
        %get3A_842 = arith.index_cast %scan3A_32 : i32 to index
        %get3A_843 = arith.constant 480 : index
        %get3A_844 = tpu.vector_load %arg12[%get3A_842, %get3A_843] {strides = array<i32>} : memref<32x512xf32, #tpu.memory_space<vmem>>, vector<16xf32>,
        %bitcast3A_845 = vector.bitcast %get3A_844 : vector<16xf32> to vector<32xbf16>
        %get3A_846 = arith.index_cast %scan3A_32 : i32 to index
        %get3A_847 = arith.constant 480 : index
        %get3A_848 = tpu.vector_load %arg13[%get3A_846, %get3A_847] {strides = array<i32>} : memref<32x512xf32, #tpu.memory_space<vmem>>, vector<16xf32>,
        %bitcast3A_849 = vector.bitcast %get3A_848 : vector<16xf32> to vector<32xbf16>
        %unpack3A_850 = tpu.unpack_subelements %bitcast3A_845, 0 {pack_format = #tpu.pack_format<interleaved>} : vector<32xbf16> -> vector<16xf32>
        %unpack3A_851 = tpu.unpack_subelements %bitcast3A_845, 1 {pack_format = #tpu.pack_format<interleaved>} : vector<32xbf16> -> vector<16xf32>
        %unpack3A_852 = tpu.unpack_subelements %bitcast3A_849, 0 {pack_format = #tpu.pack_format<interleaved>} : vector<32xbf16> -> vector<16xf32>
        %unpack3A_853 = tpu.unpack_subelements %bitcast3A_849, 1 {pack_format = #tpu.pack_format<interleaved>} : vector<32xbf16> -> vector<16xf32>
        %mul3A_854 = arith.constant 2 : i32
        %mul3A_855 = vector.broadcast %mul3A_854 : i32 to vector<16xi32>
        %mul3A_856 = arith.muli %iota3A, %mul3A_855 : vector<16xi32>
        %add3A_857 = arith.constant 960 : i32
        %add3A_858 = vector.broadcast %add3A_857 : i32 to vector<16xi32>
        %add3A_859 = arith.addi %add3A_858, %mul3A_856 : vector<16xi32>
        %mul3A_860 = arith.mulf %unpack3A_850, %gather3A : vector<16xf32>
        %mul3A_861 = arith.mulf %unpack3A_852, %gather3A_34 : vector<16xf32>
        %add3A_862 = arith.addf %mul3A_860, %mul3A_861 : vector<16xf32>
        tpu.vector_store_idx %arg14[%broadcast_in_dim3A, %add3A_859], %add3A_862 : memref<32x1024xf32, #tpu.memory_space<vmem>>[vector<16xi32>, vector<16xi32>], vector<16xf32>,
        %add3A_863 = arith.constant 1 : i32
        %add3A_864 = vector.broadcast %add3A_863 : i32 to vector<16xi32>
        %add3A_865 = arith.addi %add3A_859, %add3A_864 : vector<16xi32>
        %mul3A_866 = arith.mulf %unpack3A_851, %gather3A : vector<16xf32>
        %mul3A_867 = arith.mulf %unpack3A_853, %gather3A_34 : vector<16xf32>
        %add3A_868 = arith.addf %mul3A_866, %mul3A_867 : vector<16xf32>
        tpu.vector_store_idx %arg14[%broadcast_in_dim3A, %add3A_865], %add3A_868 : memref<32x1024xf32, #tpu.memory_space<vmem>>[vector<16xi32>, vector<16xi32>], vector<16xf32>,
        %get3A_869 = arith.index_cast %scan3A_32 : i32 to index
        %get3A_870 = arith.constant 496 : index
        %get3A_871 = tpu.vector_load %arg12[%get3A_869, %get3A_870] {strides = array<i32>} : memref<32x512xf32, #tpu.memory_space<vmem>>, vector<16xf32>,
        %bitcast3A_872 = vector.bitcast %get3A_871 : vector<16xf32> to vector<32xbf16>
        %get3A_873 = arith.index_cast %scan3A_32 : i32 to index
        %get3A_874 = arith.constant 496 : index
        %get3A_875 = tpu.vector_load %arg13[%get3A_873, %get3A_874] {strides = array<i32>} : memref<32x512xf32, #tpu.memory_space<vmem>>, vector<16xf32>,
        %bitcast3A_876 = vector.bitcast %get3A_875 : vector<16xf32> to vector<32xbf16>
        %unpack3A_877 = tpu.unpack_subelements %bitcast3A_872, 0 {pack_format = #tpu.pack_format<interleaved>} : vector<32xbf16> -> vector<16xf32>
        %unpack3A_878 = tpu.unpack_subelements %bitcast3A_872, 1 {pack_format = #tpu.pack_format<interleaved>} : vector<32xbf16> -> vector<16xf32>
        %unpack3A_879 = tpu.unpack_subelements %bitcast3A_876, 0 {pack_format = #tpu.pack_format<interleaved>} : vector<32xbf16> -> vector<16xf32>
        %unpack3A_880 = tpu.unpack_subelements %bitcast3A_876, 1 {pack_format = #tpu.pack_format<interleaved>} : vector<32xbf16> -> vector<16xf32>
        %mul3A_881 = arith.constant 2 : i32
        %mul3A_882 = vector.broadcast %mul3A_881 : i32 to vector<16xi32>
        %mul3A_883 = arith.muli %iota3A, %mul3A_882 : vector<16xi32>
        %add3A_884 = arith.constant 992 : i32
        %add3A_885 = vector.broadcast %add3A_884 : i32 to vector<16xi32>
        %add3A_886 = arith.addi %add3A_885, %mul3A_883 : vector<16xi32>
        %mul3A_887 = arith.mulf %unpack3A_877, %gather3A : vector<16xf32>
        %mul3A_888 = arith.mulf %unpack3A_879, %gather3A_34 : vector<16xf32>
        %add3A_889 = arith.addf %mul3A_887, %mul3A_888 : vector<16xf32>
        tpu.vector_store_idx %arg14[%broadcast_in_dim3A, %add3A_886], %add3A_889 : memref<32x1024xf32, #tpu.memory_space<vmem>>[vector<16xi32>, vector<16xi32>], vector<16xf32>,
        %add3A_890 = arith.constant 1 : i32
        %add3A_891 = vector.broadcast %add3A_890 : i32 to vector<16xi32>
        %add3A_892 = arith.addi %add3A_886, %add3A_891 : vector<16xi32>
        %mul3A_893 = arith.mulf %unpack3A_878, %gather3A : vector<16xf32>
        %mul3A_894 = arith.mulf %unpack3A_880, %gather3A_34 : vector<16xf32>
        %add3A_895 = arith.addf %mul3A_893, %mul3A_894 : vector<16xf32>
        tpu.vector_store_idx %arg14[%broadcast_in_dim3A, %add3A_892], %add3A_895 : memref<32x1024xf32, #tpu.memory_space<vmem>>[vector<16xi32>, vector<16xi32>], vector<16xf32>,
        %scan3A_896 = arith.constant 0 : i32
        scf.yield %scan3A_896 : i32
      }
      %scan3A_30 = arith.constant 32 : i32
      "tpu.region"() ({
        %run_scoped3A = tpu.sem_alloc : memref<!tpu.dma_semaphore, #tpu.memory_space<semaphore_mem>>
        %dma_start3A_32 = arith.constant 0 : i32
        %dma_start3A_33 = tpu.memref_slice %arg7[%add3A_13, %dma_start3A_32] : memref<8192x1024xf32, #tpu.memory_space<hbm>> -> memref<32x1024xf32, #tpu.memory_space<hbm>>
        %dma_start3A_34 = arith.constant 0 : i32
        %dma_start3A_35 = tpu.memref_slice %arg7[%add3A_13, %dma_start3A_34] : memref<8192x1024xf32, #tpu.memory_space<hbm>> -> memref<32x1024xf32, #tpu.memory_space<hbm>>
        tpu.enqueue_dma source(%arg14 : memref<32x1024xf32, #tpu.memory_space<vmem>>) target(%dma_start3A_35 : memref<32x1024xf32, #tpu.memory_space<hbm>>) target_semaphore(%run_scoped3A : memref<!tpu.dma_semaphore, #tpu.memory_space<semaphore_mem>>)
        %dma_wait3A_36 = arith.constant 0 : i32
        %dma_wait3A_37 = tpu.memref_slice %arg7[%add3A_13, %dma_wait3A_36] : memref<8192x1024xf32, #tpu.memory_space<hbm>> -> memref<32x1024xf32, #tpu.memory_space<hbm>>
        %dma_wait3A_38 = arith.constant 0 : i32
        %dma_wait3A_39 = tpu.memref_slice %arg7[%add3A_13, %dma_wait3A_38] : memref<8192x1024xf32, #tpu.memory_space<hbm>> -> memref<32x1024xf32, #tpu.memory_space<hbm>>
        tpu.wait_dma2 semaphore(%run_scoped3A : memref<!tpu.dma_semaphore, #tpu.memory_space<semaphore_mem>>) src(%arg14 : memref<32x1024xf32, #tpu.memory_space<vmem>>) dst(%dma_wait3A_39 : memref<32x1024xf32, #tpu.memory_space<hbm>>)
        tpu.yield
      }) : () -> ()
      %scan3A_31 = arith.constant 0 : i32
      scf.yield %scan3A_31 : i32
    }
    %scan3A_8 = arith.constant 8 : i32
    return
  }
}

module attributes {stable_mosaic.version = 14 : i64} {
  func.func @_ffn_body(%arg0: i32, %arg1: memref<1x1x320xi32, #tpu.memory_space<smem>>, %arg2: memref<8192x1024xf32, #tpu.memory_space<any>>, %arg3: memref<1x1024x1024xf32, #tpu.memory_space<vmem>>, %arg4: memref<1x1x1024xf32, #tpu.memory_space<vmem>>, %arg5: memref<1x1024x1024xf32, #tpu.memory_space<vmem>>, %arg6: memref<1x1x1024xf32, #tpu.memory_space<vmem>>, %arg7: memref<1x320x1024xbf16, #tpu.memory_space<vmem>>, %arg8: memref<2x320x1024xf32, #tpu.memory_space<vmem>>, %arg9: memref<2x!tpu.dma_semaphore, #tpu.memory_space<semaphore_mem>>) attributes {dimension_semantics = [#tpu.dimension_semantics<arbitrary>], iteration_bounds = array<i64: 65>, scalar_prefetch = 0 : i64, scratch_operands = 2 : i64, tpu.core_type = #tpu.core_type<tc>, window_params = [{transform_indices = @transform_0, window_bounds = array<i64: 1, 1, 320>}, {}, {transform_indices = @transform_2, window_bounds = array<i64: 1, 1024, 1024>}, {transform_indices = @transform_3, window_bounds = array<i64: 1, 1, 1024>}, {transform_indices = @transform_4, window_bounds = array<i64: 1, 1024, 1024>}, {transform_indices = @transform_5, window_bounds = array<i64: 1, 1, 1024>}, {transform_indices = @transform_6, window_bounds = array<i64: 1, 320, 1024>}]} {
    %rem3A = arith.constant 2 : i32
    %rem3A_0 = arith.remsi %arg0, %rem3A : i32
    %lt3A = arith.constant 64 : i32
    %lt3A_1 = arith.cmpi slt, %arg0, %lt3A : i32
    %convert_element_type3A = arith.extui %lt3A_1 : i1 to i32
    %cond3A = arith.constant 0 : i32
    %cond3A_2 = arith.cmpi ne, %convert_element_type3A, %cond3A : i32
    scf.if %cond3A_2 {
      %scan3A = arith.constant 0 : i32
      %scan3A_7 = arith.constant 320 : i32
      %scan3A_8 = arith.addi %scan3A, %scan3A_7 : i32
      %scan3A_9 = arith.constant 8 : i32
      scf.for %scan3A_11 = %scan3A to %scan3A_8 step %scan3A_9  : i32 {
        %get3A = arith.constant 0 : index
        %get3A_12 = arith.constant 0 : index
        %get3A_13 = arith.index_cast %scan3A_11 : i32 to index
        %get3A_14 = memref.load %arg1[%get3A, %get3A_12, %get3A_13] : memref<1x1x320xi32, #tpu.memory_space<smem>>
        %dma_start3A = tpu.memref_slice %arg9[%rem3A_0] : memref<2x!tpu.dma_semaphore, #tpu.memory_space<semaphore_mem>> -> memref<1x!tpu.dma_semaphore, #tpu.memory_space<semaphore_mem>>
        %dma_start3A_15 = tpu.memref_squeeze %dma_start3A : memref<1x!tpu.dma_semaphore, #tpu.memory_space<semaphore_mem>> -> memref<!tpu.dma_semaphore, #tpu.memory_space<semaphore_mem>>
        %dma_start3A_16 = arith.constant 0 : i32
        %dma_start3A_17 = tpu.memref_slice %arg8[%rem3A_0, %scan3A_11, %dma_start3A_16] : memref<2x320x1024xf32, #tpu.memory_space<vmem>> -> memref<1x1x1024xf32, #tpu.memory_space<vmem>>
        %dma_start3A_18 = tpu.memref_squeeze %dma_start3A_17 : memref<1x1x1024xf32, #tpu.memory_space<vmem>> -> memref<1x1024xf32, #tpu.memory_space<vmem>>
        %dma_start3A_19 = arith.constant 0 : i32
        %dma_start3A_20 = tpu.memref_slice %arg2[%get3A_14, %dma_start3A_19] : memref<8192x1024xf32, #tpu.memory_space<any>> -> memref<1x1024xf32, #tpu.memory_space<any>>
        tpu.enqueue_dma source(%dma_start3A_20 : memref<1x1024xf32, #tpu.memory_space<any>>) target(%dma_start3A_18 : memref<1x1024xf32, #tpu.memory_space<vmem>>) target_semaphore(%dma_start3A_15 : memref<!tpu.dma_semaphore, #tpu.memory_space<semaphore_mem>>)
        %scan3A_21 = arith.constant 1 : i32
        %scan3A_22 = arith.addi %scan3A_11, %scan3A_21 : i32
        %get3A_23 = arith.constant 0 : index
        %get3A_24 = arith.constant 0 : index
        %get3A_25 = arith.index_cast %scan3A_22 : i32 to index
        %get3A_26 = memref.load %arg1[%get3A_23, %get3A_24, %get3A_25] : memref<1x1x320xi32, #tpu.memory_space<smem>>
        %dma_start3A_27 = tpu.memref_slice %arg9[%rem3A_0] : memref<2x!tpu.dma_semaphore, #tpu.memory_space<semaphore_mem>> -> memref<1x!tpu.dma_semaphore, #tpu.memory_space<semaphore_mem>>
        %dma_start3A_28 = tpu.memref_squeeze %dma_start3A_27 : memref<1x!tpu.dma_semaphore, #tpu.memory_space<semaphore_mem>> -> memref<!tpu.dma_semaphore, #tpu.memory_space<semaphore_mem>>
        %dma_start3A_29 = arith.constant 0 : i32
        %dma_start3A_30 = tpu.memref_slice %arg8[%rem3A_0, %scan3A_22, %dma_start3A_29] : memref<2x320x1024xf32, #tpu.memory_space<vmem>> -> memref<1x1x1024xf32, #tpu.memory_space<vmem>>
        %dma_start3A_31 = tpu.memref_squeeze %dma_start3A_30 : memref<1x1x1024xf32, #tpu.memory_space<vmem>> -> memref<1x1024xf32, #tpu.memory_space<vmem>>
        %dma_start3A_32 = arith.constant 0 : i32
        %dma_start3A_33 = tpu.memref_slice %arg2[%get3A_26, %dma_start3A_32] : memref<8192x1024xf32, #tpu.memory_space<any>> -> memref<1x1024xf32, #tpu.memory_space<any>>
        tpu.enqueue_dma source(%dma_start3A_33 : memref<1x1024xf32, #tpu.memory_space<any>>) target(%dma_start3A_31 : memref<1x1024xf32, #tpu.memory_space<vmem>>) target_semaphore(%dma_start3A_28 : memref<!tpu.dma_semaphore, #tpu.memory_space<semaphore_mem>>)
        %scan3A_34 = arith.constant 2 : i32
        %scan3A_35 = arith.addi %scan3A_11, %scan3A_34 : i32
        %get3A_36 = arith.constant 0 : index
        %get3A_37 = arith.constant 0 : index
        %get3A_38 = arith.index_cast %scan3A_35 : i32 to index
        %get3A_39 = memref.load %arg1[%get3A_36, %get3A_37, %get3A_38] : memref<1x1x320xi32, #tpu.memory_space<smem>>
        %dma_start3A_40 = tpu.memref_slice %arg9[%rem3A_0] : memref<2x!tpu.dma_semaphore, #tpu.memory_space<semaphore_mem>> -> memref<1x!tpu.dma_semaphore, #tpu.memory_space<semaphore_mem>>
        %dma_start3A_41 = tpu.memref_squeeze %dma_start3A_40 : memref<1x!tpu.dma_semaphore, #tpu.memory_space<semaphore_mem>> -> memref<!tpu.dma_semaphore, #tpu.memory_space<semaphore_mem>>
        %dma_start3A_42 = arith.constant 0 : i32
        %dma_start3A_43 = tpu.memref_slice %arg8[%rem3A_0, %scan3A_35, %dma_start3A_42] : memref<2x320x1024xf32, #tpu.memory_space<vmem>> -> memref<1x1x1024xf32, #tpu.memory_space<vmem>>
        %dma_start3A_44 = tpu.memref_squeeze %dma_start3A_43 : memref<1x1x1024xf32, #tpu.memory_space<vmem>> -> memref<1x1024xf32, #tpu.memory_space<vmem>>
        %dma_start3A_45 = arith.constant 0 : i32
        %dma_start3A_46 = tpu.memref_slice %arg2[%get3A_39, %dma_start3A_45] : memref<8192x1024xf32, #tpu.memory_space<any>> -> memref<1x1024xf32, #tpu.memory_space<any>>
        tpu.enqueue_dma source(%dma_start3A_46 : memref<1x1024xf32, #tpu.memory_space<any>>) target(%dma_start3A_44 : memref<1x1024xf32, #tpu.memory_space<vmem>>) target_semaphore(%dma_start3A_41 : memref<!tpu.dma_semaphore, #tpu.memory_space<semaphore_mem>>)
        %scan3A_47 = arith.constant 3 : i32
        %scan3A_48 = arith.addi %scan3A_11, %scan3A_47 : i32
        %get3A_49 = arith.constant 0 : index
        %get3A_50 = arith.constant 0 : index
        %get3A_51 = arith.index_cast %scan3A_48 : i32 to index
        %get3A_52 = memref.load %arg1[%get3A_49, %get3A_50, %get3A_51] : memref<1x1x320xi32, #tpu.memory_space<smem>>
        %dma_start3A_53 = tpu.memref_slice %arg9[%rem3A_0] : memref<2x!tpu.dma_semaphore, #tpu.memory_space<semaphore_mem>> -> memref<1x!tpu.dma_semaphore, #tpu.memory_space<semaphore_mem>>
        %dma_start3A_54 = tpu.memref_squeeze %dma_start3A_53 : memref<1x!tpu.dma_semaphore, #tpu.memory_space<semaphore_mem>> -> memref<!tpu.dma_semaphore, #tpu.memory_space<semaphore_mem>>
        %dma_start3A_55 = arith.constant 0 : i32
        %dma_start3A_56 = tpu.memref_slice %arg8[%rem3A_0, %scan3A_48, %dma_start3A_55] : memref<2x320x1024xf32, #tpu.memory_space<vmem>> -> memref<1x1x1024xf32, #tpu.memory_space<vmem>>
        %dma_start3A_57 = tpu.memref_squeeze %dma_start3A_56 : memref<1x1x1024xf32, #tpu.memory_space<vmem>> -> memref<1x1024xf32, #tpu.memory_space<vmem>>
        %dma_start3A_58 = arith.constant 0 : i32
        %dma_start3A_59 = tpu.memref_slice %arg2[%get3A_52, %dma_start3A_58] : memref<8192x1024xf32, #tpu.memory_space<any>> -> memref<1x1024xf32, #tpu.memory_space<any>>
        tpu.enqueue_dma source(%dma_start3A_59 : memref<1x1024xf32, #tpu.memory_space<any>>) target(%dma_start3A_57 : memref<1x1024xf32, #tpu.memory_space<vmem>>) target_semaphore(%dma_start3A_54 : memref<!tpu.dma_semaphore, #tpu.memory_space<semaphore_mem>>)
        %scan3A_60 = arith.constant 4 : i32
        %scan3A_61 = arith.addi %scan3A_11, %scan3A_60 : i32
        %get3A_62 = arith.constant 0 : index
        %get3A_63 = arith.constant 0 : index
        %get3A_64 = arith.index_cast %scan3A_61 : i32 to index
        %get3A_65 = memref.load %arg1[%get3A_62, %get3A_63, %get3A_64] : memref<1x1x320xi32, #tpu.memory_space<smem>>
        %dma_start3A_66 = tpu.memref_slice %arg9[%rem3A_0] : memref<2x!tpu.dma_semaphore, #tpu.memory_space<semaphore_mem>> -> memref<1x!tpu.dma_semaphore, #tpu.memory_space<semaphore_mem>>
        %dma_start3A_67 = tpu.memref_squeeze %dma_start3A_66 : memref<1x!tpu.dma_semaphore, #tpu.memory_space<semaphore_mem>> -> memref<!tpu.dma_semaphore, #tpu.memory_space<semaphore_mem>>
        %dma_start3A_68 = arith.constant 0 : i32
        %dma_start3A_69 = tpu.memref_slice %arg8[%rem3A_0, %scan3A_61, %dma_start3A_68] : memref<2x320x1024xf32, #tpu.memory_space<vmem>> -> memref<1x1x1024xf32, #tpu.memory_space<vmem>>
        %dma_start3A_70 = tpu.memref_squeeze %dma_start3A_69 : memref<1x1x1024xf32, #tpu.memory_space<vmem>> -> memref<1x1024xf32, #tpu.memory_space<vmem>>
        %dma_start3A_71 = arith.constant 0 : i32
        %dma_start3A_72 = tpu.memref_slice %arg2[%get3A_65, %dma_start3A_71] : memref<8192x1024xf32, #tpu.memory_space<any>> -> memref<1x1024xf32, #tpu.memory_space<any>>
        tpu.enqueue_dma source(%dma_start3A_72 : memref<1x1024xf32, #tpu.memory_space<any>>) target(%dma_start3A_70 : memref<1x1024xf32, #tpu.memory_space<vmem>>) target_semaphore(%dma_start3A_67 : memref<!tpu.dma_semaphore, #tpu.memory_space<semaphore_mem>>)
        %scan3A_73 = arith.constant 5 : i32
        %scan3A_74 = arith.addi %scan3A_11, %scan3A_73 : i32
        %get3A_75 = arith.constant 0 : index
        %get3A_76 = arith.constant 0 : index
        %get3A_77 = arith.index_cast %scan3A_74 : i32 to index
        %get3A_78 = memref.load %arg1[%get3A_75, %get3A_76, %get3A_77] : memref<1x1x320xi32, #tpu.memory_space<smem>>
        %dma_start3A_79 = tpu.memref_slice %arg9[%rem3A_0] : memref<2x!tpu.dma_semaphore, #tpu.memory_space<semaphore_mem>> -> memref<1x!tpu.dma_semaphore, #tpu.memory_space<semaphore_mem>>
        %dma_start3A_80 = tpu.memref_squeeze %dma_start3A_79 : memref<1x!tpu.dma_semaphore, #tpu.memory_space<semaphore_mem>> -> memref<!tpu.dma_semaphore, #tpu.memory_space<semaphore_mem>>
        %dma_start3A_81 = arith.constant 0 : i32
        %dma_start3A_82 = tpu.memref_slice %arg8[%rem3A_0, %scan3A_74, %dma_start3A_81] : memref<2x320x1024xf32, #tpu.memory_space<vmem>> -> memref<1x1x1024xf32, #tpu.memory_space<vmem>>
        %dma_start3A_83 = tpu.memref_squeeze %dma_start3A_82 : memref<1x1x1024xf32, #tpu.memory_space<vmem>> -> memref<1x1024xf32, #tpu.memory_space<vmem>>
        %dma_start3A_84 = arith.constant 0 : i32
        %dma_start3A_85 = tpu.memref_slice %arg2[%get3A_78, %dma_start3A_84] : memref<8192x1024xf32, #tpu.memory_space<any>> -> memref<1x1024xf32, #tpu.memory_space<any>>
        tpu.enqueue_dma source(%dma_start3A_85 : memref<1x1024xf32, #tpu.memory_space<any>>) target(%dma_start3A_83 : memref<1x1024xf32, #tpu.memory_space<vmem>>) target_semaphore(%dma_start3A_80 : memref<!tpu.dma_semaphore, #tpu.memory_space<semaphore_mem>>)
        %scan3A_86 = arith.constant 6 : i32
        %scan3A_87 = arith.addi %scan3A_11, %scan3A_86 : i32
        %get3A_88 = arith.constant 0 : index
        %get3A_89 = arith.constant 0 : index
        %get3A_90 = arith.index_cast %scan3A_87 : i32 to index
        %get3A_91 = memref.load %arg1[%get3A_88, %get3A_89, %get3A_90] : memref<1x1x320xi32, #tpu.memory_space<smem>>
        %dma_start3A_92 = tpu.memref_slice %arg9[%rem3A_0] : memref<2x!tpu.dma_semaphore, #tpu.memory_space<semaphore_mem>> -> memref<1x!tpu.dma_semaphore, #tpu.memory_space<semaphore_mem>>
        %dma_start3A_93 = tpu.memref_squeeze %dma_start3A_92 : memref<1x!tpu.dma_semaphore, #tpu.memory_space<semaphore_mem>> -> memref<!tpu.dma_semaphore, #tpu.memory_space<semaphore_mem>>
        %dma_start3A_94 = arith.constant 0 : i32
        %dma_start3A_95 = tpu.memref_slice %arg8[%rem3A_0, %scan3A_87, %dma_start3A_94] : memref<2x320x1024xf32, #tpu.memory_space<vmem>> -> memref<1x1x1024xf32, #tpu.memory_space<vmem>>
        %dma_start3A_96 = tpu.memref_squeeze %dma_start3A_95 : memref<1x1x1024xf32, #tpu.memory_space<vmem>> -> memref<1x1024xf32, #tpu.memory_space<vmem>>
        %dma_start3A_97 = arith.constant 0 : i32
        %dma_start3A_98 = tpu.memref_slice %arg2[%get3A_91, %dma_start3A_97] : memref<8192x1024xf32, #tpu.memory_space<any>> -> memref<1x1024xf32, #tpu.memory_space<any>>
        tpu.enqueue_dma source(%dma_start3A_98 : memref<1x1024xf32, #tpu.memory_space<any>>) target(%dma_start3A_96 : memref<1x1024xf32, #tpu.memory_space<vmem>>) target_semaphore(%dma_start3A_93 : memref<!tpu.dma_semaphore, #tpu.memory_space<semaphore_mem>>)
        %scan3A_99 = arith.constant 7 : i32
        %scan3A_100 = arith.addi %scan3A_11, %scan3A_99 : i32
        %get3A_101 = arith.constant 0 : index
        %get3A_102 = arith.constant 0 : index
        %get3A_103 = arith.index_cast %scan3A_100 : i32 to index
        %get3A_104 = memref.load %arg1[%get3A_101, %get3A_102, %get3A_103] : memref<1x1x320xi32, #tpu.memory_space<smem>>
        %dma_start3A_105 = tpu.memref_slice %arg9[%rem3A_0] : memref<2x!tpu.dma_semaphore, #tpu.memory_space<semaphore_mem>> -> memref<1x!tpu.dma_semaphore, #tpu.memory_space<semaphore_mem>>
        %dma_start3A_106 = tpu.memref_squeeze %dma_start3A_105 : memref<1x!tpu.dma_semaphore, #tpu.memory_space<semaphore_mem>> -> memref<!tpu.dma_semaphore, #tpu.memory_space<semaphore_mem>>
        %dma_start3A_107 = arith.constant 0 : i32
        %dma_start3A_108 = tpu.memref_slice %arg8[%rem3A_0, %scan3A_100, %dma_start3A_107] : memref<2x320x1024xf32, #tpu.memory_space<vmem>> -> memref<1x1x1024xf32, #tpu.memory_space<vmem>>
        %dma_start3A_109 = tpu.memref_squeeze %dma_start3A_108 : memref<1x1x1024xf32, #tpu.memory_space<vmem>> -> memref<1x1024xf32, #tpu.memory_space<vmem>>
        %dma_start3A_110 = arith.constant 0 : i32
        %dma_start3A_111 = tpu.memref_slice %arg2[%get3A_104, %dma_start3A_110] : memref<8192x1024xf32, #tpu.memory_space<any>> -> memref<1x1024xf32, #tpu.memory_space<any>>
        tpu.enqueue_dma source(%dma_start3A_111 : memref<1x1024xf32, #tpu.memory_space<any>>) target(%dma_start3A_109 : memref<1x1024xf32, #tpu.memory_space<vmem>>) target_semaphore(%dma_start3A_106 : memref<!tpu.dma_semaphore, #tpu.memory_space<semaphore_mem>>)
      }
      %scan3A_10 = arith.constant 320 : i32
    } else {
    }
    %ge3A = arith.constant 1 : i32
    %ge3A_3 = arith.cmpi sge, %arg0, %ge3A : i32
    %convert_element_type3A_4 = arith.extui %ge3A_3 : i1 to i32
    %cond3A_5 = arith.constant 0 : i32
    %cond3A_6 = arith.cmpi ne, %convert_element_type3A_4, %cond3A_5 : i32
    scf.if %cond3A_6 {
      %add3A = arith.constant 1 : i32
      %add3A_7 = arith.addi %arg0, %add3A : i32
      %rem3A_8 = arith.constant 2 : i32
      %rem3A_9 = arith.remsi %add3A_7, %rem3A_8 : i32
      %dma_wait3A = tpu.memref_slice %arg9[%rem3A_9] : memref<2x!tpu.dma_semaphore, #tpu.memory_space<semaphore_mem>> -> memref<1x!tpu.dma_semaphore, #tpu.memory_space<semaphore_mem>>
      %dma_wait3A_10 = tpu.memref_squeeze %dma_wait3A : memref<1x!tpu.dma_semaphore, #tpu.memory_space<semaphore_mem>> -> memref<!tpu.dma_semaphore, #tpu.memory_space<semaphore_mem>>
      %dma_wait3A_11 = arith.constant 0 : i32
      %dma_wait3A_12 = arith.constant 0 : i32
      %dma_wait3A_13 = tpu.memref_slice %arg8[%rem3A_9, %dma_wait3A_11, %dma_wait3A_12] : memref<2x320x1024xf32, #tpu.memory_space<vmem>> -> memref<1x320x1024xf32, #tpu.memory_space<vmem>>
      %dma_wait3A_14 = tpu.memref_squeeze %dma_wait3A_13 : memref<1x320x1024xf32, #tpu.memory_space<vmem>> -> memref<320x1024xf32, #tpu.memory_space<vmem>>
      %dma_wait3A_15 = arith.constant 0 : i32
      %dma_wait3A_16 = arith.constant 0 : i32
      %dma_wait3A_17 = tpu.memref_slice %arg2[%dma_wait3A_15, %dma_wait3A_16] : memref<8192x1024xf32, #tpu.memory_space<any>> -> memref<320x1024xf32, #tpu.memory_space<any>>
      tpu.wait_dma2 semaphore(%dma_wait3A_10 : memref<!tpu.dma_semaphore, #tpu.memory_space<semaphore_mem>>) src(%dma_wait3A_17 : memref<320x1024xf32, #tpu.memory_space<any>>) dst(%dma_wait3A_14 : memref<320x1024xf32, #tpu.memory_space<vmem>>)
      %get3A = arith.index_cast %rem3A_9 : i32 to index
      %get3A_18 = arith.constant 0 : index
      %get3A_19 = arith.constant 0 : index
      %get3A_20 = vector.load %arg8[%get3A, %get3A_18, %get3A_19] : memref<2x320x1024xf32, #tpu.memory_space<vmem>>, vector<1x320x1024xf32>
      %get3A_21 = vector.shape_cast %get3A_20 : vector<1x320x1024xf32> to vector<320x1024xf32>
      %convert_element_type3A_22 = arith.truncf %get3A_21 : vector<320x1024xf32> to vector<320x1024xbf16>
      %get3A_23 = arith.constant 0 : index
      %get3A_24 = arith.constant 0 : index
      %get3A_25 = arith.constant 0 : index
      %get3A_26 = vector.load %arg3[%get3A_23, %get3A_24, %get3A_25] : memref<1x1024x1024xf32, #tpu.memory_space<vmem>>, vector<1x1024x1024xf32>
      %get3A_27 = vector.shape_cast %get3A_26 : vector<1x1024x1024xf32> to vector<1024x1024xf32>
      %convert_element_type3A_28 = arith.truncf %get3A_27 : vector<1024x1024xf32> to vector<1024x1024xbf16>
      %dot_general3A = arith.constant dense<0.000000e+00> : vector<320x1024xf32>
      %dot_general3A_29 = tpu.matmul %convert_element_type3A_22, %convert_element_type3A_28, %dot_general3A {dimension_numbers = #tpu.dot_dimension_numbers<[1], [0], [0], [1], [0, 0, 1, 1], [], []>, transpose_lhs_hint = false} : vector<320x1024xbf16>, vector<1024x1024xbf16>, vector<320x1024xf32> -> vector<320x1024xf32>
      %get3A_30 = arith.constant 0 : index
      %get3A_31 = arith.constant 0 : index
      %get3A_32 = arith.constant 0 : index
      %get3A_33 = vector.load %arg4[%get3A_30, %get3A_31, %get3A_32] : memref<1x1x1024xf32, #tpu.memory_space<vmem>>, vector<1x1x1024xf32>
      %get3A_34 = vector.shape_cast %get3A_33 : vector<1x1x1024xf32> to vector<1x1024xf32>
      %add3A_35 = vector.broadcast %get3A_34 : vector<1x1024xf32> to vector<320x1024xf32>
      %add3A_36 = arith.addf %dot_general3A_29, %add3A_35 : vector<320x1024xf32>
      %integer_pow3A = arith.mulf %add3A_36, %add3A_36 : vector<320x1024xf32>
      %integer_pow3A_37 = arith.mulf %add3A_36, %integer_pow3A : vector<320x1024xf32>
      %mul3A = arith.constant 4.471500e-02 : f32
      %mul3A_38 = vector.broadcast %mul3A : f32 to vector<320x1024xf32>
      %mul3A_39 = arith.mulf %mul3A_38, %integer_pow3A_37 : vector<320x1024xf32>
      %add3A_40 = arith.addf %add3A_36, %mul3A_39 : vector<320x1024xf32>
      %mul3A_41 = arith.constant 0.797884583 : f32
      %mul3A_42 = vector.broadcast %mul3A_41 : f32 to vector<320x1024xf32>
      %mul3A_43 = arith.mulf %mul3A_42, %add3A_40 : vector<320x1024xf32>
      %tanh3A = math.tanh %mul3A_43 : vector<320x1024xf32>
      %add3A_44 = arith.constant 1.000000e+00 : f32
      %add3A_45 = vector.broadcast %add3A_44 : f32 to vector<320x1024xf32>
      %add3A_46 = arith.addf %add3A_45, %tanh3A : vector<320x1024xf32>
      %mul3A_47 = arith.constant 5.000000e-01 : f32
      %mul3A_48 = vector.broadcast %mul3A_47 : f32 to vector<320x1024xf32>
      %mul3A_49 = arith.mulf %mul3A_48, %add3A_46 : vector<320x1024xf32>
      %mul3A_50 = arith.mulf %add3A_36, %mul3A_49 : vector<320x1024xf32>
      %convert_element_type3A_51 = arith.truncf %mul3A_50 : vector<320x1024xf32> to vector<320x1024xbf16>
      %get3A_52 = arith.constant 0 : index
      %get3A_53 = arith.constant 0 : index
      %get3A_54 = arith.constant 0 : index
      %get3A_55 = vector.load %arg5[%get3A_52, %get3A_53, %get3A_54] : memref<1x1024x1024xf32, #tpu.memory_space<vmem>>, vector<1x1024x1024xf32>
      %get3A_56 = vector.shape_cast %get3A_55 : vector<1x1024x1024xf32> to vector<1024x1024xf32>
      %convert_element_type3A_57 = arith.truncf %get3A_56 : vector<1024x1024xf32> to vector<1024x1024xbf16>
      %dot_general3A_58 = arith.constant dense<0.000000e+00> : vector<320x1024xf32>
      %dot_general3A_59 = tpu.matmul %convert_element_type3A_51, %convert_element_type3A_57, %dot_general3A_58 {dimension_numbers = #tpu.dot_dimension_numbers<[1], [0], [0], [1], [0, 0, 1, 1], [], []>, transpose_lhs_hint = false} : vector<320x1024xbf16>, vector<1024x1024xbf16>, vector<320x1024xf32> -> vector<320x1024xf32>
      %get3A_60 = arith.constant 0 : index
      %get3A_61 = arith.constant 0 : index
      %get3A_62 = arith.constant 0 : index
      %get3A_63 = vector.load %arg6[%get3A_60, %get3A_61, %get3A_62] : memref<1x1x1024xf32, #tpu.memory_space<vmem>>, vector<1x1x1024xf32>
      %get3A_64 = vector.shape_cast %get3A_63 : vector<1x1x1024xf32> to vector<1x1024xf32>
      %add3A_65 = vector.broadcast %get3A_64 : vector<1x1024xf32> to vector<320x1024xf32>
      %add3A_66 = arith.addf %dot_general3A_59, %add3A_65 : vector<320x1024xf32>
      %convert_element_type3A_67 = arith.truncf %add3A_66 : vector<320x1024xf32> to vector<320x1024xbf16>
      %swap3A = arith.constant 0 : index
      %swap3A_68 = arith.constant 0 : index
      %swap3A_69 = arith.constant 0 : index
      %swap3A_70 = vector.load %arg7[%swap3A, %swap3A_68, %swap3A_69] : memref<1x320x1024xbf16, #tpu.memory_space<vmem>>, vector<1x320x1024xbf16>
      %swap3A_71 = vector.shape_cast %swap3A_70 : vector<1x320x1024xbf16> to vector<320x1024xbf16>
      %swap3A_72 = vector.shape_cast %convert_element_type3A_67 : vector<320x1024xbf16> to vector<1x320x1024xbf16>
      tpu.vector_store %arg7[%swap3A, %swap3A_68, %swap3A_69], %swap3A_72 {strides = array<i32>} : memref<1x320x1024xbf16, #tpu.memory_space<vmem>>, vector<1x320x1024xbf16>,
    } else {
    }
    return
  }
  func.func @transform_0(%arg0: i32) -> (i32, i32, i32) {
    %min3A = arith.constant 63 : i32
    %min3A_0 = arith.minsi %arg0, %min3A : i32
    %c0_i32 = arith.constant 0 : i32
    %c0_i32_1 = arith.constant 0 : i32
    %c0_i32_2 = arith.constant 0 : i32
    return %min3A_0, %c0_i32, %c0_i32_1 : i32, i32, i32
  }
  func.func @transform_2(%arg0: i32) -> (i32, i32, i32) {
    %sub3A = arith.constant 1 : i32
    %sub3A_0 = arith.subi %arg0, %sub3A : i32
    %max3A = arith.constant 0 : i32
    %max3A_1 = arith.maxsi %sub3A_0, %max3A : i32
    %c0_i32 = arith.constant 0 : i32
    %c0_i32_2 = arith.constant 0 : i32
    %c0_i32_3 = arith.constant 0 : i32
    return %max3A_1, %c0_i32, %c0_i32_2 : i32, i32, i32
  }
  func.func @transform_3(%arg0: i32) -> (i32, i32, i32) {
    %sub3A = arith.constant 1 : i32
    %sub3A_0 = arith.subi %arg0, %sub3A : i32
    %max3A = arith.constant 0 : i32
    %max3A_1 = arith.maxsi %sub3A_0, %max3A : i32
    %c0_i32 = arith.constant 0 : i32
    %c0_i32_2 = arith.constant 0 : i32
    %c0_i32_3 = arith.constant 0 : i32
    return %max3A_1, %c0_i32, %c0_i32_2 : i32, i32, i32
  }
  func.func @transform_4(%arg0: i32) -> (i32, i32, i32) {
    %sub3A = arith.constant 1 : i32
    %sub3A_0 = arith.subi %arg0, %sub3A : i32
    %max3A = arith.constant 0 : i32
    %max3A_1 = arith.maxsi %sub3A_0, %max3A : i32
    %c0_i32 = arith.constant 0 : i32
    %c0_i32_2 = arith.constant 0 : i32
    %c0_i32_3 = arith.constant 0 : i32
    return %max3A_1, %c0_i32, %c0_i32_2 : i32, i32, i32
  }
  func.func @transform_5(%arg0: i32) -> (i32, i32, i32) {
    %sub3A = arith.constant 1 : i32
    %sub3A_0 = arith.subi %arg0, %sub3A : i32
    %max3A = arith.constant 0 : i32
    %max3A_1 = arith.maxsi %sub3A_0, %max3A : i32
    %c0_i32 = arith.constant 0 : i32
    %c0_i32_2 = arith.constant 0 : i32
    %c0_i32_3 = arith.constant 0 : i32
    return %max3A_1, %c0_i32, %c0_i32_2 : i32, i32, i32
  }
  func.func @transform_6(%arg0: i32) -> (i32, i32, i32) {
    %sub3A = arith.constant 1 : i32
    %sub3A_0 = arith.subi %arg0, %sub3A : i32
    %max3A = arith.constant 0 : i32
    %max3A_1 = arith.maxsi %sub3A_0, %max3A : i32
    %c0_i32 = arith.constant 0 : i32
    %c0_i32_2 = arith.constant 0 : i32
    %c0_i32_3 = arith.constant 0 : i32
    return %max3A_1, %c0_i32, %c0_i32_2 : i32, i32, i32
  }
}

module attributes {stable_mosaic.version = 14 : i64} {
  func.func @_gate_body(%arg0: i32, %arg1: memref<512x1024xf32, #tpu.memory_space<vmem>>, %arg2: memref<1024x64xf32, #tpu.memory_space<vmem>>, %arg3: memref<1x1x512xi32, #tpu.memory_space<vmem>>, %arg4: memref<1x1x512xi32, #tpu.memory_space<vmem>>, %arg5: memref<1x1x512xi32, #tpu.memory_space<vmem>>, %arg6: memref<1x1x512xi32, #tpu.memory_space<vmem>>, %arg7: memref<1x1x512xf32, #tpu.memory_space<vmem>>, %arg8: memref<1x1x512xf32, #tpu.memory_space<vmem>>, %arg9: memref<8x128xf32, #tpu.memory_space<vmem>>, %arg10: memref<1x1xf32, #tpu.memory_space<smem>>, %arg11: memref<8x128xf32, #tpu.memory_space<vmem>>) attributes {dimension_semantics = [#tpu.dimension_semantics<arbitrary>], iteration_bounds = array<i64: 16>, scalar_prefetch = 0 : i64, scratch_operands = 1 : i64, tpu.core_type = #tpu.core_type<tc>, window_params = [{transform_indices = @transform_0, window_bounds = array<i64: 512, 1024>}, {pipeline_mode = #tpu.pipeline_mode<synchronous>, transform_indices = @transform_1, window_bounds = array<i64: 1024, 64>}, {transform_indices = @transform_2, window_bounds = array<i64: 1, 1, 512>}, {transform_indices = @transform_3, window_bounds = array<i64: 1, 1, 512>}, {transform_indices = @transform_4, window_bounds = array<i64: 1, 1, 512>}, {transform_indices = @transform_5, window_bounds = array<i64: 1, 1, 512>}, {transform_indices = @transform_6, window_bounds = array<i64: 1, 1, 512>}, {transform_indices = @transform_7, window_bounds = array<i64: 1, 1, 512>}, {pipeline_mode = #tpu.pipeline_mode<synchronous>, transform_indices = @transform_8, window_bounds = array<i64: 8, 128>}, {transform_indices = @transform_9, window_bounds = array<i64: 1, 1>}]} {
    %eq3A = arith.constant 0 : i32
    %eq3A_0 = arith.cmpi eq, %arg0, %eq3A : i32
    %convert_element_type3A = arith.extui %eq3A_0 : i1 to i32
    %cond3A = arith.constant 0 : i32
    %cond3A_1 = arith.cmpi ne, %convert_element_type3A, %cond3A : i32
    scf.if %cond3A_1 {
      %broadcast_in_dim3A_161 = arith.constant 0.000000e+00 : f32
      %broadcast_in_dim3A_162 = vector.broadcast %broadcast_in_dim3A_161 : f32 to vector<8x128xf32>
      %swap3A_163 = arith.constant 0 : index
      %swap3A_164 = arith.constant 0 : index
      %swap3A_165 = vector.load %arg11[%swap3A_163, %swap3A_164] : memref<8x128xf32, #tpu.memory_space<vmem>>, vector<8x128xf32>
      tpu.vector_store %arg11[%swap3A_163, %swap3A_164], %broadcast_in_dim3A_162 {strides = array<i32>} : memref<8x128xf32, #tpu.memory_space<vmem>>, vector<8x128xf32>,
    } else {
    }
    %get3A = arith.constant 0 : index
    %get3A_2 = arith.constant 0 : index
    %get3A_3 = vector.load %arg1[%get3A, %get3A_2] : memref<512x1024xf32, #tpu.memory_space<vmem>>, vector<512x1024xf32>
    %get3A_4 = arith.constant 0 : index
    %get3A_5 = arith.constant 0 : index
    %get3A_6 = vector.load %arg2[%get3A_4, %get3A_5] : memref<1024x64xf32, #tpu.memory_space<vmem>>, vector<1024x64xf32>
    %dot_general3A = arith.constant dense<0.000000e+00> : vector<512x64xf32>
    %dot_general3A_7 = tpu.matmul %get3A_3, %get3A_6, %dot_general3A {dimension_numbers = #tpu.dot_dimension_numbers<[1], [0], [0], [1], [0, 0, 1, 1], [], []>, transpose_lhs_hint = false} : vector<512x1024xf32>, vector<1024x64xf32>, vector<512x64xf32> -> vector<512x64xf32>
    %reduce_max3A = arith.constant dense<0xFF800000> : vector<512xf32>
    %reduce_max3A_8 = vector.multi_reduction <maximumf>, %dot_general3A_7, %reduce_max3A [1] : vector<512x64xf32> to vector<512xf32>
    %broadcast_in_dim3A = vector.shape_cast %reduce_max3A_8 : vector<512xf32> to vector<512x1xf32>
    %sub3A = vector.broadcast %broadcast_in_dim3A : vector<512x1xf32> to vector<512x64xf32>
    %sub3A_9 = arith.subf %dot_general3A_7, %sub3A : vector<512x64xf32>
    %exp3A = math.exp %sub3A_9 : vector<512x64xf32>
    %reduce_sum3A = arith.constant dense<0.000000e+00> : vector<512xf32>
    %reduce_sum3A_10 = vector.multi_reduction <add>, %exp3A, %reduce_sum3A [1] : vector<512x64xf32> to vector<512xf32>
    %broadcast_in_dim3A_11 = vector.shape_cast %reduce_sum3A_10 : vector<512xf32> to vector<512x1xf32>
    %div3A = vector.broadcast %broadcast_in_dim3A_11 : vector<512x1xf32> to vector<512x64xf32>
    %div3A_12 = arith.divf %exp3A, %div3A : vector<512x64xf32>
    %iota3A = tpu.iota {dimensions = array<i32: 1>} : vector<512x64xi32>
    %reduce_max3A_13 = arith.constant dense<0xFF800000> : vector<512xf32>
    %reduce_max3A_14 = vector.multi_reduction <maximumf>, %div3A_12, %reduce_max3A_13 [1] : vector<512x64xf32> to vector<512xf32>
    %broadcast_in_dim3A_15 = vector.shape_cast %reduce_max3A_14 : vector<512xf32> to vector<512x1xf32>
    %eq3A_16 = vector.broadcast %broadcast_in_dim3A_15 : vector<512x1xf32> to vector<512x64xf32>
    %eq3A_17 = arith.cmpf oeq, %div3A_12, %eq3A_16 : vector<512x64xf32>
    %jit3A = arith.constant 64 : i32
    %broadcast_in_dim3A_18 = vector.broadcast %jit3A : i32 to vector<512x64xi32>
    %select_n3A = arith.select %eq3A_17, %iota3A, %broadcast_in_dim3A_18 : vector<512x64xi1>, vector<512x64xi32>
    %reduce_min3A = arith.constant dense<2147483647> : vector<512xi32>
    %reduce_min3A_19 = vector.multi_reduction <minsi>, %select_n3A, %reduce_min3A [1] : vector<512x64xi32> to vector<512xi32>
    %broadcast_in_dim3A_20 = vector.shape_cast %reduce_min3A_19 : vector<512xi32> to vector<512x1xi32>
    %eq3A_21 = vector.broadcast %broadcast_in_dim3A_20 : vector<512x1xi32> to vector<512x64xi32>
    %eq3A_22 = arith.cmpi eq, %iota3A, %eq3A_21 : vector<512x64xi32>
    %jit3A_23 = arith.constant -1.000000e+00 : f32
    %broadcast_in_dim3A_24 = vector.broadcast %jit3A_23 : f32 to vector<512x64xf32>
    %select_n3A_25 = arith.select %eq3A_22, %broadcast_in_dim3A_24, %div3A_12 : vector<512x64xi1>, vector<512x64xf32>
    %reduce_max3A_26 = arith.constant dense<0xFF800000> : vector<512xf32>
    %reduce_max3A_27 = vector.multi_reduction <maximumf>, %select_n3A_25, %reduce_max3A_26 [1] : vector<512x64xf32> to vector<512xf32>
    %broadcast_in_dim3A_28 = vector.shape_cast %reduce_max3A_27 : vector<512xf32> to vector<512x1xf32>
    %eq3A_29 = vector.broadcast %broadcast_in_dim3A_28 : vector<512x1xf32> to vector<512x64xf32>
    %eq3A_30 = arith.cmpf oeq, %select_n3A_25, %eq3A_29 : vector<512x64xf32>
    %jit3A_31 = arith.constant 64 : i32
    %broadcast_in_dim3A_32 = vector.broadcast %jit3A_31 : i32 to vector<512x64xi32>
    %select_n3A_33 = arith.select %eq3A_30, %iota3A, %broadcast_in_dim3A_32 : vector<512x64xi1>, vector<512x64xi32>
    %reduce_min3A_34 = arith.constant dense<2147483647> : vector<512xi32>
    %reduce_min3A_35 = vector.multi_reduction <minsi>, %select_n3A_33, %reduce_min3A_34 [1] : vector<512x64xi32> to vector<512xi32>
    %broadcast_in_dim3A_36 = vector.shape_cast %reduce_min3A_35 : vector<512xi32> to vector<512x1xi32>
    %eq3A_37 = vector.broadcast %broadcast_in_dim3A_36 : vector<512x1xi32> to vector<512x64xi32>
    %eq3A_38 = arith.cmpi eq, %iota3A, %eq3A_37 : vector<512x64xi32>
    %squeeze3A = vector.shape_cast %broadcast_in_dim3A_15 : vector<512x1xf32> to vector<512xf32>
    %squeeze3A_39 = vector.shape_cast %broadcast_in_dim3A_28 : vector<512x1xf32> to vector<512xf32>
    %add3A = arith.addf %squeeze3A, %squeeze3A_39 : vector<512xf32>
    %add3A_40 = arith.constant 9.99999971E-10 : f32
    %add3A_41 = vector.broadcast %add3A_40 : f32 to vector<512xf32>
    %add3A_42 = arith.addf %add3A, %add3A_41 : vector<512xf32>
    %squeeze3A_43 = vector.shape_cast %broadcast_in_dim3A_15 : vector<512x1xf32> to vector<512xf32>
    %div3A_44 = arith.divf %squeeze3A_43, %add3A_42 : vector<512xf32>
    %squeeze3A_45 = vector.shape_cast %broadcast_in_dim3A_28 : vector<512x1xf32> to vector<512xf32>
    %div3A_46 = arith.divf %squeeze3A_45, %add3A_42 : vector<512xf32>
    %convert_element_type3A_47 = arith.extui %eq3A_22 : vector<512x64xi1> to vector<512x64xi32>
    %convert_element_type3A_48 = arith.sitofp %convert_element_type3A_47 : vector<512x64xi32> to vector<512x64xf32>
    %convert_element_type3A_49 = arith.extui %eq3A_38 : vector<512x64xi1> to vector<512x64xi32>
    %convert_element_type3A_50 = arith.sitofp %convert_element_type3A_49 : vector<512x64xi32> to vector<512x64xf32>
    %iota3A_51 = tpu.iota {dimensions = array<i32: 0>} : vector<512x512xi32>
    %iota3A_52 = tpu.iota {dimensions = array<i32: 1>} : vector<512x512xi32>
    %ge3A = arith.cmpi sge, %iota3A_51, %iota3A_52 : vector<512x512xi32>
    %convert_element_type3A_53 = arith.extui %ge3A : vector<512x512xi1> to vector<512x512xi32>
    %convert_element_type3A_54 = arith.sitofp %convert_element_type3A_53 : vector<512x512xi32> to vector<512x512xf32>
    %dot_general3A_55 = arith.constant dense<0.000000e+00> : vector<512x64xf32>
    %dot_general3A_56 = tpu.matmul %convert_element_type3A_54, %convert_element_type3A_48, %dot_general3A_55 {dimension_numbers = #tpu.dot_dimension_numbers<[1], [0], [0], [1], [0, 0, 1, 1], [], []>, transpose_lhs_hint = false} : vector<512x512xf32>, vector<512x64xf32>, vector<512x64xf32> -> vector<512x64xf32>
    %dot_general3A_57 = arith.constant dense<0.000000e+00> : vector<512x64xf32>
    %dot_general3A_58 = tpu.matmul %convert_element_type3A_54, %convert_element_type3A_50, %dot_general3A_57 {dimension_numbers = #tpu.dot_dimension_numbers<[1], [0], [0], [1], [0, 0, 1, 1], [], []>, transpose_lhs_hint = false} : vector<512x512xf32>, vector<512x64xf32>, vector<512x64xf32> -> vector<512x64xf32>
    %get3A_59 = arith.constant 0 : index
    %get3A_60 = arith.constant 0 : index
    %get3A_61 = vector.load %arg11[%get3A_59, %get3A_60] : memref<8x128xf32, #tpu.memory_space<vmem>>, vector<1x64xf32>
    %get3A_62 = arith.constant 1 : index
    %get3A_63 = arith.constant 0 : index
    %get3A_64 = vector.load %arg11[%get3A_62, %get3A_63] : memref<8x128xf32, #tpu.memory_space<vmem>>, vector<1x64xf32>
    %add3A_65 = vector.broadcast %get3A_61 : vector<1x64xf32> to vector<512x64xf32>
    %add3A_66 = arith.addf %dot_general3A_56, %add3A_65 : vector<512x64xf32>
    %sub3A_67 = arith.constant 1.000000e+00 : f32
    %sub3A_68 = vector.broadcast %sub3A_67 : f32 to vector<512x64xf32>
    %sub3A_69 = arith.subf %add3A_66, %sub3A_68 : vector<512x64xf32>
    %mul3A = arith.mulf %convert_element_type3A_48, %sub3A_69 : vector<512x64xf32>
    %reduce_sum3A_70 = arith.constant dense<0.000000e+00> : vector<512xf32>
    %reduce_sum3A_71 = vector.multi_reduction <add>, %mul3A, %reduce_sum3A_70 [1] : vector<512x64xf32> to vector<512xf32>
    %add3A_72 = vector.broadcast %get3A_64 : vector<1x64xf32> to vector<512x64xf32>
    %add3A_73 = arith.addf %dot_general3A_58, %add3A_72 : vector<512x64xf32>
    %sub3A_74 = arith.constant 1.000000e+00 : f32
    %sub3A_75 = vector.broadcast %sub3A_74 : f32 to vector<512x64xf32>
    %sub3A_76 = arith.subf %add3A_73, %sub3A_75 : vector<512x64xf32>
    %mul3A_77 = arith.mulf %convert_element_type3A_50, %sub3A_76 : vector<512x64xf32>
    %reduce_sum3A_78 = arith.constant dense<0.000000e+00> : vector<512xf32>
    %reduce_sum3A_79 = vector.multi_reduction <add>, %mul3A_77, %reduce_sum3A_78 [1] : vector<512x64xf32> to vector<512xf32>
    %reshape3A = vector.shape_cast %reduce_min3A_19 : vector<512xi32> to vector<1x1x512xi32>
    %swap3A = arith.constant 0 : index
    %swap3A_80 = arith.constant 0 : index
    %swap3A_81 = arith.constant 0 : index
    %swap3A_82 = vector.load %arg3[%swap3A, %swap3A_80, %swap3A_81] : memref<1x1x512xi32, #tpu.memory_space<vmem>>, vector<1x1x512xi32>
    tpu.vector_store %arg3[%swap3A, %swap3A_80, %swap3A_81], %reshape3A {strides = array<i32>} : memref<1x1x512xi32, #tpu.memory_space<vmem>>, vector<1x1x512xi32>,
    %reshape3A_83 = vector.shape_cast %reduce_min3A_35 : vector<512xi32> to vector<1x1x512xi32>
    %swap3A_84 = arith.constant 0 : index
    %swap3A_85 = arith.constant 0 : index
    %swap3A_86 = arith.constant 0 : index
    %swap3A_87 = vector.load %arg4[%swap3A_84, %swap3A_85, %swap3A_86] : memref<1x1x512xi32, #tpu.memory_space<vmem>>, vector<1x1x512xi32>
    tpu.vector_store %arg4[%swap3A_84, %swap3A_85, %swap3A_86], %reshape3A_83 {strides = array<i32>} : memref<1x1x512xi32, #tpu.memory_space<vmem>>, vector<1x1x512xi32>,
    %convert_element_type3A_88 = arith.fptosi %reduce_sum3A_71 : vector<512xf32> to vector<512xi32>
    %reshape3A_89 = vector.shape_cast %convert_element_type3A_88 : vector<512xi32> to vector<1x1x512xi32>
    %swap3A_90 = arith.constant 0 : index
    %swap3A_91 = arith.constant 0 : index
    %swap3A_92 = arith.constant 0 : index
    %swap3A_93 = vector.load %arg5[%swap3A_90, %swap3A_91, %swap3A_92] : memref<1x1x512xi32, #tpu.memory_space<vmem>>, vector<1x1x512xi32>
    tpu.vector_store %arg5[%swap3A_90, %swap3A_91, %swap3A_92], %reshape3A_89 {strides = array<i32>} : memref<1x1x512xi32, #tpu.memory_space<vmem>>, vector<1x1x512xi32>,
    %convert_element_type3A_94 = arith.fptosi %reduce_sum3A_79 : vector<512xf32> to vector<512xi32>
    %reshape3A_95 = vector.shape_cast %convert_element_type3A_94 : vector<512xi32> to vector<1x1x512xi32>
    %swap3A_96 = arith.constant 0 : index
    %swap3A_97 = arith.constant 0 : index
    %swap3A_98 = arith.constant 0 : index
    %swap3A_99 = vector.load %arg6[%swap3A_96, %swap3A_97, %swap3A_98] : memref<1x1x512xi32, #tpu.memory_space<vmem>>, vector<1x1x512xi32>
    tpu.vector_store %arg6[%swap3A_96, %swap3A_97, %swap3A_98], %reshape3A_95 {strides = array<i32>} : memref<1x1x512xi32, #tpu.memory_space<vmem>>, vector<1x1x512xi32>,
    %reshape3A_100 = vector.shape_cast %div3A_44 : vector<512xf32> to vector<1x1x512xf32>
    %swap3A_101 = arith.constant 0 : index
    %swap3A_102 = arith.constant 0 : index
    %swap3A_103 = arith.constant 0 : index
    %swap3A_104 = vector.load %arg7[%swap3A_101, %swap3A_102, %swap3A_103] : memref<1x1x512xf32, #tpu.memory_space<vmem>>, vector<1x1x512xf32>
    tpu.vector_store %arg7[%swap3A_101, %swap3A_102, %swap3A_103], %reshape3A_100 {strides = array<i32>} : memref<1x1x512xf32, #tpu.memory_space<vmem>>, vector<1x1x512xf32>,
    %reshape3A_105 = vector.shape_cast %div3A_46 : vector<512xf32> to vector<1x1x512xf32>
    %swap3A_106 = arith.constant 0 : index
    %swap3A_107 = arith.constant 0 : index
    %swap3A_108 = arith.constant 0 : index
    %swap3A_109 = vector.load %arg8[%swap3A_106, %swap3A_107, %swap3A_108] : memref<1x1x512xf32, #tpu.memory_space<vmem>>, vector<1x1x512xf32>
    tpu.vector_store %arg8[%swap3A_106, %swap3A_107, %swap3A_108], %reshape3A_105 {strides = array<i32>} : memref<1x1x512xf32, #tpu.memory_space<vmem>>, vector<1x1x512xf32>,
    %reduce_sum3A_110 = arith.constant dense<0.000000e+00> : vector<64xf32>
    %reduce_sum3A_111 = vector.multi_reduction <add>, %convert_element_type3A_48, %reduce_sum3A_110 [0] : vector<512x64xf32> to vector<64xf32>
    %broadcast_in_dim3A_112 = vector.shape_cast %reduce_sum3A_111 : vector<64xf32> to vector<1x64xf32>
    %add3A_113 = arith.addf %get3A_61, %broadcast_in_dim3A_112 : vector<1x64xf32>
    %swap3A_114 = arith.constant 0 : index
    %swap3A_115 = arith.constant 0 : index
    %swap3A_116 = vector.load %arg11[%swap3A_114, %swap3A_115] : memref<8x128xf32, #tpu.memory_space<vmem>>, vector<1x64xf32>
    tpu.vector_store %arg11[%swap3A_114, %swap3A_115], %add3A_113 {strides = array<i32>} : memref<8x128xf32, #tpu.memory_space<vmem>>, vector<1x64xf32>,
    %reduce_sum3A_117 = arith.constant dense<0.000000e+00> : vector<64xf32>
    %reduce_sum3A_118 = vector.multi_reduction <add>, %convert_element_type3A_50, %reduce_sum3A_117 [0] : vector<512x64xf32> to vector<64xf32>
    %broadcast_in_dim3A_119 = vector.shape_cast %reduce_sum3A_118 : vector<64xf32> to vector<1x64xf32>
    %add3A_120 = arith.addf %get3A_64, %broadcast_in_dim3A_119 : vector<1x64xf32>
    %swap3A_121 = arith.constant 1 : index
    %swap3A_122 = arith.constant 0 : index
    %swap3A_123 = vector.load %arg11[%swap3A_121, %swap3A_122] : memref<8x128xf32, #tpu.memory_space<vmem>>, vector<1x64xf32>
    tpu.vector_store %arg11[%swap3A_121, %swap3A_122], %add3A_120 {strides = array<i32>} : memref<8x128xf32, #tpu.memory_space<vmem>>, vector<1x64xf32>,
    %get3A_124 = arith.constant 2 : index
    %get3A_125 = arith.constant 0 : index
    %get3A_126 = vector.load %arg11[%get3A_124, %get3A_125] : memref<8x128xf32, #tpu.memory_space<vmem>>, vector<1x64xf32>
    %reduce_sum3A_127 = arith.constant dense<0.000000e+00> : vector<64xf32>
    %reduce_sum3A_128 = vector.multi_reduction <add>, %div3A_12, %reduce_sum3A_127 [0] : vector<512x64xf32> to vector<64xf32>
    %broadcast_in_dim3A_129 = vector.shape_cast %reduce_sum3A_128 : vector<64xf32> to vector<1x64xf32>
    %add3A_130 = arith.addf %get3A_126, %broadcast_in_dim3A_129 : vector<1x64xf32>
    %swap3A_131 = arith.constant 2 : index
    %swap3A_132 = arith.constant 0 : index
    %swap3A_133 = vector.load %arg11[%swap3A_131, %swap3A_132] : memref<8x128xf32, #tpu.memory_space<vmem>>, vector<1x64xf32>
    tpu.vector_store %arg11[%swap3A_131, %swap3A_132], %add3A_130 {strides = array<i32>} : memref<8x128xf32, #tpu.memory_space<vmem>>, vector<1x64xf32>,
    %get3A_134 = arith.constant 0 : index
    %get3A_135 = arith.constant 0 : index
    %get3A_136 = vector.load %arg11[%get3A_134, %get3A_135] : memref<8x128xf32, #tpu.memory_space<vmem>>, vector<8x128xf32>
    %swap3A_137 = arith.constant 0 : index
    %swap3A_138 = arith.constant 0 : index
    %swap3A_139 = vector.load %arg9[%swap3A_137, %swap3A_138] : memref<8x128xf32, #tpu.memory_space<vmem>>, vector<8x128xf32>
    tpu.vector_store %arg9[%swap3A_137, %swap3A_138], %get3A_136 {strides = array<i32>} : memref<8x128xf32, #tpu.memory_space<vmem>>, vector<8x128xf32>,
    %get3A_140 = arith.constant 0 : index
    %get3A_141 = arith.constant 0 : index
    %get3A_142 = vector.load %arg11[%get3A_140, %get3A_141] : memref<8x128xf32, #tpu.memory_space<vmem>>, vector<1x64xf32>
    %get3A_143 = arith.constant 2 : index
    %get3A_144 = arith.constant 0 : index
    %get3A_145 = vector.load %arg11[%get3A_143, %get3A_144] : memref<8x128xf32, #tpu.memory_space<vmem>>, vector<1x64xf32>
    %mul3A_146 = arith.mulf %get3A_145, %get3A_142 : vector<1x64xf32>
    %reduce_sum3A_147 = vector.shape_cast %mul3A_146 : vector<1x64xf32> to vector<1x1x64xf32>
    %reduce_sum3A_148 = arith.constant dense<0.000000e+00> : vector<1xf32>
    %reduce_sum3A_149 = vector.multi_reduction <add>, %reduce_sum3A_147, %reduce_sum3A_148 [1, 2] : vector<1x1x64xf32> to vector<1xf32>
    %reduce_sum3A_150 = vector.shape_cast %reduce_sum3A_149 : vector<1xf32> to vector<1x1x1xf32>
    %reduce_sum3A_151 = vector.extract %reduce_sum3A_150[0, 0, 0] : f32 from vector<1x1x1xf32>
    %mul3A_152 = arith.constant 6.400000e+01 : f32
    %mul3A_153 = arith.mulf %mul3A_152, %reduce_sum3A_151 : f32
    %mul3A_154 = arith.constant 8.192000e+03 : f32
    %mul3A_155 = arith.constant 8.192000e+03 : f32
    %mul3A_156 = arith.mulf %mul3A_154, %mul3A_155 : f32
    %div3A_157 = arith.divf %mul3A_153, %mul3A_156 : f32
    %swap3A_158 = arith.constant 0 : index
    %swap3A_159 = arith.constant 0 : index
    %swap3A_160 = memref.load %arg10[%swap3A_158, %swap3A_159] : memref<1x1xf32, #tpu.memory_space<smem>>
    memref.store %div3A_157, %arg10[%swap3A_158, %swap3A_159] : memref<1x1xf32, #tpu.memory_space<smem>>
    return
  }
  func.func @transform_0(%arg0: i32) -> (i32, i32) {
    %c0_i32 = arith.constant 0 : i32
    %c0_i32_0 = arith.constant 0 : i32
    return %arg0, %c0_i32 : i32, i32
  }
  func.func @transform_1(%arg0: i32) -> (i32, i32) {
    %c0_i32 = arith.constant 0 : i32
    %c0_i32_0 = arith.constant 0 : i32
    %c0_i32_1 = arith.constant 0 : i32
    return %c0_i32, %c0_i32_0 : i32, i32
  }
  func.func @transform_2(%arg0: i32) -> (i32, i32, i32) {
    %c0_i32 = arith.constant 0 : i32
    %c0_i32_0 = arith.constant 0 : i32
    %c0_i32_1 = arith.constant 0 : i32
    return %arg0, %c0_i32, %c0_i32_0 : i32, i32, i32
  }
  func.func @transform_3(%arg0: i32) -> (i32, i32, i32) {
    %c0_i32 = arith.constant 0 : i32
    %c0_i32_0 = arith.constant 0 : i32
    %c0_i32_1 = arith.constant 0 : i32
    return %arg0, %c0_i32, %c0_i32_0 : i32, i32, i32
  }
  func.func @transform_4(%arg0: i32) -> (i32, i32, i32) {
    %c0_i32 = arith.constant 0 : i32
    %c0_i32_0 = arith.constant 0 : i32
    %c0_i32_1 = arith.constant 0 : i32
    return %arg0, %c0_i32, %c0_i32_0 : i32, i32, i32
  }
  func.func @transform_5(%arg0: i32) -> (i32, i32, i32) {
    %c0_i32 = arith.constant 0 : i32
    %c0_i32_0 = arith.constant 0 : i32
    %c0_i32_1 = arith.constant 0 : i32
    return %arg0, %c0_i32, %c0_i32_0 : i32, i32, i32
  }
  func.func @transform_6(%arg0: i32) -> (i32, i32, i32) {
    %c0_i32 = arith.constant 0 : i32
    %c0_i32_0 = arith.constant 0 : i32
    %c0_i32_1 = arith.constant 0 : i32
    return %arg0, %c0_i32, %c0_i32_0 : i32, i32, i32
  }
  func.func @transform_7(%arg0: i32) -> (i32, i32, i32) {
    %c0_i32 = arith.constant 0 : i32
    %c0_i32_0 = arith.constant 0 : i32
    %c0_i32_1 = arith.constant 0 : i32
    return %arg0, %c0_i32, %c0_i32_0 : i32, i32, i32
  }
  func.func @transform_8(%arg0: i32) -> (i32, i32) {
    %c0_i32 = arith.constant 0 : i32
    %c0_i32_0 = arith.constant 0 : i32
    %c0_i32_1 = arith.constant 0 : i32
    return %c0_i32, %c0_i32_0 : i32, i32
  }
  func.func @transform_9(%arg0: i32) -> (i32, i32) {
    %c0_i32 = arith.constant 0 : i32
    %c0_i32_0 = arith.constant 0 : i32
    %c0_i32_1 = arith.constant 0 : i32
    return %c0_i32, %c0_i32_0 : i32, i32
  }
}

</mosaic_0001>

<sc_bundles>
// kernel: kernel.6.cloned.1.call-start
scs
__scs_entry_jumppad:
0x0: {  	(pc) =	sbr.rel $0x88, $3  }
0x1: {  	(tag) =	ssettag $0x0;
	lr =	simm.s32 $0x1  }
0x2: {  	[smem:$0x3F9B] =	sst lr;
	_ =	strace $0xD0000000  }
0x3: {  	_ = 	snop  }
0x4: {  	_ = 	snop  }
0x5: {  	_ = 	snop  }
0x6: {  	_ = 	snop  }
0x7: {  	_ = 	snop  }
__scs_overlays_trampoline_lowered:
0x8: {  	[smem:$0x3FAA] =	sst s0  }
0x9: {  	[smem:$0x3FAB] =	sst s1  }
0xa: {  	[smem:$0x3FAC] =	sst s2  }
0xb: {  	[smem:$0x3FAD] =	sst s3  }
0xc: {  	[smem:$0x3FAE] =	sst s4  }
0xd: {  	[smem:$0x3FAF] =	sst s5  }
0xe: {  	[smem:$0x3FB0] =	sst s6  }
0xf: {  	[smem:$0x3FB1] =	sst s7  }
0x10: {  	[smem:$0x3FB2] =	sst s8  }
0x11: {  	[smem:$0x3FB3] =	sst s9;
	s0 =	simm.s32 @!p0 $0x0  }
0x12: {  	s1 =	sld [smem:$0x3F99];
	s0 =	simm.s32 @p0 $0x1  }
0x13: {  	[smem:$0x3FB4] =	sst s0;
	s0 =	simm.s32 @!p1 $0x0  }
0x14: {  	s2 =	sld [smem:$0x3F98];
	s0 =	simm.s32 @p1 $0x1  }
0x15: {  	[smem:$0x3FB5] =	sst s0;
	s0 =	simm.s32 @!p2 $0x0  }
0x16: {  	s3 =	sld [smem:$0x3FDB];
	s0 =	simm.s32 @p2 $0x1  }
0x17: {  	s4 =	simm.s32 $0x1BF5;
	[smem:$0x3FB7] =	sst s0  }
0x18: {  	s0 =	sld [smem:$0x3F9A];
	_ =	swait.ge [sflag:s4], $0x0  }
0x19: {  	s7 =	sld [smem:$0x3F9B]  }
0x1a: {  	s8 =	sadd.s32 $0xFFFFE003, lr  }
0x1b: {  	s9 =	sadd.s32 $0xFFFFFEF7, lr;
	s5 =	simm.s32 $0xFFFFFFFF;
	p2 =	slt.u32 s8, $0xFFFFF086  }
0x1c: {  	p1 =	slt.u32 s9, $0xF7A;
	s5 =	simm.s32 @!p2 $0x0  }
0x1d: {  	s5 =	simm.s32 @p1 $0x1;
	p0 =	seq.s32 s7, s2  }
0x1e: {  	s7 =	smul.u32 @!p0 $0xF7A, s2;
	p2 =	seq.s32 @!p0 s5, $0x0  }
0x1f: {  	s9 =	smul.u32 $0xF7A, s1;
	s8 =	simm.s32 @!p0 $0x1BF5;
	p2 =	por !p2, p0  }
0x20: {  	[sflag:s8] =	ssyncset.s32 @!p0 $0xFFFFF086;
	s6 =	sadd.s32 @!p0 s3, s7;
	s7 =	simm.s32 @!p0 $0x108  }
0x21: {  	s3 =	sadd.s32 s3, s9;
	s6 =	sadd.s32 @!p0 $0x88, s6;
	s7 =	simm.s32 @p2 $0x1082  }
0x22: {  	[simem:s7], [sflag:s8] =	dma.local @!p0 [hbm:s6], $0xF7A  }
0x23: {  	s9 =	sor.u32 $0xD0000000, s2;
	s6 =	simm.s32 $0x108;
	_ =	swait.ge @!p0 [sflag:s8], $0x0  }
0x24: {  	s3 =	sadd.s32 $0x88, s3;
	s6 =	simm.s32 @!p1 $0x1082;
	[sflag:s4] =	ssyncset.s32 $0xFFFFF086  }
0x25: {  	[simem:s6], [sflag:s4] =	dma.local [hbm:s3], $0xF7A  }
0x26: {  	[smem:$0x3F9B] =	sst s1;
	(tag) =	ssettag s2;
	_ =	strace s9  }
0x27: {  	s1 =	sld [smem:$0x3FAB]  }
0x28: {  	s2 =	sld [smem:$0x3FAC]  }
0x29: {  	s4 =	sld [smem:$0x3FAE]  }
0x2a: {  	p0 =	seq.s32 s5, $0x0;
	s5 =	sld [smem:$0x3FAF]  }
0x2b: {  	s6 =	sld [smem:$0x3FB0]  }
0x2c: {  	s7 =	sld [smem:$0x3FB1]  }
0x2d: {  	s3 =	simm.s32 $0x108;
	s8 =	sld [smem:$0x3FB2]  }
0x2e: {  	s3 =	simm.s32 @!p0 $0x1082;
	s9 =	sld [smem:$0x3FB3]  }
0x2f: {  	lr =	sadd.s32 s0, s3;
	s0 =	sld [smem:$0x3FAA]  }
0x30: {  	s3 =	sld [smem:$0x3FAD]  }
0x31: {  	[smem:$0x3FB6] =	sst s10  }
0x32: {  	s10 =	sld [smem:$0x3FB4];
	_ =	sdelay $0x3  }
0x33: {  	p0 =	seq.s32 s10, $0x1;
	s10 =	sld [smem:$0x3FB6];
	_ =	sdelay $0x3  }
0x34: {  	[smem:$0x3FB6] =	sst s10  }
0x35: {  	s10 =	sld [smem:$0x3FB5];
	_ =	sdelay $0x3  }
0x36: {  	p1 =	seq.s32 s10, $0x1;
	s10 =	sld [smem:$0x3FB6];
	_ =	sdelay $0x3  }
0x37: {  	[smem:$0x3FB6] =	sst s10  }
0x38: {  	s10 =	sld [smem:$0x3FB7]  }
0x39: {  	_ = 	snop;
	(pc) =	sbr.ind lr, $3  }
0x3a: {  	_ = 	snop  }
0x3b: {  	_ = 	snop  }
0x3c: {  	p2 =	seq.s32 s10, $0x1;
	s10 =	sld [smem:$0x3FB6]  }
0x3d: {  	_ =	shalt  }
0x3e: {  	_ =	shalt  }
0x3f: {  	_ =	shalt  }
0x40: {  	_ =	shalt  }
0x41: {  	_ =	shalt  }
0x42: {  	_ =	shalt  }
0x43: {  	_ =	shalt  }
0x44: {  	_ =	shalt  }
0x45: {  	_ =	shalt  }
0x46: {  	_ =	shalt  }
0x47: {  	_ =	shalt  }
0x48: {  	_ =	shalt  }
0x49: {  	_ =	shalt  }
0x4a: {  	_ =	shalt  }
0x4b: {  	_ =	shalt  }
0x4c: {  	_ =	shalt  }
0x4d: {  	_ =	shalt  }
0x4e: {  	_ =	shalt  }
0x4f: {  	_ =	shalt  }
0x50: {  	_ =	shalt  }
0x51: {  	_ =	shalt  }
0x52: {  	_ =	shalt  }
0x53: {  	_ =	shalt  }
0x54: {  	_ =	shalt  }
0x55: {  	_ =	shalt  }
0x56: {  	_ =	shalt  }
0x57: {  	_ =	shalt  }
0x58: {  	_ =	shalt  }
0x59: {  	_ =	shalt  }
0x5a: {  	_ =	shalt  }
0x5b: {  	_ =	shalt  }
0x5c: {  	_ =	shalt  }
0x5d: {  	_ =	shalt  }
0x5e: {  	_ =	shalt  }
0x5f: {  	_ =	shalt  }
0x60: {  	_ =	shalt  }
0x61: {  	_ =	shalt  }
0x62: {  	_ =	shalt  }
0x63: {  	_ =	shalt  }
0x64: {  	_ =	shalt  }
0x65: {  	_ =	shalt  }
0x66: {  	_ =	shalt  }
0x67: {  	_ =	shalt  }
0x68: {  	_ =	shalt  }
0x69: {  	_ =	shalt  }
0x6a: {  	_ =	shalt  }
0x6b: {  	_ =	shalt  }
0x6c: {  	_ =	shalt  }
0x6d: {  	_ =	shalt  }
0x6e: {  	_ =	shalt  }
0x6f: {  	_ =	shalt  }
0x70: {  	_ =	shalt  }
0x71: {  	_ =	shalt  }
0x72: {  	_ =	shalt  }
0x73: {  	_ =	shalt  }
0x74: {  	_ =	shalt  }
0x75: {  	_ =	shalt  }
0x76: {  	_ =	shalt  }
0x77: {  	_ =	shalt  }
0x78: {  	_ =	shalt  }
0x79: {  	_ =	shalt  }
0x7a: {  	_ =	shalt  }
0x7b: {  	_ =	shalt  }
0x7c: {  	_ =	shalt  }
0x7d: {  	_ =	shalt  }
0x7e: {  	_ =	shalt  }
0x7f: {  	_ =	shalt  }
0x80: {  	_ =	shalt  }
0x81: {  	_ =	shalt  }
0x82: {  	_ =	shalt  }
0x83: {  	_ =	shalt  }
0x84: {  	_ =	shalt  }
0x85: {  	_ =	shalt  }
0x86: {  	_ =	shalt  }
0x87: {  	_ =	shalt  }
.Lfunc_end0:
.L_simem_size_0:
called_computation.2_lowered:
.L_overlay_start_0:
0x88: {  	s2 =	sld [smem:$0x3FD9]  }
0x89: {  	s3 =	sld [smem:$0x3FFE];
	_ =	sdelay $0x1  }
0x8a: {  	s1 =	srdreg.scid  }
0x8b: {  	s0 =	sand.u32 $0x1, s1  }
0x8c: {  	s14 =	sshll.u32 s0, $0xA;
	s2 =	sadd.s32 s3, s2  }
0x8d: {  	s2 =	sadd.s32 s2, s14  }
0x8e: {  	[smem:$0x3FC2] =	sst s2  }
0x8f: {  	_ = 	snop  }
0x90: {  	s2 =	sld [smem:$0x3FD0];
	_ =	sdelay $0x2  }
0x91: {  	s15 =	simm.s32 $0xA;
	s4 =	simm.s32 $0x10  }
0x92: {  	[smem:s4], [sflag:s15] =	dma.local [hbm:s2], $0x1  }
0x93: {  	_ =	swait.eq [sflag:s15], $0x1  }
0x94: {  	[sflag:s15] =	ssyncset.done $0x0  }
0x95: {  	[sflag:s15] =	ssyncadd.s32 $0xFFFFFFFF  }
0x96: {  	s16 =	sld [smem:$0x10];
	(tm) =	ssettm $0x1  }
0x97: {  	s17 =	sld [smem:$0x3FFB];
	_ =	sdelay $0x3  }
0x98: {  	_ =	strace s17  }
0x99: {  	s3 =	sld [smem:$0x3FFC];
	_ =	sdelay $0x3  }
0x9a: {  	_ =	strace s3  }
0x9b: {  	s3 =	sld [smem:$0x3FFD];
	_ =	sdelay $0x3  }
0x9c: {  	_ =	strace s3  }
0x9d: {  	_ =	strace $0x8FFFFFFF  }
0x9e: {  	s18 =	sld [smem:$0x3FDB];
	_ =	sdelay $0x1  }
0x9f: {  	s19 =	simm.s32 $_scs_section_size  }
0xa0: {  	s5 =	simm.s32 $_size__tile_overlayer_lowered;
	s6 =	simm.s32 $_tile_overlayer_lowered  }
0xa1: {  	s22 =	simm.s32 $0x1BFF;
	s21 =	sshll.u32 s6, $0x1;
	s3 =	sadd.s32 s19, s18  }
0xa2: {  	s7 =	simm.s32 $0x0;
	s20 =	sshll.u32 s5, $0x1;
	s5 =	sadd.s32 s21, s3  }
0xa3: {  	[timem:s7], [sflag:s22] =	dma.local [hbm:s5], s20  }
0xa4: {  	_ =	swait.ge [sflag:s22], s20  }
0xa5: {  	s4 =	ssub.s32 $0x0, s20;
	[sflag:s22] =	ssyncset.done $0x0  }
0xa6: {  	[sflag:s22] =	ssyncadd.s32 s4;
	_ =	sdelay $0x1  }
0xa7: {  	s23 =	simm.s32 $0x1B8B  }
0xa8: {  	_ =	swait.ge [sflag:s23], $0x1  }
0xa9: {  	[sflag:s23] =	ssyncset.done $0x0  }
0xaa: {  	s25 =	simm.s32 $0x1B8E;
	s24 =	sld [smem:$0x3FFE];
	[sflag:s23] =	ssyncadd.s32 $0xFFFFFFFF  }
0xab: {  	s26 =	simm.s32 $execute0_lowered;
	[smem:$0x3FD2] =	sst s25  }
0xac: {  	s5 =	sshll.u32 s26, $0x1;
	_ =	strace $0x80000046;
	[dreg:$0x1] =	wrdreg $0xFFFFFFFF  }
0xad: {  	s28 =	simm.s32 $_size_execute0_lowered;
	s3 =	sadd.s32 s3, s5;
	[dreg:$0x0] =	wrdreg $0x0  }
0xae: {  	s5 =	sshll.u32 s28, $0x1;
	[dreg:$0x2] =	wrdreg s3  }
0xaf: {  	[dreg:$0x3] =	wrdreg s5  }
0xb0: {  	[dreg:$0x4] =	wrdreg $0xC0  }
0xb1: {  	_ =	task [dreg:s7], $0x5FFFF  }
0xb2: {  	[dreg:$0x1] =	wrdreg $0xFFFFFFFF  }
0xb3: {  	[dreg:$0x0] =	wrdreg $0x60  }
0xb4: {  	[dreg:$0x2] =	wrdreg s24  }
0xb5: {  	[dreg:$0x3] =	wrdreg s16  }
0xb6: {  	[dreg:$0x4] =	wrdreg $0x9  }
0xb7: {  	_ =	task.clear_ibuf [dreg:s7], $0x5FFFF;
	_ =	strace $0x90000046  }
0xb8: {  	s29 =	simm.s32 $0x9;
	_ =	strace $0x80000048  }
0xb9: {  	_ =	swait.ge [sflag:s29], $0x1  }
0xba: {  	[sflag:s29] =	ssyncadd.s32 $0xFFFFFFFF  }
0xbb: {  	_ =	strace $0x90000048  }
0xbc: {  	_ =	sfence  }
0xbd: {  	s30 =	sld [smem:$0x0];
	_ =	sdelay $0x2  }
0xbe: {  	s31 =	sshll.u32 s1, $0xD;
	s1 =	sshrl.u32 s1, $0x2  }
0xbf: {  	s3 =	sand.u32 $0x4000, s31;
	s1 =	sadd.s32 s1, s30  }
0xc0: {  	s0 =	sor.u32 s3, s0;
	s1 =	sshll.u32 s1, $0x11  }
0xc1: {  	s0 =	sor.u32 s1, s0  }
0xc2: {  	s0 =	sadd.s32 $0x8F2B, s0  }
0xc3: {  	[sflag:s0] =	ssyncadd.remote.s32 $0x1  }
0xc4: {  	_ =	sfence.sel $0xFFFF  }
0xc5: {  	[dreg:$0x0] =	wrdreg $0xFFFFFFFF;
	(pc) =	sbr.abs _section_cstart, $3  }
0xc6: {  	[dreg:$0x1] =	wrdreg $0xFFFFFFFF  }
0xc7: {  	_ =	task.clear_ibuf [dreg:s7], $0x2FFFF;
	_ =	strace $0x9FFFFFFF  }
0xc8: {  	(tm) =	ssettm $0x7FFFFFFF  }
0xc9: {  	_ =	shalt  }
tec
execute0_lowered:
.L_overlay_start_1:
0x0: {  	(tag) =	ssettag $0x1  }
0x1: {  	s0 =	rddreg [dreg:$0x0];
	s2 =	simm.s32 $0x0  }
0x2: {  	s1 =	srdreg.scid;
	s3 =	stileid.u32;
	s20 =	simm.s32 $0x500  }
0x3: {  	s21 =	simm.s32 $0x1;
	s22 =	simm.s32 $0x100;
	s23 =	simm.s32 $0x200  }
0x4: {  	s24 =	simm.s32 $0x300;
	s25 =	simm.s32 $0x400;
	s26 =	simm.s32 $0x580  }
0x5: {  	s28 =	simm.s32 $0x680;
	s29 =	simm.s32 $0x780;
	s30 =	simm.s32 $0x880  }
0x6: {  	s31 =	simm.s32 $0x8980;
	[smem:$0x7FF] =	sst s2;
	s6 =	sadd.s32 $0x1E00, s0  }
0x7: {  	s9 =	sadd.s32 $0x2200, s0;
	s10 =	sadd.s32 $0x2600, s0;
	s1 =	sand.u32 $0x1, s1  }
0x8: {  	s3 =	sshll.u32 s3, $0x1;
	_ =	strace $0x80000047;
	[dreg:$0x4] =	wrdreg s9  }
0x9: {  	s7 =	sadd.s32 $0x2A00, s0;
	s8 =	sadd.s32 $0x3600, s0;
	[dreg:$0x5] =	wrdreg s10  }
0xa: {  	s3 =	sor.u32 s1, s3;
	s1 =	ssub.s32 $0x2, s1;
	[dreg:$0x3] =	wrdreg s6  }
0xb: {  	s4 =	sshll.u32 s3, $0x5;
	s5 =	sshrl.u32 s1, $0x1;
	p0 =	sne.s32 s3, $0x0  }
.Ltmp0:
0xc: {  	s0 =	sadd.s32 s4, s0;
	s1 =	ssub.s32 s1, s5;
	(pc) =	sbr.rel .LBB2_1-.Ltmp0, $4  }
0xd: {  	s9 =	sadd.s32 s9, s4;
	s10 =	sadd.s32 s10, s4;
	s11 =	sadd.s32 s7, s4  }
0xe: {  	s14 =	sadd.s32 s6, s4;
	s12 =	sadd.s32 $0x2E00, s0;
	s13 =	sadd.s32 $0x3200, s0  }
0xf: {  	s15 =	sadd.s32 $0x3800, s0;
	s16 =	sadd.s32 $0x3C00, s0;
	s17 =	sadd.s32 $0x4000, s0  }
0x10: {  	v0 =	vimm.s32 $0x0;
	v1 =	vlaneseq.u32;
	s18 =	sadd.s32 $0x4400, s0;
	s19 =	smax.u32 s1, $0x1;
	s0 =	simm.s32 $0x0  }
.LBB2_9:
0x11: {  	s0 =	sadd.s32 $0x1, s0  }
0x12: {  	p1 =	sne.s32 s0, s19  }
.Ltmp1:
0x13: {  	_ = 	snop;
	(pc) =	sbr.rel @!p1 .LBB2_10-.Ltmp1, $1  }
0x14: {  	_ =	sdelay $0x3  }
.LBB2_1:
0x15: {  	[tilespmem:s20], [sflag:$0x1] =	stream.linear.gather [hbm4b:s8+s2], $0x80, $0x38;
	[tilespmem:$0xDA00] =	vst v63  }
0x16: {  	_ =	swait.ge [sflag:s21], $0x80  }
0x17: {  	[sflag:s21] =	ssyncset.done $0x0  }
0x18: {  	[sflag:s21] =	ssyncadd.s32 $0xFFFFFF80  }
0x19: {  	[tilespmem:s2], [sflag:$0x1] =	stream.linear.gather [hbm4b:s9+s2], $0x100, $0x38;
	[tilespmem:$0xDA00] =	vst v63  }
0x1a: {  	_ =	swait.ge [sflag:s21], $0x100  }
0x1b: {  	[sflag:s21] =	ssyncset.done $0x0  }
0x1c: {  	[sflag:s21] =	ssyncadd.s32 $0xFFFFFF00  }
0x1d: {  	[tilespmem:s22], [sflag:$0x1] =	stream.linear.gather [hbm4b:s10+s2], $0x100, $0x38;
	[tilespmem:$0xDA00] =	vst v63  }
0x1e: {  	_ =	swait.ge [sflag:s21], $0x100  }
0x1f: {  	[sflag:s21] =	ssyncset.done $0x0  }
0x20: {  	[sflag:s21] =	ssyncadd.s32 $0xFFFFFF00  }
0x21: {  	[tilespmem:s23], [sflag:$0x1] =	stream.linear.gather [hbm4b:s11+s2], $0x100, $0x38;
	[tilespmem:$0xDA00] =	vst v63  }
0x22: {  	_ =	swait.ge [sflag:s21], $0x100  }
0x23: {  	[sflag:s21] =	ssyncset.done $0x0  }
0x24: {  	[sflag:s21] =	ssyncadd.s32 $0xFFFFFF00  }
0x25: {  	[tilespmem:s24], [sflag:$0x1] =	stream.linear.gather [hbm4b:s12+s2], $0x100, $0x38;
	[tilespmem:$0xDA00] =	vst v63  }
0x26: {  	_ =	swait.ge [sflag:s21], $0x100  }
0x27: {  	[sflag:s21] =	ssyncset.done $0x0  }
0x28: {  	[sflag:s21] =	ssyncadd.s32 $0xFFFFFF00  }
0x29: {  	[tilespmem:s25], [sflag:$0x1] =	stream.linear.gather [hbm4b:s13+s2], $0x100, $0x38;
	[tilespmem:$0xDA00] =	vst v63  }
0x2a: {  	_ =	swait.ge [sflag:s21], $0x100  }
0x2b: {  	[sflag:s21] =	ssyncset.done $0x0  }
0x2c: {  	s3 =	simm.s32 $0x0;
	[sflag:s21] =	ssyncadd.s32 $0xFFFFFF00  }
0x2d: {  	v2 =	vld [tilespmem:s3+$0x0]  }
0x2e: {  	v3 =	vld [tilespmem:s3+$0x100];
	_ =	sdelay $0x1  }
0x2f: {  	v4 =	vld [tilespmem:s3+$0x300];
	_ =	sdelay $0x2  }
0x30: {  	vm0 =	vlt.s32 v3, $0x140  }
0x31: {  	v5 =	vsel vm0, $0x3F800000, v0  }
0x32: {  	v6 =	vnsel vm0, $0x0, v3;
	v5 =	vmul.f32 v5, v4  }
0x33: {  	v3 =	vld.idx.msk [tilespmem:v2+s20+$0x0], $0xffff;
	[tilespmem:s3+$0x580] =	vst v6  }
0x34: {  	s1 =	simm.s32 $0x40;
	s4 =	simm.s32 $0x80;
	v4 =	vld [tilespmem:s3+$0x200];
	[tilespmem:s3+$0x780] =	vst v5  }
.LBB2_2:
0x35: {  	p1 =	sne.s32 s4, $0x3C0;
	s5 =	sshra.s32 s1, $0x2;
	v5 =	vld [tilespmem:s3+$0x400];
	s1 =	smov.u32 s4  }
0x36: {  	v6 =	vld [tilespmem:s5+$0x100]  }
0x37: {  	v7 =	vld [tilespmem:s5+$0x0]  }
0x38: {  	v2 =	vmul.u32 $0x140, v2  }
0x39: {  	v8 =	vld [tilespmem:s5+$0x300];
	v3 =	vadd.s32 v4, v3  }
0x3a: {  	vm0 =	vlt.s32 v3, $0x140;
	v9 =	vadd.s32 v2, v3  }
0x3b: {  	v4 =	vnsel vm0, $0x0, v9;
	v3 =	vsel vm0, $0x3F800000, v0  }
.Ltmp2:
0x3c: {  	vm0 =	vlt.s32 v6, $0x140;
	[tilespmem:s3+$0x680] =	vst v4;
	v3 =	vmul.f32 v3, v5;
	v2 =	vmov v7;
	(pc) =	sbr.rel @p1 .LBB2_2-.Ltmp2, $4  }
0x3d: {  	v4 =	vsel vm0, $0x3F800000, v0  }
0x3e: {  	v5 =	vnsel vm0, $0x0, v6;
	v6 =	vmul.f32 v4, v8;
	[tilespmem:s3+$0x880] =	vst v3;
	s3 =	smov.u32 s5  }
0x3f: {  	v3 =	vld.idx.msk [tilespmem:v7+s20+$0x0], $0xffff;
	[tilespmem:s3+$0x580] =	vst v5  }
0x40: {  	s4 =	sadd.s32 $0x40, s4;
	v4 =	vld [tilespmem:s3+$0x200];
	[tilespmem:s3+$0x780] =	vst v6  }
0x41: {  	_ = 	snop  }
0x42: {  	s1 =	sshra.s32 s1, $0x2;
	v5 =	vld [tilespmem:s3+$0x400]  }
0x43: {  	v6 =	vld [tilespmem:s1+$0x0];
	_ =	sdelay $0x1  }
0x44: {  	v2 =	vmul.u32 $0x140, v2;
	v3 =	vadd.s32 v4, v3  }
0x45: {  	vm0 =	vlt.s32 v3, $0x140  }
0x46: {  	v2 =	vadd.s32 v2, v3;
	v3 =	vsel vm0, $0x3F800000, v0  }
0x47: {  	v38 =	vld [tilespmem:s1+$0x100];
	v2 =	vnsel vm0, $0x0, v2;
	v3 =	vmul.f32 v3, v5  }
0x48: {  	v7 =	vld [tilespmem:s1+$0x300];
	[tilespmem:s3+$0x680] =	vst v2  }
0x49: {  	[tilespmem:s3+$0x880] =	vst v3  }
0x4a: {  	v2 =	vld.idx.msk [tilespmem:v6+s20+$0x0], $0xffff  }
0x4b: {  	v3 =	vld [tilespmem:s1+$0x200];
	_ =	sdelay $0x2  }
0x4c: {  	v39 =	vld [tilespmem:s1+$0x400]  }
0x4d: {  	vm14 =	vlt.s32 v38, $0x140  }
0x4e: {  	v8 =	vsel vm14, $0x3F800000, v0;
	v6 =	vmul.u32 $0x140, v6;
	v2 =	vadd.s32 v3, v2  }
0x4f: {  	v40 =	vmul.f32 v8, v7;
	v3 =	vnsel vm14, $0x0, v38;
	vm15 =	vlt.s32 v2, $0x140  }
0x50: {  	[tilespmem:s1+$0x580] =	vst v3;
	v2 =	vadd.s32 v6, v2;
	v3 =	vsel vm15, $0x3F800000, v0  }
0x51: {  	[tilespmem:s1+$0x780] =	vst v40;
	v2 =	vnsel vm15, $0x0, v2;
	v3 =	vmul.f32 v3, v39  }
0x52: {  	[tilespmem:s1+$0x680] =	vst v2  }
0x53: {  	[tilespmem:s1+$0x880] =	vst v3  }
0x54: {  	[tilespmem:s2], [sflag:$0x1] =	stream.linear.gather [hbm4b:s14+s2], $0x100, $0x38;
	[tilespmem:$0xDA00] =	vst v63  }
0x55: {  	_ =	swait.ge [sflag:s21], $0x100  }
0x56: {  	[sflag:s21] =	ssyncset.done $0x0  }
0x57: {  	[sflag:s21] =	ssyncadd.s32 $0xFFFFFF00  }
0x58: {  	v2 =	vld [tilespmem:$0x580]  }
0x59: {  	v3 =	vld [tilespmem:$0x0]  }
0x5a: {  	v41 =	vld [tilespmem:$0x590]  }
0x5b: {  	v42 =	vld [tilespmem:$0x10]  }
0x5c: {  	v43 =	vld [tilespmem:$0x5A0]  }
0x5d: {  	v44 =	vld [tilespmem:$0x20]  }
0x5e: {  	v45 =	vld [tilespmem:$0x5B0]  }
0x5f: {  	v9 =	vld [tilespmem:$0x30]  }
0x60: {  	v10 =	vld [tilespmem:$0x5C0]  }
0x61: {  	v11 =	vld [tilespmem:$0x40]  }
0x62: {  	v12 =	vld [tilespmem:$0x5D0]  }
0x63: {  	v13 =	vld [tilespmem:$0x50]  }
0x64: {  	v14 =	vld [tilespmem:$0x5E0]  }
0x65: {  	v15 =	vld [tilespmem:$0x60]  }
0x66: {  	v16 =	vld [tilespmem:$0x5F0]  }
0x67: {  	v17 =	vld [tilespmem:$0x70]  }
0x68: {  	v18 =	vld [tilespmem:$0x600]  }
0x69: {  	v19 =	vld [tilespmem:$0x80]  }
0x6a: {  	v20 =	vld [tilespmem:$0x610]  }
0x6b: {  	v21 =	vld [tilespmem:$0x90];
	v3 =	vmul.u32 $0x140, v3  }
0x6c: {  	v22 =	vld [tilespmem:$0x620];
	v5 =	vmul.u32 $0x140, v42  }
0x6d: {  	v46 =	vld [tilespmem:$0xA0];
	v2 =	vadd.s32 v2, v3;
	v3 =	vmul.u32 $0x140, v44  }
0x6e: {  	v48 =	vld [tilespmem:$0x630];
	v47 =	vmul.u32 $0x140, v9;
	[tilespmem:$0x580] =	vst v2;
	v2 =	vadd.s32 v41, v5  }
0x6f: {  	v49 =	vld [tilespmem:$0xB0];
	[tilespmem:$0x590] =	vst v2;
	v2 =	vadd.s32 v43, v3;
	v3 =	vmul.u32 $0x140, v11  }
0x70: {  	v51 =	vld [tilespmem:$0x640];
	v50 =	vmul.u32 $0x140, v13;
	[tilespmem:$0x5A0] =	vst v2;
	v2 =	vadd.s32 v45, v47  }
0x71: {  	v52 =	vld [tilespmem:$0xC0];
	[tilespmem:$0x5B0] =	vst v2;
	v2 =	vadd.s32 v10, v3;
	v3 =	vmul.u32 $0x140, v15  }
0x72: {  	v54 =	vld [tilespmem:$0x650];
	v53 =	vmul.u32 $0x140, v17;
	[tilespmem:$0x5C0] =	vst v2;
	v2 =	vadd.s32 v12, v50  }
0x73: {  	v55 =	vld [tilespmem:$0xD0];
	[tilespmem:$0x5D0] =	vst v2;
	v2 =	vadd.s32 v14, v3;
	v3 =	vmul.u32 $0x140, v19  }
0x74: {  	v57 =	vld [tilespmem:$0xE0];
	v56 =	vmul.u32 $0x140, v21;
	[tilespmem:$0x5E0] =	vst v2;
	v2 =	vadd.s32 v16, v53  }
0x75: {  	v58 =	vld [tilespmem:$0xF0];
	[tilespmem:$0x5F0] =	vst v2;
	v2 =	vadd.s32 v18, v3;
	v3 =	vmul.u32 $0x140, v46  }
0x76: {  	v60 =	vld [tilespmem:$0x660];
	v59 =	vmul.u32 $0x140, v49;
	[tilespmem:$0x600] =	vst v2;
	v2 =	vadd.s32 v20, v56  }
0x77: {  	v61 =	vld [tilespmem:$0x670];
	[tilespmem:$0x610] =	vst v2;
	v2 =	vadd.s32 v22, v3;
	v3 =	vmul.u32 $0x140, v52  }
0x78: {  	v62 =	vmul.u32 $0x140, v55;
	[tilespmem:$0x620] =	vst v2;
	v2 =	vadd.s32 v48, v59  }
0x79: {  	[tilespmem:$0x630] =	vst v2;
	v2 =	vadd.s32 v51, v3;
	v3 =	vmul.u32 $0x140, v57  }
0x7a: {  	v63 =	vmul.u32 $0x140, v58;
	[tilespmem:$0x640] =	vst v2;
	v2 =	vadd.s32 v54, v62  }
0x7b: {  	[tilespmem:$0x650] =	vst v2;
	v2 =	vadd.s32 v60, v3  }
0x7c: {  	[tilespmem:$0x660] =	vst v2;
	v2 =	vadd.s32 v61, v63  }
0x7d: {  	[tilespmem:$0x670] =	vst v2  }
0x7e: {  	[hbm4b:s15+s2] =	stream.linear.scatter [tilespmem:s26], [sflag:$0x1], $0x100, $0x38;
	[tilespmem:$0xDA00] =	vst v63  }
0x7f: {  	_ =	swait.ge [sflag:s21], $0x100  }
0x80: {  	[sflag:s21] =	ssyncset.done $0x0  }
0x81: {  	[sflag:s21] =	ssyncadd.s32 $0xFFFFFF00  }
0x82: {  	[hbm4b:s16+s2] =	stream.linear.scatter [tilespmem:s28], [sflag:$0x1], $0x100, $0x38;
	[tilespmem:$0xDA00] =	vst v63  }
0x83: {  	_ =	swait.ge [sflag:s21], $0x100  }
0x84: {  	[sflag:s21] =	ssyncset.done $0x0  }
0x85: {  	[sflag:s21] =	ssyncadd.s32 $0xFFFFFF00  }
0x86: {  	[hbm4b:s17+s2] =	stream.linear.scatter [tilespmem:s29], [sflag:$0x1], $0x100, $0x38;
	[tilespmem:$0xDA00] =	vst v63  }
0x87: {  	_ =	swait.ge [sflag:s21], $0x100  }
0x88: {  	[sflag:s21] =	ssyncset.done $0x0  }
.Ltmp3:
0x89: {  	[sflag:s21] =	ssyncadd.s32 $0xFFFFFF00;
	(pc) =	sbr.rel @p0 .LBB2_9-.Ltmp3, $4  }
0x8a: {  	[hbm4b:s18+s2] =	stream.linear.scatter [tilespmem:s30], [sflag:$0x1], $0x100, $0x38;
	[tilespmem:$0xDA00] =	vst v63  }
0x8b: {  	_ =	swait.ge [sflag:s21], $0x100  }
0x8c: {  	[sflag:s21] =	ssyncset.done $0x0  }
0x8d: {  	[sflag:s21] =	ssyncadd.s32 $0xFFFFFF00  }
0x8e: {  	s3 =	simm.s32 $0x0;
	s1 =	rddreg [dreg:$0x3];
	s4 =	simm.s32 $0x980  }
0x8f: {  	[tilespmem:s4], [sflag:$0x1] =	stream.linear.gather [hbm4b:s1+s3], $0x2000, $0x38;
	[tilespmem:$0xDA00] =	vst v63  }
0x90: {  	_ =	swait.ge [sflag:s21], $0x2000  }
0x91: {  	[sflag:s21] =	ssyncset.done $0x0  }
0x92: {  	s6 =	simm.s32 $0x2980;
	s5 =	rddreg [dreg:$0x4];
	[sflag:s21] =	ssyncadd.s32 $0xFFFFE000  }
0x93: {  	[tilespmem:s6], [sflag:$0x1] =	stream.linear.gather [hbm4b:s5+s3], $0x2000, $0x38;
	[tilespmem:$0xDA00] =	vst v63  }
0x94: {  	_ =	swait.ge [sflag:s21], $0x2000  }
0x95: {  	[sflag:s21] =	ssyncset.done $0x0  }
0x96: {  	s5 =	simm.s32 $0x4980;
	s4 =	rddreg [dreg:$0x5];
	[sflag:s21] =	ssyncadd.s32 $0xFFFFE000  }
0x97: {  	[tilespmem:s5], [sflag:$0x1] =	stream.linear.gather [hbm4b:s4+s3], $0x2000, $0x38;
	[tilespmem:$0xDA00] =	vst v63  }
0x98: {  	_ =	swait.ge [sflag:s21], $0x2000  }
0x99: {  	[sflag:s21] =	ssyncset.done $0x0  }
0x9a: {  	s6 =	simm.s32 $0x6980;
	[sflag:s21] =	ssyncadd.s32 $0xFFFFE000  }
0x9b: {  	[tilespmem:s6], [sflag:$0x1] =	stream.linear.gather [hbm4b:s7+s3], $0x2000, $0x38;
	[tilespmem:$0xDA00] =	vst v63  }
0x9c: {  	_ =	swait.ge [sflag:s21], $0x2000  }
0x9d: {  	[sflag:s21] =	ssyncset.done $0x0  }
0x9e: {  	s1 =	simm.s32 $0x0;
	[sflag:s21] =	ssyncadd.s32 $0xFFFFE000  }
.LBB2_5:
0x9f: {  	p1 =	sne.s32 s1, $0x14000  }
.Ltmp4:
0xa0: {  	_ = 	snop;
	(pc) =	sbr.rel @p1 .LBB2_5-.Ltmp4, $3  }
0xa1: {  	_ =	sdelay $0x1  }
0xa2: {  	s4 =	sshra.s32 s1, $0x2  }
0xa3: {  	s1 =	sadd.s32 $0x40, s1;
	[tilespmem:s4+$0x8980] =	vst v0  }
0xa4: {  	s1 =	simm.s32 $0x980  }
0xa5: {  	s4 =	simm.s32 $0x2980;
	s5 =	simm.s32 $0x4980;
	s6 =	simm.s32 $0x6980  }
.LBB2_7:
0xa6: {  	v2 =	vld [tilespmem:s4+$0x0];
	_ =	sdelay $0x4  }
0xa7: {  	v3 =	vld [tilespmem:s1+$0x0]  }
0xa8: {  	v4 =	vld [tilespmem:s5+$0x0]  }
0xa9: {  	v5 =	vld [tilespmem:s6+$0x0]  }
0xaa: {  	v6 =	vld.idx.msk [tilespmem:v2+s20+$0x0], $0xffff;
	_ =	sdelay $0x2  }
0xab: {  	v3 =	vmul.u32 $0x140, v3  }
0xac: {  	v2 =	vmul.u32 $0x140, v2  }
0xad: {  	vm0 =	vlt.s32 v4, $0x140;
	v3 =	vadd.s32 v3, v4;
	v5 =	vadd.s32 v5, v6  }
0xae: {  	v3 =	vnsel vm0, $0x5000, v3;
	vm15 =	vlt.s32 v5, $0x140;
	v2 =	vadd.s32 v2, v5  }
0xaf: {  	p1 =	sne.s32 s3, $0x1FF0;
	v2 =	vnsel vm15, $0x5000, v2  }
.Ltmp5:
0xb0: {  	_ = 	snop;
	(pc) =	sbr.rel @p1 .LBB2_7-.Ltmp5, $4  }
0xb1: {  	_ = 	snop  }
0xb2: {  	v63 =	vor.u32 s3, v1  }
0xb3: {  	s1 =	sadd.s32 $0x10, s1;
	s4 =	sadd.s32 $0x10, s4;
	[tilespmem:v3+s31+$0x0] =	vst.idx.msk $0xffff, v63  }
0xb4: {  	s5 =	sadd.s32 $0x10, s5;
	s6 =	sadd.s32 $0x10, s6;
	s3 =	sadd.s32 $0x10, s3;
	[tilespmem:v2+s31+$0x0] =	vst.idx.msk $0xffff, v63  }
.Ltmp6:
0xb5: {  	s1 =	rddreg [dreg:$0x1];
	(pc) =	sbr.rel .LBB2_9-.Ltmp6, $4  }
0xb6: {  	[hbm4b:s1+s2] =	stream.linear.scatter [tilespmem:s31], [sflag:$0x1], $0x5080, $0x38;
	[tilespmem:$0xDA00] =	vst v63  }
0xb7: {  	_ =	swait.ge [sflag:s21], $0x5080  }
0xb8: {  	[sflag:s21] =	ssyncset.done $0x0  }
0xb9: {  	[sflag:s21] =	ssyncadd.s32 $0xFFFFAF80  }
.LBB2_10:
0xba: {  	_ =	sfence.sel $0x180000  }
0xbb: {  	[bflag:$0x0] =	sbarrier.arrive $0xFFFF  }
0xbc: {  	_ =	strace $0x90000047  }
0xbd: {  	s0 =	stileid.u32;
	[bflag:$0x2] =	sbarrier.arrive $0xFFFF  }
0xbe: {  	p0 =	sne.s32 s0, $0x0;
	s0 =	rddreg [dreg:$0x2]  }
0xbf: {  	s0 =	sadd.s32 @!p0 $0x100000, s0  }
0xc0: {  	[sflag:s0] =	ssyncadd.tile.s32 @!p0 $0x1;
	_ =	shalt  }
.Lfunc_end2:
_tile_overlayer_lowered:
.L_overlay_start_2:
0xc1: {  	(tag) =	ssettag $0x2  }
0xc2: {  	s0 =	rddreg [dreg:$0x0];
	s2 =	stileid.u32  }
0xc3: {  	s1 =	rddreg [dreg:$0x1];
	p0 =	sne.s32 s2, $0x0  }
0xc4: {  	s3 =	rddreg [dreg:$0x2];
	[bflag:$0x3] =	sbarrier.arrive $0xFFFF;
	s2 =	simm.s32 @!p0 $0x1C01  }
0xc5: {  	[timem:s3], [sflag:s2] =	dma.local @!p0 [hbm:s0], s1  }
0xc6: {  	s0 =	simm.s32 @!p0 $0x1  }
0xc7: {  	_ =	swait.ge @!p0 [sflag:s0], s1  }
0xc8: {  	s1 =	ssub.s32 @!p0 $0x0, s1;
	[sflag:s0] =	ssyncset.done @!p0 $0x0  }
0xc9: {  	[sflag:s0] =	ssyncadd.s32 @!p0 s1  }
0xca: {  	[bflag:$0x3] =	sbarrier.arrive $0xFFFF  }
0xcb: {  	_ =	shalt  }

// kernel: kernel.9.cloned.1.call-start
scs
__scs_entry_jumppad:
0x0: {  	(pc) =	sbr.rel $0x88, $3  }
0x1: {  	(tag) =	ssettag $0x0;
	lr =	simm.s32 $0x1  }
0x2: {  	[smem:$0x3F9B] =	sst lr;
	_ =	strace $0xD0000000  }
0x3: {  	_ = 	snop  }
0x4: {  	_ = 	snop  }
0x5: {  	_ = 	snop  }
0x6: {  	_ = 	snop  }
0x7: {  	_ = 	snop  }
__scs_overlays_trampoline_lowered:
0x8: {  	[smem:$0x3FAA] =	sst s0  }
0x9: {  	[smem:$0x3FAB] =	sst s1  }
0xa: {  	[smem:$0x3FAC] =	sst s2  }
0xb: {  	[smem:$0x3FAD] =	sst s3  }
0xc: {  	[smem:$0x3FAE] =	sst s4  }
0xd: {  	[smem:$0x3FAF] =	sst s5  }
0xe: {  	[smem:$0x3FB0] =	sst s6  }
0xf: {  	[smem:$0x3FB1] =	sst s7  }
0x10: {  	[smem:$0x3FB2] =	sst s8  }
0x11: {  	[smem:$0x3FB3] =	sst s9;
	s0 =	simm.s32 @!p0 $0x0  }
0x12: {  	s1 =	sld [smem:$0x3F99];
	s0 =	simm.s32 @p0 $0x1  }
0x13: {  	[smem:$0x3FB4] =	sst s0;
	s0 =	simm.s32 @!p1 $0x0  }
0x14: {  	s2 =	sld [smem:$0x3F98];
	s0 =	simm.s32 @p1 $0x1  }
0x15: {  	[smem:$0x3FB5] =	sst s0;
	s0 =	simm.s32 @!p2 $0x0  }
0x16: {  	s3 =	sld [smem:$0x3FDB];
	s0 =	simm.s32 @p2 $0x1  }
0x17: {  	s4 =	simm.s32 $0x1BF5;
	[smem:$0x3FB7] =	sst s0  }
0x18: {  	s0 =	sld [smem:$0x3F9A];
	_ =	swait.ge [sflag:s4], $0x0  }
0x19: {  	s7 =	sld [smem:$0x3F9B]  }
0x1a: {  	s8 =	sadd.s32 $0xFFFFE003, lr  }
0x1b: {  	s9 =	sadd.s32 $0xFFFFFEF7, lr;
	s5 =	simm.s32 $0xFFFFFFFF;
	p2 =	slt.u32 s8, $0xFFFFF086  }
0x1c: {  	p1 =	slt.u32 s9, $0xF7A;
	s5 =	simm.s32 @!p2 $0x0  }
0x1d: {  	s5 =	simm.s32 @p1 $0x1;
	p0 =	seq.s32 s7, s2  }
0x1e: {  	s7 =	smul.u32 @!p0 $0xF7A, s2;
	p2 =	seq.s32 @!p0 s5, $0x0  }
0x1f: {  	s9 =	smul.u32 $0xF7A, s1;
	s8 =	simm.s32 @!p0 $0x1BF5;
	p2 =	por !p2, p0  }
0x20: {  	[sflag:s8] =	ssyncset.s32 @!p0 $0xFFFFF086;
	s6 =	sadd.s32 @!p0 s3, s7;
	s7 =	simm.s32 @!p0 $0x108  }
0x21: {  	s3 =	sadd.s32 s3, s9;
	s6 =	sadd.s32 @!p0 $0x88, s6;
	s7 =	simm.s32 @p2 $0x1082  }
0x22: {  	[simem:s7], [sflag:s8] =	dma.local @!p0 [hbm:s6], $0xF7A  }
0x23: {  	s9 =	sor.u32 $0xD0000000, s2;
	s6 =	simm.s32 $0x108;
	_ =	swait.ge @!p0 [sflag:s8], $0x0  }
0x24: {  	s3 =	sadd.s32 $0x88, s3;
	s6 =	simm.s32 @!p1 $0x1082;
	[sflag:s4] =	ssyncset.s32 $0xFFFFF086  }
0x25: {  	[simem:s6], [sflag:s4] =	dma.local [hbm:s3], $0xF7A  }
0x26: {  	[smem:$0x3F9B] =	sst s1;
	(tag) =	ssettag s2;
	_ =	strace s9  }
0x27: {  	s1 =	sld [smem:$0x3FAB]  }
0x28: {  	s2 =	sld [smem:$0x3FAC]  }
0x29: {  	s4 =	sld [smem:$0x3FAE]  }
0x2a: {  	p0 =	seq.s32 s5, $0x0;
	s5 =	sld [smem:$0x3FAF]  }
0x2b: {  	s6 =	sld [smem:$0x3FB0]  }
0x2c: {  	s7 =	sld [smem:$0x3FB1]  }
0x2d: {  	s3 =	simm.s32 $0x108;
	s8 =	sld [smem:$0x3FB2]  }
0x2e: {  	s3 =	simm.s32 @!p0 $0x1082;
	s9 =	sld [smem:$0x3FB3]  }
0x2f: {  	lr =	sadd.s32 s0, s3;
	s0 =	sld [smem:$0x3FAA]  }
0x30: {  	s3 =	sld [smem:$0x3FAD]  }
0x31: {  	[smem:$0x3FB6] =	sst s10  }
0x32: {  	s10 =	sld [smem:$0x3FB4];
	_ =	sdelay $0x3  }
0x33: {  	p0 =	seq.s32 s10, $0x1;
	s10 =	sld [smem:$0x3FB6];
	_ =	sdelay $0x3  }
0x34: {  	[smem:$0x3FB6] =	sst s10  }
0x35: {  	s10 =	sld [smem:$0x3FB5];
	_ =	sdelay $0x3  }
0x36: {  	p1 =	seq.s32 s10, $0x1;
	s10 =	sld [smem:$0x3FB6];
	_ =	sdelay $0x3  }
0x37: {  	[smem:$0x3FB6] =	sst s10  }
0x38: {  	s10 =	sld [smem:$0x3FB7]  }
0x39: {  	_ = 	snop;
	(pc) =	sbr.ind lr, $3  }
0x3a: {  	_ = 	snop  }
0x3b: {  	_ = 	snop  }
0x3c: {  	p2 =	seq.s32 s10, $0x1;
	s10 =	sld [smem:$0x3FB6]  }
0x3d: {  	_ =	shalt  }
0x3e: {  	_ =	shalt  }
0x3f: {  	_ =	shalt  }
0x40: {  	_ =	shalt  }
0x41: {  	_ =	shalt  }
0x42: {  	_ =	shalt  }
0x43: {  	_ =	shalt  }
0x44: {  	_ =	shalt  }
0x45: {  	_ =	shalt  }
0x46: {  	_ =	shalt  }
0x47: {  	_ =	shalt  }
0x48: {  	_ =	shalt  }
0x49: {  	_ =	shalt  }
0x4a: {  	_ =	shalt  }
0x4b: {  	_ =	shalt  }
0x4c: {  	_ =	shalt  }
0x4d: {  	_ =	shalt  }
0x4e: {  	_ =	shalt  }
0x4f: {  	_ =	shalt  }
0x50: {  	_ =	shalt  }
0x51: {  	_ =	shalt  }
0x52: {  	_ =	shalt  }
0x53: {  	_ =	shalt  }
0x54: {  	_ =	shalt  }
0x55: {  	_ =	shalt  }
0x56: {  	_ =	shalt  }
0x57: {  	_ =	shalt  }
0x58: {  	_ =	shalt  }
0x59: {  	_ =	shalt  }
0x5a: {  	_ =	shalt  }
0x5b: {  	_ =	shalt  }
0x5c: {  	_ =	shalt  }
0x5d: {  	_ =	shalt  }
0x5e: {  	_ =	shalt  }
0x5f: {  	_ =	shalt  }
0x60: {  	_ =	shalt  }
0x61: {  	_ =	shalt  }
0x62: {  	_ =	shalt  }
0x63: {  	_ =	shalt  }
0x64: {  	_ =	shalt  }
0x65: {  	_ =	shalt  }
0x66: {  	_ =	shalt  }
0x67: {  	_ =	shalt  }
0x68: {  	_ =	shalt  }
0x69: {  	_ =	shalt  }
0x6a: {  	_ =	shalt  }
0x6b: {  	_ =	shalt  }
0x6c: {  	_ =	shalt  }
0x6d: {  	_ =	shalt  }
0x6e: {  	_ =	shalt  }
0x6f: {  	_ =	shalt  }
0x70: {  	_ =	shalt  }
0x71: {  	_ =	shalt  }
0x72: {  	_ =	shalt  }
0x73: {  	_ =	shalt  }
0x74: {  	_ =	shalt  }
0x75: {  	_ =	shalt  }
0x76: {  	_ =	shalt  }
0x77: {  	_ =	shalt  }
0x78: {  	_ =	shalt  }
0x79: {  	_ =	shalt  }
0x7a: {  	_ =	shalt  }
0x7b: {  	_ =	shalt  }
0x7c: {  	_ =	shalt  }
0x7d: {  	_ =	shalt  }
0x7e: {  	_ =	shalt  }
0x7f: {  	_ =	shalt  }
0x80: {  	_ =	shalt  }
0x81: {  	_ =	shalt  }
0x82: {  	_ =	shalt  }
0x83: {  	_ =	shalt  }
0x84: {  	_ =	shalt  }
0x85: {  	_ =	shalt  }
0x86: {  	_ =	shalt  }
0x87: {  	_ =	shalt  }
.Lfunc_end0:
.L_simem_size_0:
called_computation.3_lowered:
.L_overlay_start_0:
0x88: {  	s2 =	sld [smem:$0x3FD9]  }
0x89: {  	s3 =	sld [smem:$0x3FFE];
	_ =	sdelay $0x1  }
0x8a: {  	s1 =	srdreg.scid  }
0x8b: {  	s0 =	sand.u32 $0x1, s1  }
0x8c: {  	s14 =	sshll.u32 s0, $0xA;
	s2 =	sadd.s32 s3, s2  }
0x8d: {  	s2 =	sadd.s32 s2, s14  }
0x8e: {  	[smem:$0x3FC2] =	sst s2  }
0x8f: {  	_ = 	snop  }
0x90: {  	s2 =	sld [smem:$0x3FD0];
	_ =	sdelay $0x2  }
0x91: {  	s15 =	simm.s32 $0xA;
	s4 =	simm.s32 $0x10  }
0x92: {  	[smem:s4], [sflag:s15] =	dma.local [hbm:s2], $0x1  }
0x93: {  	_ =	swait.eq [sflag:s15], $0x1  }
0x94: {  	[sflag:s15] =	ssyncset.done $0x0  }
0x95: {  	[sflag:s15] =	ssyncadd.s32 $0xFFFFFFFF  }
0x96: {  	s16 =	sld [smem:$0x10];
	(tm) =	ssettm $0x1  }
0x97: {  	s17 =	sld [smem:$0x3FFB];
	_ =	sdelay $0x3  }
0x98: {  	_ =	strace s17  }
0x99: {  	s3 =	sld [smem:$0x3FFC];
	_ =	sdelay $0x3  }
0x9a: {  	_ =	strace s3  }
0x9b: {  	s3 =	sld [smem:$0x3FFD];
	_ =	sdelay $0x3  }
0x9c: {  	_ =	strace s3  }
0x9d: {  	_ =	strace $0x8FFFFFFF  }
0x9e: {  	s18 =	sld [smem:$0x3FDB];
	_ =	sdelay $0x1  }
0x9f: {  	s19 =	simm.s32 $_scs_section_size  }
0xa0: {  	s5 =	simm.s32 $_size__tile_overlayer_lowered;
	s6 =	simm.s32 $_tile_overlayer_lowered  }
0xa1: {  	s22 =	simm.s32 $0x1BFF;
	s21 =	sshll.u32 s6, $0x1;
	s3 =	sadd.s32 s19, s18  }
0xa2: {  	s7 =	simm.s32 $0x0;
	s20 =	sshll.u32 s5, $0x1;
	s5 =	sadd.s32 s21, s3  }
0xa3: {  	[timem:s7], [sflag:s22] =	dma.local [hbm:s5], s20  }
0xa4: {  	_ =	swait.ge [sflag:s22], s20  }
0xa5: {  	s4 =	ssub.s32 $0x0, s20;
	[sflag:s22] =	ssyncset.done $0x0  }
0xa6: {  	[sflag:s22] =	ssyncadd.s32 s4;
	_ =	sdelay $0x1  }
0xa7: {  	s23 =	simm.s32 $0x1B8B  }
0xa8: {  	_ =	swait.ge [sflag:s23], $0x1  }
0xa9: {  	[sflag:s23] =	ssyncset.done $0x0  }
0xaa: {  	s25 =	simm.s32 $0x1B8E;
	s24 =	sld [smem:$0x3FFE];
	[sflag:s23] =	ssyncadd.s32 $0xFFFFFFFF  }
0xab: {  	s26 =	simm.s32 $execute0_lowered;
	[smem:$0x3FD2] =	sst s25  }
0xac: {  	s5 =	sshll.u32 s26, $0x1;
	_ =	strace $0x8000004F;
	[dreg:$0x1] =	wrdreg $0xFFFFFFFF  }
0xad: {  	s28 =	simm.s32 $_size_execute0_lowered;
	s3 =	sadd.s32 s3, s5;
	[dreg:$0x0] =	wrdreg $0x0  }
0xae: {  	s5 =	sshll.u32 s28, $0x1;
	[dreg:$0x2] =	wrdreg s3  }
0xaf: {  	[dreg:$0x3] =	wrdreg s5  }
0xb0: {  	[dreg:$0x4] =	wrdreg $0xC0  }
0xb1: {  	_ =	task [dreg:s7], $0x5FFFF  }
0xb2: {  	[dreg:$0x1] =	wrdreg $0xFFFFFFFF  }
0xb3: {  	[dreg:$0x0] =	wrdreg $0x60  }
0xb4: {  	[dreg:$0x2] =	wrdreg s24  }
0xb5: {  	[dreg:$0x3] =	wrdreg s16  }
0xb6: {  	[dreg:$0x4] =	wrdreg $0x9  }
0xb7: {  	_ =	task.clear_ibuf [dreg:s7], $0x5FFFF;
	_ =	strace $0x9000004F  }
0xb8: {  	s29 =	simm.s32 $0x9;
	_ =	strace $0x80000051  }
0xb9: {  	_ =	swait.ge [sflag:s29], $0x1  }
0xba: {  	[sflag:s29] =	ssyncadd.s32 $0xFFFFFFFF  }
0xbb: {  	_ =	strace $0x90000051  }
0xbc: {  	_ =	sfence  }
0xbd: {  	s30 =	sld [smem:$0x0];
	_ =	sdelay $0x2  }
0xbe: {  	s31 =	sshll.u32 s1, $0xD;
	s1 =	sshrl.u32 s1, $0x2  }
0xbf: {  	s3 =	sand.u32 $0x4000, s31;
	s1 =	sadd.s32 s1, s30  }
0xc0: {  	s0 =	sor.u32 s3, s0;
	s1 =	sshll.u32 s1, $0x11  }
0xc1: {  	s0 =	sor.u32 s1, s0  }
0xc2: {  	s0 =	sadd.s32 $0x8F2B, s0  }
0xc3: {  	[sflag:s0] =	ssyncadd.remote.s32 $0x1  }
0xc4: {  	_ =	sfence.sel $0xFFFF  }
0xc5: {  	[dreg:$0x0] =	wrdreg $0xFFFFFFFF;
	(pc) =	sbr.abs _section_cstart, $3  }
0xc6: {  	[dreg:$0x1] =	wrdreg $0xFFFFFFFF  }
0xc7: {  	_ =	task.clear_ibuf [dreg:s7], $0x2FFFF;
	_ =	strace $0x9FFFFFFF  }
0xc8: {  	(tm) =	ssettm $0x7FFFFFFF  }
0xc9: {  	_ =	shalt  }
tec
execute0_lowered:
.L_overlay_start_1:
0x0: {  	(tag) =	ssettag $0x1  }
0x1: {  	v3 =	vlaneseq.u32  }
0x2: {  	v0 =	vmul.u32 $0x2, v3  }
0x3: {  	vm0 =	vmmov $0xffff;
	v2 =	vshrl.u32 v3, $0x3;
	v1 =	vand.u32 $0x7, v3  }
0x4: {  	v3 =	vor.u32 $0x8, v3;
	v2 =	vmul.u32 $0x8, v2;
	v4 =	vor.u32 $0x1, v0  }
0x5: {  	v5 =	vor.u32 $0x20, v0;
	v6 =	vor.u32 $0x21, v0;
	v7 =	vor.u32 $0x40, v0  }
0x6: {  	s0 =	rddreg [dreg:$0x0];
	s1 =	simm.s32 $0x0;
	s24 =	srdreg.scid;
	v8 =	vor.u32 $0x41, v0;
	v9 =	vor.u32 $0x60, v0;
	v10 =	vor.u32 $0x61, v0  }
0x7: {  	s9 =	stileid.u32;
	s12 =	simm.s32 $0x3;
	s14 =	simm.s32 $0x100;
	v11 =	vor.u32 $0x400, v0;
	v12 =	vor.u32 $0x401, v0;
	v13 =	vor.u32 $0x420, v0  }
0x8: {  	s15 =	simm.s32 $0x180;
	s21 =	simm.s32 $0x2A00;
	s22 =	simm.s32 $0x3200;
	v14 =	vor.u32 $0x421, v0;
	v15 =	vor.u32 $0x440, v0;
	v16 =	vor.u32 $0x441, v0  }
0x9: {  	s23 =	simm.s32 $0x3A00;
	s28 =	simm.s32 $0x5A00;
	s29 =	simm.s32 $0x6200;
	v17 =	vor.u32 $0x460, v0;
	v18 =	vor.u32 $0x461, v0;
	v19 =	vor.u32 $0x800, v0  }
0xa: {  	s30 =	simm.s32 $0x6A00;
	s31 =	simm.s32 $0x7200;
	s11 =	simm.s32 $0x2;
	v20 =	vor.u32 $0x801, v0;
	v21 =	vor.u32 $0x820, v0;
	v22 =	vor.u32 $0x821, v0  }
0xb: {  	s13 =	simm.s32 $0x0;
	[smem:$0x7FF] =	sst s1;
	s3 =	sadd.s32 $0x144800, s0;
	v23 =	vor.u32 $0x840, v0;
	v24 =	vor.u32 $0x841, v0;
	v25 =	vor.u32 $0x860, v0  }
0xc: {  	s4 =	sadd.s32 $0x3800, s0;
	s1 =	sand.u32 $0x1, s24;
	s5 =	sadd.s32 $0x3C00, s0;
	v26 =	vor.u32 $0x861, v0;
	v27 =	vor.u32 $0xC00, v0;
	v28 =	vor.u32 $0xC01, v0  }
0xd: {  	s6 =	sadd.s32 $0x4000, s0;
	s8 =	sadd.s32 $0x4400, s0;
	s25 =	sshll.u32 s9, $0x9;
	v29 =	vor.u32 $0xC20, v0;
	v30 =	vor.u32 $0xC21, v0;
	v31 =	vor.u32 $0xC40, v0  }
0xe: {  	s10 =	sadd.s32 $0x144900, s0;
	s24 =	simm.s32 $0x4200;
	s2 =	ssub.s32 $0x2, s1;
	v32 =	vor.u32 $0xC41, v0;
	v33 =	vor.u32 $0xC60, v0;
	v34 =	vor.u32 $0xC61, v0  }
0xf: {  	s0 =	simm.s32 $0x7A00;
	s1 =	sshll.u32 s1, $0x8;
	s7 =	sshrl.u32 s2, $0x1;
	v35 =	vor.u32 $0x1000, v0;
	v36 =	vor.u32 $0x1001, v0;
	v37 =	vor.u32 $0x1020, v0  }
0x10: {  	_ =	strace $0x80000050;
	s9 =	sor.u32 s1, s25;
	v38 =	vor.u32 $0x1021, v0;
	v39 =	vor.u32 $0x1040, v0;
	v40 =	vor.u32 $0x1041, v0;
	s2 =	ssub.s32 s2, s7  }
0x11: {  	s25 =	simm.s32 $0x4A00;
	v41 =	vor.u32 $0x1060, v0;
	v42 =	vor.u32 $0x1061, v0;
	v43 =	vor.u32 $0x1400, v0;
	s1 =	simm.s32 $0x8200;
	s26 =	smax.u32 s2, $0x1  }
0x12: {  	v44 =	vor.u32 $0x1401, v0;
	v45 =	vor.u32 $0x1420, v0;
	v46 =	vor.u32 $0x1421, v0;
	s7 =	simm.s32 $0x1;
	[dreg:$0x3] =	wrdreg s26;
	s26 =	simm.s32 $0x5200  }
.LBB2_1:
0x13: {  	[dreg:$0x4] =	wrdreg s13;
	s2 =	simm.s32 $0x0  }
.LBB2_2:
0x14: {  	s13 =	sshll.u32 s2, $0x5  }
0x15: {  	s13 =	sadd.s32 s9, s13  }
0x16: {  	s17 =	sshrl.u32 s13, $0x3  }
0x17: {  	s16 =	simm.s32 $0x0;
	s18 =	sadd.s32 s4, s17  }
0x18: {  	[tilespmem:s16], [sflag:$0x3] =	stream.linear.gather [hbm4b:s18+s16], $0x20, $0x38;
	[tilespmem:$0x10200] =	vst v63  }
0x19: {  	_ =	swait.ge [sflag:s12], $0x20  }
0x1a: {  	[sflag:s12] =	ssyncset.done $0x0  }
0x1b: {  	s19 =	simm.s32 $0x80;
	s20 =	sadd.s32 s5, s17;
	[sflag:s12] =	ssyncadd.s32 $0xFFFFFFE0  }
0x1c: {  	[tilespmem:s19], [sflag:$0x3] =	stream.linear.gather [hbm4b:s20+s16], $0x20, $0x38;
	[tilespmem:$0x10200] =	vst v63  }
0x1d: {  	_ =	swait.ge [sflag:s12], $0x20  }
0x1e: {  	[sflag:s12] =	ssyncset.done $0x0  }
0x1f: {  	s20 =	sadd.s32 s6, s17;
	[sflag:s12] =	ssyncadd.s32 $0xFFFFFFE0  }
0x20: {  	[tilespmem:s14], [sflag:$0x3] =	stream.linear.gather [hbm4b:s20+s16], $0x20, $0x38;
	[tilespmem:$0x10200] =	vst v63  }
0x21: {  	_ =	swait.ge [sflag:s12], $0x20  }
0x22: {  	[sflag:s12] =	ssyncset.done $0x0  }
0x23: {  	s17 =	sadd.s32 s8, s17;
	[sflag:s12] =	ssyncadd.s32 $0xFFFFFFE0  }
0x24: {  	[tilespmem:s15], [sflag:$0x3] =	stream.linear.gather [hbm4b:s17+s16], $0x20, $0x38;
	[tilespmem:$0x10200] =	vst v63  }
0x25: {  	_ =	swait.ge [sflag:s12], $0x20  }
0x26: {  	[sflag:s12] =	ssyncset.done $0x0  }
0x27: {  	[sflag:s12] =	ssyncadd.s32 $0xFFFFFFE0  }
0x28: {  	v47 =	vld [tilespmem:$0x0];
	_ =	sdelay $0x4  }
0x29: {  	v48 =	vshll.u32 v47, $0x2  }
0x2a: {  	v47 =	vand.u32 $0x7, v47;
	v48 =	vand.u32 $0xFFFFFFE0, v48  }
0x2b: {  	v47 =	vor.u32 v47, v48  }
0x2c: {  	v48 =	vperm.xlane v47, v1;
	_ =	sdelay $0x1  }
0x2d: {  	v48 =	vadd.s32 v2, v48;
	_ =	sdelay $0x1  }
0x2e: {  	v47 =	vperm.xlane v47, v3;
	_ =	sdelay $0x1  }
0x2f: {  	s19 =	simm.s32 $0x200;
	v47 =	vadd.s32 v2, v47  }
0x30: {  	[tilespmem:s19], [sflag:$0x1] =	stream.indirect_vreg.gather [hbm4b:s3+s16], $0x80, v48, vm0, $0xb8;
	[tilespmem:$0x10200] =	vst v63  }
0x31: {  	s20 =	simm.s32 $0xA00  }
0x32: {  	[tilespmem:s20], [sflag:$0x1] =	stream.indirect_vreg.gather [hbm4b:s10+s16], $0x80, v48, vm0, $0xb8;
	[tilespmem:$0x10200] =	vst v63  }
0x33: {  	s18 =	simm.s32 $0x1200  }
0x34: {  	[tilespmem:s18], [sflag:$0x1] =	stream.indirect_vreg.gather [hbm4b:s3+s16], $0x80, v47, vm0, $0xb8;
	[tilespmem:$0x10200] =	vst v63  }
0x35: {  	s19 =	simm.s32 $0x1A00  }
0x36: {  	[tilespmem:s19], [sflag:$0x1] =	stream.indirect_vreg.gather [hbm4b:s10+s16], $0x80, v47, vm0, $0xb8;
	[tilespmem:$0x10200] =	vst v63  }
0x37: {  	v47 =	vld [tilespmem:$0x10];
	_ =	sdelay $0x4  }
0x38: {  	v61 =	vshll.u32 v47, $0x2  }
0x39: {  	v47 =	vand.u32 $0x7, v47;
	v48 =	vand.u32 $0xFFFFFFE0, v61  }
0x3a: {  	v47 =	vor.u32 v47, v48  }
0x3b: {  	v48 =	vperm.xlane v47, v1;
	_ =	sdelay $0x1  }
0x3c: {  	v48 =	vadd.s32 v2, v48;
	_ =	sdelay $0x1  }
0x3d: {  	v47 =	vperm.xlane v47, v3;
	_ =	sdelay $0x1  }
0x3e: {  	s20 =	simm.s32 $0x2200;
	v47 =	vadd.s32 v2, v47  }
0x3f: {  	[tilespmem:s20], [sflag:$0x1] =	stream.indirect_vreg.gather [hbm4b:s3+s16], $0x80, v48, vm0, $0xb8;
	[tilespmem:$0x10200] =	vst v63  }
0x40: {  	_ = 	snop  }
0x41: {  	[tilespmem:s21], [sflag:$0x1] =	stream.indirect_vreg.gather [hbm4b:s10+s16], $0x80, v48, vm0, $0xb8;
	[tilespmem:$0x10200] =	vst v63  }
0x42: {  	_ = 	snop  }
0x43: {  	[tilespmem:s22], [sflag:$0x1] =	stream.indirect_vreg.gather [hbm4b:s3+s16], $0x80, v47, vm0, $0xb8;
	[tilespmem:$0x10200] =	vst v63  }
0x44: {  	_ = 	snop  }
0x45: {  	[tilespmem:s23], [sflag:$0x1] =	stream.indirect_vreg.gather [hbm4b:s10+s16], $0x80, v47, vm0, $0xb8;
	[tilespmem:$0x10200] =	vst v63  }
0x46: {  	v47 =	vld [tilespmem:$0x80];
	_ =	sdelay $0x4  }
0x47: {  	v62 =	vshll.u32 v47, $0x2  }
0x48: {  	v47 =	vand.u32 $0x7, v47;
	v48 =	vand.u32 $0xFFFFFFE0, v62  }
0x49: {  	v47 =	vor.u32 v47, v48  }
0x4a: {  	v48 =	vperm.xlane v47, v1;
	_ =	sdelay $0x1  }
0x4b: {  	v48 =	vadd.s32 v2, v48;
	_ =	sdelay $0x1  }
0x4c: {  	v47 =	vperm.xlane v47, v3;
	_ =	sdelay $0x1  }
0x4d: {  	v47 =	vadd.s32 v2, v47  }
0x4e: {  	[tilespmem:s24], [sflag:$0x2] =	stream.indirect_vreg.gather [hbm4b:s3+s16], $0x80, v48, vm0, $0xb8;
	[tilespmem:$0x10200] =	vst v63  }
0x4f: {  	_ = 	snop  }
0x50: {  	[tilespmem:s25], [sflag:$0x2] =	stream.indirect_vreg.gather [hbm4b:s10+s16], $0x80, v48, vm0, $0xb8;
	[tilespmem:$0x10200] =	vst v63  }
0x51: {  	_ = 	snop  }
0x52: {  	[tilespmem:s26], [sflag:$0x2] =	stream.indirect_vreg.gather [hbm4b:s3+s16], $0x80, v47, vm0, $0xb8;
	[tilespmem:$0x10200] =	vst v63  }
0x53: {  	_ = 	snop  }
0x54: {  	[tilespmem:s28], [sflag:$0x2] =	stream.indirect_vreg.gather [hbm4b:s10+s16], $0x80, v47, vm0, $0xb8;
	[tilespmem:$0x10200] =	vst v63  }
0x55: {  	v47 =	vld [tilespmem:$0x90];
	_ =	sdelay $0x4  }
0x56: {  	v63 =	vshll.u32 v47, $0x2  }
0x57: {  	v47 =	vand.u32 $0x7, v47;
	v48 =	vand.u32 $0xFFFFFFE0, v63  }
0x58: {  	v47 =	vor.u32 v47, v48  }
0x59: {  	v48 =	vperm.xlane v47, v1;
	_ =	sdelay $0x1  }
0x5a: {  	v48 =	vadd.s32 v2, v48;
	_ =	sdelay $0x1  }
0x5b: {  	v47 =	vperm.xlane v47, v3;
	_ =	sdelay $0x1  }
0x5c: {  	v47 =	vadd.s32 v2, v47  }
0x5d: {  	[tilespmem:s29], [sflag:$0x2] =	stream.indirect_vreg.gather [hbm4b:s3+s16], $0x80, v48, vm0, $0xb8;
	[tilespmem:$0x10200] =	vst v63  }
0x5e: {  	_ = 	snop  }
0x5f: {  	[tilespmem:s30], [sflag:$0x2] =	stream.indirect_vreg.gather [hbm4b:s10+s16], $0x80, v48, vm0, $0xb8;
	[tilespmem:$0x10200] =	vst v63  }
0x60: {  	_ = 	snop  }
0x61: {  	[tilespmem:s31], [sflag:$0x2] =	stream.indirect_vreg.gather [hbm4b:s3+s16], $0x80, v47, vm0, $0xb8;
	[tilespmem:$0x10200] =	vst v63  }
0x62: {  	_ = 	snop  }
0x63: {  	[tilespmem:s0], [sflag:$0x2] =	stream.indirect_vreg.gather [hbm4b:s10+s16], $0x80, v47, vm0, $0xb8;
	[tilespmem:$0x10200] =	vst v63  }
0x64: {  	_ =	swait.ge [sflag:s7], $0x4000  }
0x65: {  	[sflag:s7] =	ssyncset.done $0x0  }
0x66: {  	[sflag:s7] =	ssyncadd.s32 $0xFFFFC000  }
0x67: {  	_ =	swait.ge [sflag:s11], $0x4000  }
0x68: {  	[sflag:s11] =	ssyncset.done $0x0  }
0x69: {  	s17 =	simm.s32 $0x0;
	s18 =	simm.s32 $0x0;
	[sflag:s11] =	ssyncadd.s32 $0xFFFFC000  }
.LBB2_3:
0x6a: {  	v50 =	vmov s18  }
0x6b: {  	s19 =	sand.u32 $0x3000, s16;
	s20 =	sand.u32 $0x380, s17  }
0x6c: {  	s19 =	sor.u32 s20, s19  }
0x6d: {  	v51 =	vld [tilespmem:s19+$0x200]  }
0x6e: {  	v52 =	vld [tilespmem:s19+$0x4200]  }
0x6f: {  	v47 =	vld.idx.msk [tilespmem:v50+s14+$0x0], $0xffff  }
0x70: {  	v48 =	vld.idx.msk [tilespmem:v50+s15+$0x0], $0xffff  }
0x71: {  	v49 =	vshll.u32 v50, $0xA;
	v50 =	vshll.u32 v50, $0x7  }
0x72: {  	v53 =	vand.u32 $0x6000, v49;
	v50 =	vand.u32 $0x380, v50  }
0x73: {  	v54 =	vunpack.i.u.bf16.f32 v51;
	v55 =	vunpack.i.l.bf16.f32 v51;
	v51 =	vor.u32 v50, v53  }
0x74: {  	v63 =	vunpack.i.u.bf16.f32 v52;
	v52 =	vunpack.i.l.bf16.f32 v52;
	v56 =	vor.u32 v0, v51  }
0x75: {  	v57 =	vor.u32 v4, v51;
	v55 =	vmul.f32 v55, v47;
	v52 =	vmul.f32 v52, v48  }
0x76: {  	v54 =	vmul.f32 v54, v47;
	v53 =	vmul.f32 v63, v48  }
0x77: {  	v52 =	vadd.f32 v52, v55  }
0x78: {  	v53 =	vadd.f32 v53, v54  }
0x79: {  	[tilespmem:v56+s1+$0x0] =	vst.idx.msk $0xffff, v52  }
0x7a: {  	[tilespmem:v57+s1+$0x0] =	vst.idx.msk $0xffff, v53  }
0x7b: {  	v52 =	vld [tilespmem:s19+$0x210]  }
0x7c: {  	v53 =	vld [tilespmem:s19+$0x4210];
	_ =	sdelay $0x3  }
0x7d: {  	v62 =	vor.u32 v5, v51;
	v60 =	vunpack.i.u.bf16.f32 v52  }
0x7e: {  	v52 =	vunpack.i.l.bf16.f32 v52;
	v61 =	vunpack.i.u.bf16.f32 v53;
	v53 =	vunpack.i.l.bf16.f32 v53  }
0x7f: {  	v63 =	vor.u32 v6, v51;
	v52 =	vmul.f32 v52, v47;
	v53 =	vmul.f32 v53, v48  }
0x80: {  	v54 =	vmul.f32 v60, v47;
	v55 =	vmul.f32 v61, v48  }
0x81: {  	v52 =	vadd.f32 v53, v52  }
0x82: {  	v59 =	vadd.f32 v55, v54  }
0x83: {  	[tilespmem:v62+s1+$0x0] =	vst.idx.msk $0xffff, v52  }
0x84: {  	[tilespmem:v63+s1+$0x0] =	vst.idx.msk $0xffff, v59  }
0x85: {  	v52 =	vld [tilespmem:s19+$0x220]  }
0x86: {  	v53 =	vld [tilespmem:s19+$0x4220];
	_ =	sdelay $0x3  }
0x87: {  	v62 =	vor.u32 v7, v51;
	v60 =	vunpack.i.u.bf16.f32 v52  }
0x88: {  	v52 =	vunpack.i.l.bf16.f32 v52;
	v61 =	vunpack.i.u.bf16.f32 v53;
	v53 =	vunpack.i.l.bf16.f32 v53  }
0x89: {  	v63 =	vor.u32 v8, v51;
	v52 =	vmul.f32 v52, v47;
	v53 =	vmul.f32 v53, v48  }
0x8a: {  	v54 =	vmul.f32 v60, v47;
	v55 =	vmul.f32 v61, v48  }
0x8b: {  	v52 =	vadd.f32 v53, v52  }
0x8c: {  	v59 =	vadd.f32 v55, v54  }
0x8d: {  	[tilespmem:v62+s1+$0x0] =	vst.idx.msk $0xffff, v52  }
0x8e: {  	[tilespmem:v63+s1+$0x0] =	vst.idx.msk $0xffff, v59  }
0x8f: {  	v52 =	vld [tilespmem:s19+$0x230]  }
0x90: {  	v53 =	vld [tilespmem:s19+$0x4230];
	_ =	sdelay $0x3  }
0x91: {  	v62 =	vor.u32 v9, v51;
	v60 =	vunpack.i.u.bf16.f32 v52  }
0x92: {  	v52 =	vunpack.i.l.bf16.f32 v52;
	v61 =	vunpack.i.u.bf16.f32 v53;
	v53 =	vunpack.i.l.bf16.f32 v53  }
0x93: {  	v63 =	vor.u32 v10, v51;
	v52 =	vmul.f32 v52, v47;
	v53 =	vmul.f32 v53, v48  }
0x94: {  	v54 =	vmul.f32 v60, v47;
	v55 =	vmul.f32 v61, v48  }
0x95: {  	v52 =	vadd.f32 v53, v52  }
0x96: {  	v59 =	vadd.f32 v55, v54  }
0x97: {  	[tilespmem:v62+s1+$0x0] =	vst.idx.msk $0xffff, v52  }
0x98: {  	[tilespmem:v63+s1+$0x0] =	vst.idx.msk $0xffff, v59  }
0x99: {  	v52 =	vld [tilespmem:s19+$0x240]  }
0x9a: {  	v53 =	vld [tilespmem:s19+$0x4240];
	_ =	sdelay $0x3  }
0x9b: {  	v62 =	vor.u32 v11, v51;
	v60 =	vunpack.i.u.bf16.f32 v52  }
0x9c: {  	v52 =	vunpack.i.l.bf16.f32 v52;
	v61 =	vunpack.i.u.bf16.f32 v53;
	v53 =	vunpack.i.l.bf16.f32 v53  }
0x9d: {  	v63 =	vor.u32 v12, v51;
	v52 =	vmul.f32 v52, v47;
	v53 =	vmul.f32 v53, v48  }
0x9e: {  	v54 =	vmul.f32 v60, v47;
	v55 =	vmul.f32 v61, v48  }
0x9f: {  	v52 =	vadd.f32 v53, v52  }
0xa0: {  	v59 =	vadd.f32 v55, v54  }
0xa1: {  	[tilespmem:v62+s1+$0x0] =	vst.idx.msk $0xffff, v52  }
0xa2: {  	[tilespmem:v63+s1+$0x0] =	vst.idx.msk $0xffff, v59  }
0xa3: {  	v52 =	vld [tilespmem:s19+$0x250]  }
0xa4: {  	v53 =	vld [tilespmem:s19+$0x4250];
	_ =	sdelay $0x3  }
0xa5: {  	v62 =	vor.u32 v13, v51;
	v60 =	vunpack.i.u.bf16.f32 v52  }
0xa6: {  	v52 =	vunpack.i.l.bf16.f32 v52;
	v61 =	vunpack.i.u.bf16.f32 v53;
	v53 =	vunpack.i.l.bf16.f32 v53  }
0xa7: {  	v63 =	vor.u32 v14, v51;
	v52 =	vmul.f32 v52, v47;
	v53 =	vmul.f32 v53, v48  }
0xa8: {  	v54 =	vmul.f32 v60, v47;
	v55 =	vmul.f32 v61, v48  }
0xa9: {  	v52 =	vadd.f32 v53, v52  }
0xaa: {  	v59 =	vadd.f32 v55, v54  }
0xab: {  	[tilespmem:v62+s1+$0x0] =	vst.idx.msk $0xffff, v52  }
0xac: {  	[tilespmem:v63+s1+$0x0] =	vst.idx.msk $0xffff, v59  }
0xad: {  	v52 =	vld [tilespmem:s19+$0x260]  }
0xae: {  	v53 =	vld [tilespmem:s19+$0x4260];
	_ =	sdelay $0x3  }
0xaf: {  	v62 =	vor.u32 v15, v51;
	v60 =	vunpack.i.u.bf16.f32 v52  }
0xb0: {  	v52 =	vunpack.i.l.bf16.f32 v52;
	v61 =	vunpack.i.u.bf16.f32 v53;
	v53 =	vunpack.i.l.bf16.f32 v53  }
0xb1: {  	v63 =	vor.u32 v16, v51;
	v52 =	vmul.f32 v52, v47;
	v53 =	vmul.f32 v53, v48  }
0xb2: {  	v54 =	vmul.f32 v60, v47;
	v55 =	vmul.f32 v61, v48  }
0xb3: {  	v52 =	vadd.f32 v53, v52  }
0xb4: {  	v59 =	vadd.f32 v55, v54  }
0xb5: {  	[tilespmem:v62+s1+$0x0] =	vst.idx.msk $0xffff, v52  }
0xb6: {  	[tilespmem:v63+s1+$0x0] =	vst.idx.msk $0xffff, v59  }
0xb7: {  	v52 =	vld [tilespmem:s19+$0x270]  }
0xb8: {  	v53 =	vld [tilespmem:s19+$0x4270];
	_ =	sdelay $0x3  }
0xb9: {  	v62 =	vor.u32 v17, v51;
	v60 =	vunpack.i.u.bf16.f32 v52  }
0xba: {  	v52 =	vunpack.i.l.bf16.f32 v52;
	v61 =	vunpack.i.u.bf16.f32 v53;
	v53 =	vunpack.i.l.bf16.f32 v53  }
0xbb: {  	v63 =	vor.u32 v18, v51;
	v52 =	vmul.f32 v52, v47;
	v53 =	vmul.f32 v53, v48  }
0xbc: {  	v54 =	vmul.f32 v60, v47;
	v55 =	vmul.f32 v61, v48  }
0xbd: {  	v52 =	vadd.f32 v53, v52  }
0xbe: {  	v59 =	vadd.f32 v55, v54  }
0xbf: {  	[tilespmem:v62+s1+$0x0] =	vst.idx.msk $0xffff, v52  }
0xc0: {  	[tilespmem:v63+s1+$0x0] =	vst.idx.msk $0xffff, v59  }
0xc1: {  	v52 =	vld [tilespmem:s19+$0x600]  }
0xc2: {  	v53 =	vld [tilespmem:s19+$0x4600];
	_ =	sdelay $0x3  }
0xc3: {  	v62 =	vor.u32 v19, v51;
	v60 =	vunpack.i.u.bf16.f32 v52  }
0xc4: {  	v52 =	vunpack.i.l.bf16.f32 v52;
	v61 =	vunpack.i.u.bf16.f32 v53;
	v53 =	vunpack.i.l.bf16.f32 v53  }
0xc5: {  	v63 =	vor.u32 v20, v51;
	v52 =	vmul.f32 v52, v47;
	v53 =	vmul.f32 v53, v48  }
0xc6: {  	v54 =	vmul.f32 v60, v47;
	v55 =	vmul.f32 v61, v48  }
0xc7: {  	v52 =	vadd.f32 v53, v52  }
0xc8: {  	v59 =	vadd.f32 v55, v54  }
0xc9: {  	[tilespmem:v62+s1+$0x0] =	vst.idx.msk $0xffff, v52  }
0xca: {  	[tilespmem:v63+s1+$0x0] =	vst.idx.msk $0xffff, v59  }
0xcb: {  	v52 =	vld [tilespmem:s19+$0x610]  }
0xcc: {  	v53 =	vld [tilespmem:s19+$0x4610];
	_ =	sdelay $0x3  }
0xcd: {  	v62 =	vor.u32 v21, v51;
	v60 =	vunpack.i.u.bf16.f32 v52  }
0xce: {  	v52 =	vunpack.i.l.bf16.f32 v52;
	v61 =	vunpack.i.u.bf16.f32 v53;
	v53 =	vunpack.i.l.bf16.f32 v53  }
0xcf: {  	v63 =	vor.u32 v22, v51;
	v52 =	vmul.f32 v52, v47;
	v53 =	vmul.f32 v53, v48  }
0xd0: {  	v54 =	vmul.f32 v60, v47;
	v55 =	vmul.f32 v61, v48  }
0xd1: {  	v52 =	vadd.f32 v53, v52  }
0xd2: {  	v59 =	vadd.f32 v55, v54  }
0xd3: {  	[tilespmem:v62+s1+$0x0] =	vst.idx.msk $0xffff, v52  }
0xd4: {  	[tilespmem:v63+s1+$0x0] =	vst.idx.msk $0xffff, v59  }
0xd5: {  	v52 =	vld [tilespmem:s19+$0x620]  }
0xd6: {  	v53 =	vld [tilespmem:s19+$0x4620];
	_ =	sdelay $0x3  }
0xd7: {  	v62 =	vor.u32 v23, v51;
	v60 =	vunpack.i.u.bf16.f32 v52  }
0xd8: {  	v52 =	vunpack.i.l.bf16.f32 v52;
	v61 =	vunpack.i.u.bf16.f32 v53;
	v53 =	vunpack.i.l.bf16.f32 v53  }
0xd9: {  	v63 =	vor.u32 v24, v51;
	v52 =	vmul.f32 v52, v47;
	v53 =	vmul.f32 v53, v48  }
0xda: {  	v54 =	vmul.f32 v60, v47;
	v55 =	vmul.f32 v61, v48  }
0xdb: {  	v52 =	vadd.f32 v53, v52  }
0xdc: {  	v59 =	vadd.f32 v55, v54  }
0xdd: {  	[tilespmem:v62+s1+$0x0] =	vst.idx.msk $0xffff, v52  }
0xde: {  	[tilespmem:v63+s1+$0x0] =	vst.idx.msk $0xffff, v59  }
0xdf: {  	v52 =	vld [tilespmem:s19+$0x630]  }
0xe0: {  	v53 =	vld [tilespmem:s19+$0x4630];
	_ =	sdelay $0x3  }
0xe1: {  	v62 =	vor.u32 v25, v51;
	v60 =	vunpack.i.u.bf16.f32 v52  }
0xe2: {  	v52 =	vunpack.i.l.bf16.f32 v52;
	v61 =	vunpack.i.u.bf16.f32 v53;
	v53 =	vunpack.i.l.bf16.f32 v53  }
0xe3: {  	v63 =	vor.u32 v26, v51;
	v52 =	vmul.f32 v52, v47;
	v53 =	vmul.f32 v53, v48  }
0xe4: {  	v54 =	vmul.f32 v60, v47;
	v55 =	vmul.f32 v61, v48  }
0xe5: {  	v52 =	vadd.f32 v53, v52  }
0xe6: {  	v59 =	vadd.f32 v55, v54  }
0xe7: {  	[tilespmem:v62+s1+$0x0] =	vst.idx.msk $0xffff, v52  }
0xe8: {  	[tilespmem:v63+s1+$0x0] =	vst.idx.msk $0xffff, v59  }
0xe9: {  	v52 =	vld [tilespmem:s19+$0x640]  }
0xea: {  	v53 =	vld [tilespmem:s19+$0x4640];
	_ =	sdelay $0x3  }
0xeb: {  	v62 =	vor.u32 v27, v51;
	v60 =	vunpack.i.u.bf16.f32 v52  }
0xec: {  	v52 =	vunpack.i.l.bf16.f32 v52;
	v61 =	vunpack.i.u.bf16.f32 v53;
	v53 =	vunpack.i.l.bf16.f32 v53  }
0xed: {  	v63 =	vor.u32 v28, v51;
	v52 =	vmul.f32 v52, v47;
	v53 =	vmul.f32 v53, v48  }
0xee: {  	v54 =	vmul.f32 v60, v47;
	v55 =	vmul.f32 v61, v48  }
0xef: {  	v52 =	vadd.f32 v53, v52  }
0xf0: {  	v59 =	vadd.f32 v55, v54  }
0xf1: {  	[tilespmem:v62+s1+$0x0] =	vst.idx.msk $0xffff, v52  }
0xf2: {  	[tilespmem:v63+s1+$0x0] =	vst.idx.msk $0xffff, v59  }
0xf3: {  	v52 =	vld [tilespmem:s19+$0x650]  }
0xf4: {  	v53 =	vld [tilespmem:s19+$0x4650];
	_ =	sdelay $0x3  }
0xf5: {  	v62 =	vor.u32 v29, v51;
	v60 =	vunpack.i.u.bf16.f32 v52  }
0xf6: {  	v52 =	vunpack.i.l.bf16.f32 v52;
	v61 =	vunpack.i.u.bf16.f32 v53;
	v53 =	vunpack.i.l.bf16.f32 v53  }
0xf7: {  	v63 =	vor.u32 v30, v51;
	v52 =	vmul.f32 v52, v47;
	v53 =	vmul.f32 v53, v48  }
0xf8: {  	v54 =	vmul.f32 v60, v47;
	v55 =	vmul.f32 v61, v48  }
0xf9: {  	v52 =	vadd.f32 v53, v52  }
0xfa: {  	v59 =	vadd.f32 v55, v54  }
0xfb: {  	[tilespmem:v62+s1+$0x0] =	vst.idx.msk $0xffff, v52  }
0xfc: {  	[tilespmem:v63+s1+$0x0] =	vst.idx.msk $0xffff, v59  }
0xfd: {  	v52 =	vld [tilespmem:s19+$0x660]  }
0xfe: {  	v53 =	vld [tilespmem:s19+$0x4660];
	_ =	sdelay $0x3  }
0xff: {  	v62 =	vor.u32 v31, v51;
	v60 =	vunpack.i.u.bf16.f32 v52  }
0x100: {  	v52 =	vunpack.i.l.bf16.f32 v52;
	v61 =	vunpack.i.u.bf16.f32 v53;
	v53 =	vunpack.i.l.bf16.f32 v53  }
0x101: {  	v63 =	vor.u32 v32, v51;
	v52 =	vmul.f32 v52, v47;
	v53 =	vmul.f32 v53, v48  }
0x102: {  	v54 =	vmul.f32 v60, v47;
	v55 =	vmul.f32 v61, v48  }
0x103: {  	v52 =	vadd.f32 v53, v52  }
0x104: {  	v59 =	vadd.f32 v55, v54  }
0x105: {  	[tilespmem:v62+s1+$0x0] =	vst.idx.msk $0xffff, v52  }
0x106: {  	[tilespmem:v63+s1+$0x0] =	vst.idx.msk $0xffff, v59  }
0x107: {  	v52 =	vld [tilespmem:s19+$0x670]  }
0x108: {  	v53 =	vld [tilespmem:s19+$0x4670];
	_ =	sdelay $0x3  }
0x109: {  	v62 =	vor.u32 v33, v51;
	v60 =	vunpack.i.u.bf16.f32 v52  }
0x10a: {  	v52 =	vunpack.i.l.bf16.f32 v52;
	v61 =	vunpack.i.u.bf16.f32 v53;
	v53 =	vunpack.i.l.bf16.f32 v53  }
0x10b: {  	v63 =	vor.u32 v34, v51;
	v52 =	vmul.f32 v52, v47;
	v53 =	vmul.f32 v53, v48  }
0x10c: {  	v54 =	vmul.f32 v60, v47;
	v55 =	vmul.f32 v61, v48  }
0x10d: {  	v52 =	vadd.f32 v53, v52  }
0x10e: {  	v59 =	vadd.f32 v55, v54  }
0x10f: {  	[tilespmem:v62+s1+$0x0] =	vst.idx.msk $0xffff, v52  }
0x110: {  	[tilespmem:v63+s1+$0x0] =	vst.idx.msk $0xffff, v59  }
0x111: {  	v52 =	vld [tilespmem:s19+$0xA00]  }
0x112: {  	v53 =	vld [tilespmem:s19+$0x4A00];
	_ =	sdelay $0x3  }
0x113: {  	v62 =	vor.u32 v35, v51;
	v60 =	vunpack.i.u.bf16.f32 v52  }
0x114: {  	v52 =	vunpack.i.l.bf16.f32 v52;
	v61 =	vunpack.i.u.bf16.f32 v53;
	v53 =	vunpack.i.l.bf16.f32 v53  }
0x115: {  	v63 =	vor.u32 v36, v51;
	v52 =	vmul.f32 v52, v47;
	v53 =	vmul.f32 v53, v48  }
0x116: {  	v54 =	vmul.f32 v60, v47;
	v55 =	vmul.f32 v61, v48  }
0x117: {  	v52 =	vadd.f32 v53, v52  }
0x118: {  	v59 =	vadd.f32 v55, v54  }
0x119: {  	[tilespmem:v62+s1+$0x0] =	vst.idx.msk $0xffff, v52  }
0x11a: {  	[tilespmem:v63+s1+$0x0] =	vst.idx.msk $0xffff, v59  }
0x11b: {  	v52 =	vld [tilespmem:s19+$0xA10]  }
0x11c: {  	v53 =	vld [tilespmem:s19+$0x4A10];
	_ =	sdelay $0x3  }
0x11d: {  	v62 =	vor.u32 v37, v51;
	v60 =	vunpack.i.u.bf16.f32 v52  }
0x11e: {  	v52 =	vunpack.i.l.bf16.f32 v52;
	v61 =	vunpack.i.u.bf16.f32 v53;
	v53 =	vunpack.i.l.bf16.f32 v53  }
0x11f: {  	v63 =	vor.u32 v38, v51;
	v52 =	vmul.f32 v52, v47;
	v53 =	vmul.f32 v53, v48  }
0x120: {  	v54 =	vmul.f32 v60, v47;
	v55 =	vmul.f32 v61, v48  }
0x121: {  	v52 =	vadd.f32 v53, v52  }
0x122: {  	v59 =	vadd.f32 v55, v54  }
0x123: {  	[tilespmem:v62+s1+$0x0] =	vst.idx.msk $0xffff, v52  }
0x124: {  	[tilespmem:v63+s1+$0x0] =	vst.idx.msk $0xffff, v59  }
0x125: {  	v52 =	vld [tilespmem:s19+$0xA20]  }
0x126: {  	v53 =	vld [tilespmem:s19+$0x4A20];
	_ =	sdelay $0x3  }
0x127: {  	v62 =	vor.u32 v39, v51;
	v60 =	vunpack.i.u.bf16.f32 v52  }
0x128: {  	v52 =	vunpack.i.l.bf16.f32 v52;
	v61 =	vunpack.i.u.bf16.f32 v53;
	v53 =	vunpack.i.l.bf16.f32 v53  }
0x129: {  	v63 =	vor.u32 v40, v51;
	v52 =	vmul.f32 v52, v47;
	v53 =	vmul.f32 v53, v48  }
0x12a: {  	v54 =	vmul.f32 v60, v47;
	v55 =	vmul.f32 v61, v48  }
0x12b: {  	v52 =	vadd.f32 v53, v52  }
0x12c: {  	v59 =	vadd.f32 v55, v54  }
0x12d: {  	[tilespmem:v62+s1+$0x0] =	vst.idx.msk $0xffff, v52  }
0x12e: {  	[tilespmem:v63+s1+$0x0] =	vst.idx.msk $0xffff, v59  }
0x12f: {  	v52 =	vld [tilespmem:s19+$0xA30]  }
0x130: {  	v53 =	vld [tilespmem:s19+$0x4A30];
	_ =	sdelay $0x3  }
0x131: {  	v62 =	vor.u32 v41, v51;
	v60 =	vunpack.i.u.bf16.f32 v52  }
0x132: {  	v52 =	vunpack.i.l.bf16.f32 v52;
	v61 =	vunpack.i.u.bf16.f32 v53;
	v53 =	vunpack.i.l.bf16.f32 v53  }
0x133: {  	v63 =	vor.u32 v42, v51;
	v52 =	vmul.f32 v52, v47;
	v53 =	vmul.f32 v53, v48  }
0x134: {  	v54 =	vmul.f32 v60, v47;
	v55 =	vmul.f32 v61, v48  }
0x135: {  	v52 =	vadd.f32 v53, v52  }
0x136: {  	v59 =	vadd.f32 v55, v54  }
0x137: {  	[tilespmem:v62+s1+$0x0] =	vst.idx.msk $0xffff, v52  }
0x138: {  	[tilespmem:v63+s1+$0x0] =	vst.idx.msk $0xffff, v59  }
0x139: {  	v52 =	vld [tilespmem:s19+$0xA40]  }
0x13a: {  	v53 =	vld [tilespmem:s19+$0x4A40];
	_ =	sdelay $0x3  }
0x13b: {  	v62 =	vor.u32 v43, v51;
	v60 =	vunpack.i.u.bf16.f32 v52  }
0x13c: {  	v52 =	vunpack.i.l.bf16.f32 v52;
	v61 =	vunpack.i.u.bf16.f32 v53;
	v53 =	vunpack.i.l.bf16.f32 v53  }
0x13d: {  	v63 =	vor.u32 v44, v51;
	v52 =	vmul.f32 v52, v47;
	v53 =	vmul.f32 v53, v48  }
0x13e: {  	v54 =	vmul.f32 v60, v47;
	v55 =	vmul.f32 v61, v48  }
0x13f: {  	v52 =	vadd.f32 v53, v52  }
0x140: {  	v59 =	vadd.f32 v55, v54  }
0x141: {  	[tilespmem:v62+s1+$0x0] =	vst.idx.msk $0xffff, v52  }
0x142: {  	[tilespmem:v63+s1+$0x0] =	vst.idx.msk $0xffff, v59  }
0x143: {  	v52 =	vld [tilespmem:s19+$0xA50]  }
0x144: {  	v53 =	vld [tilespmem:s19+$0x4A50];
	_ =	sdelay $0x3  }
0x145: {  	v62 =	vor.u32 v45, v51;
	v60 =	vunpack.i.u.bf16.f32 v52  }
0x146: {  	v52 =	vunpack.i.l.bf16.f32 v52;
	v61 =	vunpack.i.u.bf16.f32 v53;
	v53 =	vunpack.i.l.bf16.f32 v53  }
0x147: {  	v63 =	vor.u32 v46, v51;
	v52 =	vmul.f32 v52, v47;
	v53 =	vmul.f32 v53, v48  }
0x148: {  	v54 =	vmul.f32 v60, v47;
	v55 =	vmul.f32 v61, v48  }
0x149: {  	v52 =	vadd.f32 v53, v52  }
0x14a: {  	v59 =	vadd.f32 v55, v54  }
0x14b: {  	[tilespmem:v62+s1+$0x0] =	vst.idx.msk $0xffff, v52  }
0x14c: {  	[tilespmem:v63+s1+$0x0] =	vst.idx.msk $0xffff, v59  }
0x14d: {  	v52 =	vld [tilespmem:s19+$0xA60]  }
0x14e: {  	v53 =	vld [tilespmem:s19+$0x4A60];
	_ =	sdelay $0x2  }
0x14f: {  	v62 =	vor.u32 $0x1440, v0  }
0x150: {  	v56 =	vor.u32 v62, v51;
	v63 =	vor.u32 $0x1441, v0;
	v60 =	vunpack.i.u.bf16.f32 v52  }
0x151: {  	v52 =	vunpack.i.l.bf16.f32 v52;
	v61 =	vunpack.i.u.bf16.f32 v53;
	v53 =	vunpack.i.l.bf16.f32 v53  }
0x152: {  	v57 =	vor.u32 v63, v51;
	v52 =	vmul.f32 v52, v47;
	v53 =	vmul.f32 v53, v48  }
0x153: {  	v54 =	vmul.f32 v60, v47;
	v55 =	vmul.f32 v61, v48  }
0x154: {  	v52 =	vadd.f32 v53, v52  }
0x155: {  	v59 =	vadd.f32 v55, v54  }
0x156: {  	[tilespmem:v56+s1+$0x0] =	vst.idx.msk $0xffff, v52  }
0x157: {  	[tilespmem:v57+s1+$0x0] =	vst.idx.msk $0xffff, v59  }
0x158: {  	v52 =	vld [tilespmem:s19+$0xA70]  }
0x159: {  	v53 =	vld [tilespmem:s19+$0x4A70];
	_ =	sdelay $0x2  }
0x15a: {  	v62 =	vor.u32 $0x1460, v0  }
0x15b: {  	v63 =	vor.u32 $0x1461, v0;
	v56 =	vor.u32 v62, v51;
	v60 =	vunpack.i.u.bf16.f32 v52  }
0x15c: {  	v52 =	vunpack.i.l.bf16.f32 v52;
	v61 =	vunpack.i.u.bf16.f32 v53;
	v53 =	vunpack.i.l.bf16.f32 v53  }
0x15d: {  	v57 =	vor.u32 v63, v51;
	v52 =	vmul.f32 v52, v47;
	v53 =	vmul.f32 v53, v48  }
0x15e: {  	v54 =	vmul.f32 v60, v47;
	v55 =	vmul.f32 v61, v48  }
0x15f: {  	v52 =	vadd.f32 v53, v52  }
0x160: {  	v59 =	vadd.f32 v55, v54  }
0x161: {  	[tilespmem:v56+s1+$0x0] =	vst.idx.msk $0xffff, v52  }
0x162: {  	[tilespmem:v57+s1+$0x0] =	vst.idx.msk $0xffff, v59  }
0x163: {  	v52 =	vld [tilespmem:s19+$0xE00]  }
0x164: {  	v53 =	vld [tilespmem:s19+$0x4E00];
	_ =	sdelay $0x2  }
0x165: {  	v62 =	vor.u32 $0x1800, v0  }
0x166: {  	v63 =	vor.u32 $0x1801, v0;
	v56 =	vor.u32 v62, v51;
	v60 =	vunpack.i.u.bf16.f32 v52  }
0x167: {  	v52 =	vunpack.i.l.bf16.f32 v52;
	v61 =	vunpack.i.u.bf16.f32 v53;
	v53 =	vunpack.i.l.bf16.f32 v53  }
0x168: {  	v57 =	vor.u32 v63, v51;
	v52 =	vmul.f32 v52, v47;
	v53 =	vmul.f32 v53, v48  }
0x169: {  	v54 =	vmul.f32 v60, v47;
	v55 =	vmul.f32 v61, v48  }
0x16a: {  	v52 =	vadd.f32 v53, v52  }
0x16b: {  	v59 =	vadd.f32 v55, v54  }
0x16c: {  	[tilespmem:v56+s1+$0x0] =	vst.idx.msk $0xffff, v52  }
0x16d: {  	[tilespmem:v57+s1+$0x0] =	vst.idx.msk $0xffff, v59  }
0x16e: {  	v52 =	vld [tilespmem:s19+$0xE10]  }
0x16f: {  	v53 =	vld [tilespmem:s19+$0x4E10];
	_ =	sdelay $0x2  }
0x170: {  	v62 =	vor.u32 $0x1820, v0  }
0x171: {  	v63 =	vor.u32 $0x1821, v0;
	v56 =	vor.u32 v62, v51;
	v60 =	vunpack.i.u.bf16.f32 v52  }
0x172: {  	v52 =	vunpack.i.l.bf16.f32 v52;
	v61 =	vunpack.i.u.bf16.f32 v53;
	v53 =	vunpack.i.l.bf16.f32 v53  }
0x173: {  	v57 =	vor.u32 v63, v51;
	v52 =	vmul.f32 v52, v47;
	v53 =	vmul.f32 v53, v48  }
0x174: {  	v54 =	vmul.f32 v60, v47;
	v55 =	vmul.f32 v61, v48  }
0x175: {  	v52 =	vadd.f32 v53, v52  }
0x176: {  	v59 =	vadd.f32 v55, v54  }
0x177: {  	[tilespmem:v56+s1+$0x0] =	vst.idx.msk $0xffff, v52  }
0x178: {  	[tilespmem:v57+s1+$0x0] =	vst.idx.msk $0xffff, v59  }
0x179: {  	v52 =	vld [tilespmem:s19+$0xE20]  }
0x17a: {  	v53 =	vld [tilespmem:s19+$0x4E20];
	_ =	sdelay $0x2  }
0x17b: {  	v62 =	vor.u32 $0x1840, v0  }
0x17c: {  	v63 =	vor.u32 $0x1841, v0;
	v56 =	vor.u32 v62, v51;
	v60 =	vunpack.i.u.bf16.f32 v52  }
0x17d: {  	v52 =	vunpack.i.l.bf16.f32 v52;
	v61 =	vunpack.i.u.bf16.f32 v53;
	v53 =	vunpack.i.l.bf16.f32 v53  }
0x17e: {  	v57 =	vor.u32 v63, v51;
	v52 =	vmul.f32 v52, v47;
	v53 =	vmul.f32 v53, v48  }
0x17f: {  	v54 =	vmul.f32 v60, v47;
	v55 =	vmul.f32 v61, v48  }
0x180: {  	v52 =	vadd.f32 v53, v52  }
0x181: {  	v59 =	vadd.f32 v55, v54  }
0x182: {  	[tilespmem:v56+s1+$0x0] =	vst.idx.msk $0xffff, v52  }
0x183: {  	[tilespmem:v57+s1+$0x0] =	vst.idx.msk $0xffff, v59  }
0x184: {  	v52 =	vld [tilespmem:s19+$0xE30]  }
0x185: {  	v53 =	vld [tilespmem:s19+$0x4E30];
	_ =	sdelay $0x2  }
0x186: {  	v62 =	vor.u32 $0x1861, v0;
	v61 =	vor.u32 $0x1860, v0  }
0x187: {  	v55 =	vor.u32 v61, v51;
	v51 =	vor.u32 v62, v51  }
0x188: {  	v60 =	vunpack.i.u.bf16.f32 v52;
	v52 =	vunpack.i.l.bf16.f32 v52;
	v63 =	vunpack.i.l.bf16.f32 v53  }
0x189: {  	v53 =	vunpack.i.u.bf16.f32 v53;
	v52 =	vmul.f32 v52, v47;
	v56 =	vmul.f32 v63, v48  }
0x18a: {  	v54 =	vmul.f32 v60, v47;
	v53 =	vmul.f32 v53, v48  }
0x18b: {  	v52 =	vadd.f32 v56, v52  }
0x18c: {  	v53 =	vadd.f32 v53, v54  }
0x18d: {  	[tilespmem:v55+s1+$0x0] =	vst.idx.msk $0xffff, v52  }
0x18e: {  	[tilespmem:v51+s1+$0x0] =	vst.idx.msk $0xffff, v53  }
0x18f: {  	v51 =	vld [tilespmem:s19+$0xE40]  }
0x190: {  	v52 =	vld [tilespmem:s19+$0x4E40];
	_ =	sdelay $0x2  }
0x191: {  	v49 =	vor.u32 v50, v49;
	v62 =	vor.u32 $0x1C00, v0  }
0x192: {  	v50 =	vor.u32 v62, v49;
	v63 =	vor.u32 $0x1C01, v0;
	v60 =	vunpack.i.u.bf16.f32 v51  }
0x193: {  	v51 =	vunpack.i.l.bf16.f32 v51;
	v61 =	vunpack.i.u.bf16.f32 v52;
	v52 =	vunpack.i.l.bf16.f32 v52  }
0x194: {  	v55 =	vor.u32 v63, v49;
	v51 =	vmul.f32 v51, v47;
	v52 =	vmul.f32 v52, v48  }
0x195: {  	v53 =	vmul.f32 v60, v47;
	v54 =	vmul.f32 v61, v48  }
0x196: {  	v51 =	vadd.f32 v52, v51  }
0x197: {  	v56 =	vadd.f32 v54, v53  }
0x198: {  	[tilespmem:v50+s1+$0x0] =	vst.idx.msk $0xffff, v51  }
0x199: {  	[tilespmem:v55+s1+$0x0] =	vst.idx.msk $0xffff, v56  }
0x19a: {  	v50 =	vld [tilespmem:s19+$0xE50]  }
0x19b: {  	v51 =	vld [tilespmem:s19+$0x4E50];
	_ =	sdelay $0x2  }
0x19c: {  	v59 =	vor.u32 $0x1C20, v0  }
0x19d: {  	v60 =	vor.u32 $0x1C21, v0;
	v54 =	vor.u32 v59, v49;
	v57 =	vunpack.i.u.bf16.f32 v50  }
0x19e: {  	v50 =	vunpack.i.l.bf16.f32 v50;
	v58 =	vunpack.i.u.bf16.f32 v51;
	v51 =	vunpack.i.l.bf16.f32 v51  }
0x19f: {  	v55 =	vor.u32 v60, v49;
	v50 =	vmul.f32 v50, v47;
	v51 =	vmul.f32 v51, v48  }
0x1a0: {  	v52 =	vmul.f32 v57, v47;
	v53 =	vmul.f32 v58, v48  }
0x1a1: {  	v50 =	vadd.f32 v51, v50  }
0x1a2: {  	v61 =	vadd.f32 v53, v52  }
0x1a3: {  	[tilespmem:v54+s1+$0x0] =	vst.idx.msk $0xffff, v50  }
0x1a4: {  	[tilespmem:v55+s1+$0x0] =	vst.idx.msk $0xffff, v61  }
0x1a5: {  	v50 =	vld [tilespmem:s19+$0xE60]  }
0x1a6: {  	v51 =	vld [tilespmem:s19+$0x4E60];
	_ =	sdelay $0x2  }
0x1a7: {  	v57 =	vor.u32 $0x1C40, v0  }
0x1a8: {  	v58 =	vor.u32 $0x1C41, v0;
	v54 =	vor.u32 v57, v49;
	v62 =	vunpack.i.u.bf16.f32 v50  }
0x1a9: {  	v50 =	vunpack.i.l.bf16.f32 v50;
	v63 =	vunpack.i.u.bf16.f32 v51;
	v51 =	vunpack.i.l.bf16.f32 v51  }
0x1aa: {  	v55 =	vor.u32 v58, v49;
	v50 =	vmul.f32 v50, v47;
	v51 =	vmul.f32 v51, v48  }
0x1ab: {  	v52 =	vmul.f32 v62, v47;
	v53 =	vmul.f32 v63, v48  }
0x1ac: {  	v50 =	vadd.f32 v51, v50  }
0x1ad: {  	v59 =	vadd.f32 v53, v52  }
0x1ae: {  	[tilespmem:v54+s1+$0x0] =	vst.idx.msk $0xffff, v50  }
0x1af: {  	[tilespmem:v55+s1+$0x0] =	vst.idx.msk $0xffff, v59  }
0x1b0: {  	v50 =	vld [tilespmem:s19+$0xE70]  }
0x1b1: {  	v51 =	vld [tilespmem:s19+$0x4E70];
	_ =	sdelay $0x2  }
0x1b2: {  	v62 =	vor.u32 $0x1C60, v0  }
0x1b3: {  	v63 =	vor.u32 $0x1C61, v0;
	v54 =	vor.u32 v62, v49;
	v60 =	vunpack.i.u.bf16.f32 v50  }
0x1b4: {  	v50 =	vunpack.i.l.bf16.f32 v50;
	v61 =	vunpack.i.u.bf16.f32 v51;
	v51 =	vunpack.i.l.bf16.f32 v51  }
0x1b5: {  	p0 =	sne.s32 s18, $0x1F;
	v49 =	vor.u32 v63, v49;
	v50 =	vmul.f32 v50, v47;
	v51 =	vmul.f32 v51, v48  }
.Ltmp0:
0x1b6: {  	v47 =	vmul.f32 v60, v47;
	v48 =	vmul.f32 v61, v48;
	(pc) =	sbr.rel @p0 .LBB2_3-.Ltmp0, $4  }
0x1b7: {  	v50 =	vadd.f32 v51, v50  }
0x1b8: {  	v47 =	vadd.f32 v48, v47  }
0x1b9: {  	[tilespmem:v54+s1+$0x0] =	vst.idx.msk $0xffff, v50  }
0x1ba: {  	s17 =	sadd.s32 $0x80, s17;
	s16 =	sadd.s32 $0x200, s16;
	s18 =	sadd.s32 $0x1, s18;
	[tilespmem:v49+s1+$0x0] =	vst.idx.msk $0xffff, v47  }
0x1bb: {  	s2 =	sadd.s32 $0x1, s2  }
0x1bc: {  	s13 =	sshll.u32 s13, $0x7;
	s16 =	rddreg [dreg:$0x1];
	p0 =	sne.s32 s2, $0x8  }
.Ltmp1:
0x1bd: {  	s20 =	simm.s32 $0x0;
	s13 =	sadd.s32 s16, s13;
	(pc) =	sbr.rel @p0 .LBB2_2-.Ltmp1, $4  }
0x1be: {  	[hbm4b:s13+s20] =	stream.linear.scatter [tilespmem:s1], [sflag:$0x3], $0x8000, $0x38;
	[tilespmem:$0x10200] =	vst v63  }
0x1bf: {  	_ =	swait.ge [sflag:s12], $0x8000  }
0x1c0: {  	[sflag:s12] =	ssyncset.done $0x0  }
0x1c1: {  	[sflag:s12] =	ssyncadd.s32 $0xFFFF8000  }
0x1c2: {  	s13 =	rddreg [dreg:$0x4]  }
0x1c3: {  	s2 =	rddreg [dreg:$0x3];
	s13 =	sadd.s32 $0x1, s13  }
0x1c4: {  	p0 =	sne.s32 s13, s2  }
.Ltmp2:
0x1c5: {  	_ = 	snop;
	(pc) =	sbr.rel @p0 .LBB2_1-.Ltmp2, $1  }
0x1c6: {  	_ =	sdelay $0x3  }
0x1c7: {  	_ =	sfence.sel $0x180000  }
0x1c8: {  	[bflag:$0x0] =	sbarrier.arrive $0xFFFF  }
0x1c9: {  	_ =	strace $0x90000050  }
0x1ca: {  	s0 =	stileid.u32;
	[bflag:$0x2] =	sbarrier.arrive $0xFFFF  }
0x1cb: {  	p0 =	sne.s32 s0, $0x0;
	s0 =	rddreg [dreg:$0x2]  }
0x1cc: {  	s0 =	sadd.s32 @!p0 $0x100000, s0  }
0x1cd: {  	[sflag:s0] =	ssyncadd.tile.s32 @!p0 $0x1;
	_ =	shalt  }
.Lfunc_end2:
_tile_overlayer_lowered:
.L_overlay_start_2:
0x1ce: {  	(tag) =	ssettag $0x2  }
0x1cf: {  	s0 =	rddreg [dreg:$0x0];
	s2 =	stileid.u32  }
0x1d0: {  	s1 =	rddreg [dreg:$0x1];
	p0 =	sne.s32 s2, $0x0  }
0x1d1: {  	s3 =	rddreg [dreg:$0x2];
	[bflag:$0x3] =	sbarrier.arrive $0xFFFF;
	s2 =	simm.s32 @!p0 $0x1C03  }
0x1d2: {  	[timem:s3], [sflag:s2] =	dma.local @!p0 [hbm:s0], s1  }
0x1d3: {  	s0 =	simm.s32 @!p0 $0x3  }
0x1d4: {  	_ =	swait.ge @!p0 [sflag:s0], s1  }
0x1d5: {  	s1 =	ssub.s32 @!p0 $0x0, s1;
	[sflag:s0] =	ssyncset.done @!p0 $0x0  }
0x1d6: {  	[sflag:s0] =	ssyncadd.s32 @!p0 s1  }
0x1d7: {  	[bflag:$0x3] =	sbarrier.arrive $0xFFFF  }
0x1d8: {  	_ =	shalt  }

// kernel: sparse-core-data-format-call.1.cloned.1.call-start
scs
called_computation.1_lowered:
.L_overlay_start_0:
0x0: {  	s1 =	sld [smem:$0x3FD9]  }
0x1: {  	s2 =	sld [smem:$0x3FFE];
	_ =	sdelay $0x1  }
0x2: {  	s3 =	srdreg.scid  }
0x3: {  	s0 =	sand.u32 $0x1, s3  }
0x4: {  	s17 =	sshll.u32 s0, $0xA;
	s1 =	sadd.s32 s2, s1  }
0x5: {  	s1 =	sadd.s32 s1, s17  }
0x6: {  	[smem:$0x3FC2] =	sst s1  }
0x7: {  	_ = 	snop  }
0x8: {  	(tm) =	ssettm $0x1  }
0x9: {  	s18 =	sld [smem:$0x3FFB];
	_ =	sdelay $0x3  }
0xa: {  	_ =	strace s18  }
0xb: {  	s1 =	sld [smem:$0x3FFC];
	_ =	sdelay $0x3  }
0xc: {  	_ =	strace s1  }
0xd: {  	s1 =	sld [smem:$0x3FFD];
	_ =	sdelay $0x3  }
0xe: {  	_ =	strace s1  }
0xf: {  	_ =	strace $0x8FFFFFFF  }
0x10: {  	s19 =	sld [smem:$0x3FDB];
	_ =	sdelay $0x1  }
0x11: {  	s20 =	simm.s32 $_scs_section_size  }
0x12: {  	s4 =	simm.s32 $_size__tile_overlayer_lowered;
	s5 =	simm.s32 $_tile_overlayer_lowered  }
0x13: {  	s23 =	simm.s32 $0x1BFF;
	s22 =	sshll.u32 s5, $0x1;
	s1 =	sadd.s32 s20, s19  }
0x14: {  	s6 =	simm.s32 $0x0;
	s21 =	sshll.u32 s4, $0x1;
	s4 =	sadd.s32 s22, s1  }
0x15: {  	[timem:s6], [sflag:s23] =	dma.local [hbm:s4], s21  }
0x16: {  	_ =	swait.ge [sflag:s23], s21  }
0x17: {  	s2 =	ssub.s32 $0x0, s21;
	[sflag:s23] =	ssyncset.done $0x0  }
0x18: {  	[sflag:s23] =	ssyncadd.s32 s2;
	_ =	sdelay $0x1  }
0x19: {  	s24 =	simm.s32 $0x1B8B  }
0x1a: {  	_ =	swait.ge [sflag:s24], $0x1  }
0x1b: {  	[sflag:s24] =	ssyncset.done $0x0  }
0x1c: {  	s26 =	simm.s32 $0x1B8E;
	s25 =	sld [smem:$0x3FFE];
	[sflag:s24] =	ssyncadd.s32 $0xFFFFFFFF  }
0x1d: {  	s27 =	simm.s32 $execute0_lowered;
	[smem:$0x3FD2] =	sst s26  }
0x1e: {  	s4 =	sshll.u32 s27, $0x1;
	_ =	strace $0x80000049;
	[dreg:$0x1] =	wrdreg $0xFFFFFFFF  }
0x1f: {  	s28 =	simm.s32 $_size_execute0_lowered;
	s1 =	sadd.s32 s1, s4;
	[dreg:$0x0] =	wrdreg $0x0  }
0x20: {  	s4 =	sshll.u32 s28, $0x1;
	[dreg:$0x2] =	wrdreg s1  }
0x21: {  	[dreg:$0x3] =	wrdreg s4  }
0x22: {  	[dreg:$0x4] =	wrdreg $0xC0  }
0x23: {  	_ =	task [dreg:s6], $0x5FFFF  }
0x24: {  	[dreg:$0x1] =	wrdreg $0xFFFFFFFF  }
0x25: {  	[dreg:$0x0] =	wrdreg $0x60  }
0x26: {  	[dreg:$0x2] =	wrdreg s25  }
0x27: {  	[dreg:$0x3] =	wrdreg $0x9  }
0x28: {  	_ =	task.clear_ibuf [dreg:s6], $0x4FFFF;
	_ =	strace $0x90000049  }
0x29: {  	s29 =	simm.s32 $0x9;
	_ =	strace $0x8000004B  }
0x2a: {  	_ =	swait.ge [sflag:s29], $0x1  }
0x2b: {  	[sflag:s29] =	ssyncadd.s32 $0xFFFFFFFF  }
0x2c: {  	_ =	strace $0x9000004B  }
0x2d: {  	_ =	sfence  }
0x2e: {  	s30 =	sld [smem:$0x0];
	_ =	sdelay $0x2  }
0x2f: {  	s31 =	sshll.u32 s3, $0xD;
	s3 =	sshrl.u32 s3, $0x2  }
0x30: {  	s2 =	sand.u32 $0x4000, s31;
	s1 =	sadd.s32 s3, s30  }
0x31: {  	s0 =	sor.u32 s2, s0;
	s1 =	sshll.u32 s1, $0x11  }
0x32: {  	s0 =	sor.u32 s1, s0  }
0x33: {  	s0 =	sadd.s32 $0x8F2B, s0  }
0x34: {  	[sflag:s0] =	ssyncadd.remote.s32 $0x1  }
0x35: {  	_ =	sfence.sel $0xFFFF  }
0x36: {  	[dreg:$0x0] =	wrdreg $0xFFFFFFFF;
	(pc) =	sbr.abs _section_cstart, $3  }
0x37: {  	[dreg:$0x1] =	wrdreg $0xFFFFFFFF  }
0x38: {  	_ =	task.clear_ibuf [dreg:s6], $0x2FFFF;
	_ =	strace $0x9FFFFFFF  }
0x39: {  	(tm) =	ssettm $0x7FFFFFFF  }
tec
execute0_lowered:
.L_overlay_start_1:
0x0: {  	(tag) =	ssettag $0x1  }
0x1: {  	s1 =	rddreg [dreg:$0x0]  }
0x2: {  	s0 =	rddreg [dreg:$0x1];
	_ =	strace $0x8000004A  }
0x3: {  	s4 =	srdreg.scid;
	s6 =	simm.s32 $0x2;
	s11 =	simm.s32 $0x0  }
0x4: {  	p0 =	por $0x0, $0x0;
	s12 =	simm.s32 $0x0;
	s13 =	simm.s32 $0x0  }
.Ltmp0:
0x5: {  	s8 =	simm.s32 $0x0;
	s9 =	simm.s32 $0x0;
	(pc) =	sbr.rel .LBB1_1-.Ltmp0, $4  }
0x6: {  	s2 =	sadd.s32 $0x144800, s1;
	s3 =	sadd.s32 $0x3C4800, s1;
	s4 =	sshll.u32 s4, $0x4  }
0x7: {  	s1 =	stileid.u32;
	s5 =	sand.u32 $0x10, s4;
	s4 =	simm.s32 $0x1  }
0x8: {  	s7 =	simm.s32 $0x0;
	s5 =	sor.u32 s1, s5;
	[sflag:s4] =	ssyncpa.u1 $0x0  }
0x9: {  	[sflag:s6] =	ssyncpa.u1 $0x0;
	s6 =	simm.s32 $0x6000;
	s10 =	smov.u32 s5  }
.LBB1_5:
0xa: {  	s14 =	sadd.s32 $0x80, s8  }
0xb: {  	s11 =	sadd.s32 $0x80, s9;
	s15 =	smov.u32 s9;
	p2 =	sgt.s32 s14, $0x3FF  }
0xc: {  	s15 =	smov.u32 @p2 s11  }
0xd: {  	s17 =	smov.u32 s10;
	s11 =	sadd.s32 $0x20, s10;
	p3 =	sgt.s32 s15, $0x13F  }
0xe: {  	p1 =	slt.u32 s7, $0x2;
	s17 =	smov.u32 @p3 s11  }
0xf: {  	s7 =	sadd.s32 $0x1, s7;
	s14 =	simm.s32 @p2 $0x0;
	p2 =	sgt.s32 s17, $0x3F  }
0x10: {  	s17 =	smov.u32 @p2 s5;
	p2 =	sne.s32 s7, $0x32  }
.Ltmp1:
0x11: {  	s16 =	simm.s32 @!p1 $0x2;
	(pc) =	sbr.rel @!p2 .LBB1_6-.Ltmp1, $4  }
0x12: {  	s12 =	smov.u32 s9;
	_ =	swait.ge @!p1 [sflag:s16], $0x4000  }
0x13: {  	s13 =	smov.u32 s10;
	p0 =	por !p0, !p0;
	[sflag:s16] =	ssyncset.done @!p1 $0x0  }
0x14: {  	s15 =	simm.s32 @p3 $0x0;
	s11 =	smov.u32 s8;
	[sflag:s16] =	ssyncadd.s32 @!p1 $0xFFFFC000  }
0x15: {  	s8 =	smov.u32 s14;
	s9 =	smov.u32 s15;
	s10 =	smov.u32 s17  }
.LBB1_1:
0x16: {  	p1 =	sgt.u32 s7, $0x2F;
	s16 =	smov.u32 s10;
	s19 =	smov.u32 s8  }
0x17: {  	s14 =	sshll.u32 @!p1 s9, $0xA;
	p2 =	sgt.s32 @!p1 s10, $0x3F;
	s15 =	sshll.u32 @!p1 s8, $0x3  }
0x18: {  	s17 =	sshra.s32 @!p1 s10, $0x1F;
	s14 =	sand.u32 @!p1 $0xFFFFE000, s14;
	p2 =	por !p2, p1  }
0x19: {  	s16 =	simm.s32 @p2 $0x3F;
	p2 =	sgt.s32 @!p1 s9, $0xC0;
	s14 =	sadd.s32 @!p1 s14, s15  }
0x1a: {  	s15 =	sand.u32 @!p1 s17, s10;
	s17 =	smov.u32 s9;
	p2 =	por !p2, p1  }
0x1b: {  	s15 =	ssub.s32 @!p1 s16, s15;
	s17 =	simm.s32 @p2 $0xC0;
	p2 =	sgt.s32 @!p1 s8, $0x380  }
0x1c: {  	s18 =	sshra.s32 @!p1 s9, $0x1F;
	s16 =	sadd.s32 @!p1 $0xFFFFFFC1, s15;
	p2 =	por !p2, p1  }
0x1d: {  	s19 =	simm.s32 @p2 $0x380;
	p2 =	sgt.s32 @!p1 s16, $0x0;
	s16 =	sand.u32 @!p1 s18, s9  }
0x1e: {  	s15 =	ssub.s32 @!p1 $0x40, s15;
	s16 =	ssub.s32 @!p1 s17, s16;
	s17 =	sshra.s32 @!p1 s8, $0x1F  }
0x1f: {  	p2 =	por !p2, p1;
	s18 =	sadd.s32 @!p1 $0xFFFFFF40, s16;
	s17 =	sand.u32 @!p1 s17, s8  }
0x20: {  	s15 =	simm.s32 @!p2 $0x0;
	p2 =	sgt.s32 @!p1 s18, $0x7F;
	s17 =	ssub.s32 @!p1 s19, s17  }
0x21: {  	s16 =	ssub.s32 @!p1 $0x140, s16;
	p2 =	por !p2, p1;
	s18 =	sadd.s32 @!p1 $0xFFFFFC80, s17  }
0x22: {  	s14 =	sshrl.u32 @!p1 s14, $0xA;
	s16 =	simm.s32 @!p2 $0x0;
	p2 =	sgt.s32 @!p1 s18, $0x7F  }
0x23: {  	s15 =	smul.u32 @!p1 s15, s16;
	s16 =	ssub.s32 @!p1 $0x400, s17;
	p2 =	por !p2, p1  }
0x24: {  	s19 =	sshll.u32 @!p1 s9, $0x7;
	s17 =	smulhi.u32 @!p1 $0xCCCCCD, s14;
	s16 =	simm.s32 @!p2 $0x0  }
0x25: {  	s19 =	sand.u32 @!p1 $0x380, s19;
	s15 =	smul.u32 @!p1 s16, s15  }
0x26: {  	s18 =	sxor.u32 @!p1 $0xFFFFFFFF, s7;
	s16 =	sand.u32 @!p1 $0x78, s8;
	s17 =	smul.u32 @!p1 $0x140, s17  }
0x27: {  	s18 =	sshll.u32 @!p1 s18, $0xE;
	s16 =	sor.u32 @!p1 s16, s19;
	s19 =	smul.u32 @!p1 $0xA000, s10  }
0x28: {  	s18 =	sand.u32 @!p1 $0x4000, s18;
	s14 =	ssub.s32 @!p1 s14, s17;
	s15 =	sand.u32 @!p1 $0x3FFFFFFF, s15  }
0x29: {  	s16 =	sshrl.u32 @!p1 s16, $0x3;
	s17 =	sadd.s32 @!p1 s2, s19;
	s19 =	sand.u32 @!p1 $0x7, s8  }
0x2a: {  	s14 =	sshll.u32 @!p1 s14, $0x7;
	s16 =	sadd.s32 @!p1 s16, s17;
	s17 =	sshll.u32 @!p1 s19, $0x12  }
0x2b: {  	s14 =	sadd.s32 @!p1 s14, s16;
	s16 =	sor.u32 @!p1 $0x400, s17;
	s17 =	simm.s32 @!p1 $0x2000  }
0x2c: {  	[tilespmem:s18], [sflag:$0x1] =	stream.strided.gather @!p1 [hbm4b:s14+s16], s15, s17, s16, $0x38;
	[tilespmem:$0x10100] =	vst v63  }
0x2d: {  	p1 =	seq.s32 s7, $0x0  }
0x2e: {  	p2 =	seq.s32 @!p1 s7, $0x31  }
0x2f: {  	p1 =	por p1, p2  }
.Ltmp2:
0x30: {  	_ = 	snop;
	(pc) =	sbr.rel @p1 .LBB1_5-.Ltmp2, $1  }
0x31: {  	_ =	sdelay $0x3  }
0x32: {  	p1 =	sgt.s32 s13, $0x3F;
	s14 =	smov.u32 s13;
	s15 =	sshra.s32 s13, $0x1F  }
0x33: {  	s14 =	simm.s32 @!p1 $0x3F;
	s15 =	sand.u32 s15, s13  }
0x34: {  	s14 =	ssub.s32 s14, s15  }
0x35: {  	p2 =	sgt.s32 s12, $0xC0;
	s16 =	sshra.s32 s12, $0x1F;
	s15 =	sadd.s32 $0xFFFFFFC1, s14  }
0x36: {  	s17 =	sshra.s32 s11, $0x1F;
	p1 =	sgt.s32 s15, $0x0;
	s15 =	smov.u32 s12  }
0x37: {  	s16 =	sand.u32 s16, s12;
	s17 =	sand.u32 s17, s11;
	s15 =	simm.s32 @!p2 $0xC0  }
0x38: {  	p2 =	sgt.s32 s11, $0x380;
	s15 =	ssub.s32 s15, s16;
	s16 =	smov.u32 s11  }
0x39: {  	s14 =	ssub.s32 $0x40, s14;
	s18 =	sadd.s32 $0xFFFFFF40, s15;
	s16 =	simm.s32 @!p2 $0x380  }
0x3a: {  	s15 =	ssub.s32 $0x140, s15;
	p2 =	sgt.s32 s18, $0x7F;
	s16 =	ssub.s32 s16, s17  }
0x3b: {  	s14 =	simm.s32 @p1 $0x0;
	s15 =	simm.s32 @p2 $0x0;
	s17 =	sadd.s32 $0xFFFFFC80, s16  }
0x3c: {  	s14 =	smul.u32 s14, s15;
	p1 =	sgt.s32 s17, $0x7F;
	s15 =	ssub.s32 $0x400, s16  }
0x3d: {  	s15 =	simm.s32 @p1 $0x0  }
0x3e: {  	s14 =	smul.u32 s15, s14;
	_ =	sdelay $0x1  }
0x3f: {  	s15 =	simm.s32 $0x1;
	s14 =	sand.u32 $0x3FFFFFFF, s14  }
0x40: {  	s15 =	simm.s32 @!p0 $0x0;
	_ =	swait.ge [sflag:s4], s14  }
0x41: {  	s28 =	sshll.u32 s15, $0xE;
	s14 =	ssub.s32 $0x0, s14;
	[sflag:s4] =	ssyncset.done $0x0  }
0x42: {  	s29 =	sor.u32 $0x40, s28;
	[sflag:s4] =	ssyncadd.s32 s14  }
0x43: {  	s30 =	smul.u32 $0x10200, s15;
	v0 =	vld [tilespmem:s29+$0x30]  }
0x44: {  	v1 =	vld [tilespmem:s29+$0xFFFFFFD0]  }
0x45: {  	s14 =	sshrl.u32 s30, $0x2;
	v5 =	vld [tilespmem:s29+$0xFFFFFFE0]  }
0x46: {  	s15 =	sor.u32 $0x8000, s14;
	v6 =	vld [tilespmem:s29+$0xFFFFFFF0]  }
0x47: {  	s31 =	sand.u32 $0x1, s7;
	v4 =	vld [tilespmem:s29+$0x0];
	s16 =	sadd.s32 $0x0, s15  }
0x48: {  	s14 =	smul.u32 $0x10200, s31;
	v3 =	vld [tilespmem:s29+$0x10];
	[tilespmem:s16+$0x3870 ss:$0x81] =	vst.msk $0xffff, v0  }
0x49: {  	v2 =	vld [tilespmem:s29+$0x20];
	[tilespmem:s16+$0x810 ss:$0x81] =	vst.msk $0xffff, v1  }
0x4a: {  	s17 =	sadd.s32 $0x80, s29;
	s14 =	sshrl.u32 s14, $0x2;
	v0 =	vld [tilespmem:s29+$0xFFFFFFC0];
	[tilespmem:s16+$0x1020 ss:$0x81] =	vst.msk $0xffff, v5  }
0x4b: {  	s19 =	simm.s32 $0x8;
	s18 =	simm.s32 $0x4;
	s14 =	sor.u32 $0x8000, s14;
	v1 =	vld [tilespmem:s17+$0x30];
	[tilespmem:s16+$0x1830 ss:$0x81] =	vst.msk $0xffff, v6  }
.LBB1_3:
0x4c: {  	p1 =	sne.s32 s19, $0x1FC;
	v5 =	vld [tilespmem:s17+$0xFFFFFFD0];
	[tilespmem:s16+$0x2040 ss:$0x81] =	vst.msk $0xffff, v4  }
0x4d: {  	v6 =	vld [tilespmem:s17+$0xFFFFFFE0];
	[tilespmem:s16+$0x2850 ss:$0x81] =	vst.msk $0xffff, v3  }
0x4e: {  	s20 =	sshra.s32 s18, $0x2;
	s18 =	smov.u32 s19;
	v7 =	vld [tilespmem:s17+$0xFFFFFFF0];
	[tilespmem:s16+$0x3060 ss:$0x81] =	vst.msk $0xffff, v2  }
.Ltmp3:
0x4f: {  	v4 =	vld [tilespmem:s17+$0x0];
	[tilespmem:s16+$0x0 ss:$0x81] =	vst.msk $0xffff, v0;
	s16 =	sadd.s32 s20, s15;
	(pc) =	sbr.rel @p1 .LBB1_3-.Ltmp3, $4  }
0x50: {  	v3 =	vld [tilespmem:s17+$0x10];
	[tilespmem:s16+$0x3870 ss:$0x81] =	vst.msk $0xffff, v1  }
0x51: {  	[tilespmem:s16+$0x810 ss:$0x81] =	vst.msk $0xffff, v5;
	v2 =	vld [tilespmem:s17+$0x20]  }
0x52: {  	v0 =	vld [tilespmem:s17+$0xFFFFFFC0];
	[tilespmem:s16+$0x1020 ss:$0x81] =	vst.msk $0xffff, v6;
	s17 =	sadd.s32 $0x80, s17  }
0x53: {  	s19 =	sadd.s32 $0x4, s19;
	v1 =	vld [tilespmem:s17+$0x30];
	[tilespmem:s16+$0x1830 ss:$0x81] =	vst.msk $0xffff, v7  }
0x54: {  	s19 =	sshrl.u32 s13, $0x3  }
0x55: {  	s20 =	sshll.u32 s12, $0x3;
	s19 =	smul.u32 $0xC00, s19  }
0x56: {  	s27 =	sshll.u32 s13, $0x7;
	s20 =	sand.u32 $0xFFFFFC00, s20  }
0x57: {  	v5 =	vld [tilespmem:s17+$0xFFFFFFD0];
	[tilespmem:s16+$0x2040 ss:$0x81] =	vst.msk $0xffff, v4;
	s13 =	sand.u32 $0x380, s27;
	s19 =	sadd.s32 s19, s20  }
0x58: {  	v58 =	vld [tilespmem:s17+$0xFFFFFFE0];
	s28 =	sand.u32 $0x7F, s12;
	[tilespmem:s16+$0x2850 ss:$0x81] =	vst.msk $0xffff, v3;
	s13 =	sor.u32 s13, s19  }
0x59: {  	s18 =	sshra.s32 s18, $0x2;
	v59 =	vld [tilespmem:s17+$0xFFFFFFF0];
	[tilespmem:s16+$0x3060 ss:$0x81] =	vst.msk $0xffff, v2;
	s12 =	sor.u32 s28, s13;
	s13 =	smulhi.u32 $0xAAAAAAAB, s13  }
0x5a: {  	v60 =	vld [tilespmem:s17+$0x0];
	s15 =	sadd.s32 s18, s15;
	[tilespmem:s16+$0x0 ss:$0x81] =	vst.msk $0xffff, v0;
	s29 =	smulhi.u32 $0xAAAAAAAB, s12  }
0x5b: {  	v61 =	vld [tilespmem:s17+$0x10];
	[tilespmem:s15+$0x3870 ss:$0x81] =	vst.msk $0xffff, v1  }
0x5c: {  	v62 =	vld [tilespmem:s17+$0x20];
	s11 =	smul.u32 $0xC00, s11;
	[tilespmem:s15+$0x810 ss:$0x81] =	vst.msk $0xffff, v5;
	s13 =	sshrl.u32 s13, $0x8;
	s16 =	sshrl.u32 s29, $0x8  }
0x5d: {  	v63 =	vld [tilespmem:s17+$0xFFFFFFC0];
	[tilespmem:s15+$0x1020 ss:$0x81] =	vst.msk $0xffff, v58;
	s13 =	sand.u32 $0x3F, s13;
	s16 =	smul.u32 $0x180, s16  }
0x5e: {  	[tilespmem:s15+$0x1830 ss:$0x81] =	vst.msk $0xffff, v59;
	s13 =	smul.u32 $0x30, s13  }
.Ltmp4:
0x5f: {  	[tilespmem:s15+$0x2040 ss:$0x81] =	vst.msk $0xffff, v60;
	s12 =	ssub.s32 s12, s16;
	(pc) =	sbr.rel .LBB1_5-.Ltmp4, $4  }
0x60: {  	s11 =	sadd.s32 s3, s11;
	[tilespmem:s15+$0x2850 ss:$0x81] =	vst.msk $0xffff, v61;
	s16 =	sand.u32 $0x7, s12  }
0x61: {  	[tilespmem:s15+$0x3060 ss:$0x81] =	vst.msk $0xffff, v62;
	s11 =	sadd.s32 s13, s11;
	s12 =	sshrl.u32 s12, $0x3;
	s30 =	sshll.u32 s16, $0x12  }
0x62: {  	[tilespmem:s15+$0x0 ss:$0x81] =	vst.msk $0xffff, v63;
	s11 =	sadd.s32 s12, s11;
	s31 =	sor.u32 $0x80, s30  }
0x63: {  	[hbm4b:s11+s31] =	stream.strided.scatter [tilespmem:s14], [sflag:$0x2], $0x4000, s6, s31, $0x20;
	[tilespmem:$0x10100] =	vst v63  }
.LBB1_6:
0x64: {  	_ =	sfence.sel $0x180000  }
0x65: {  	s2 =	simm.s32 $0x1;
	[bflag:$0x0] =	sbarrier.arrive $0xFFFF  }
0x66: {  	s31 =	simm.s32 $0x2;
	[sflag:s2] =	ssyncpa.u1 $0x1  }
0x67: {  	[sflag:s31] =	ssyncpa.u1 $0x1  }
0x68: {  	p0 =	sne.s32 s1, $0x0;
	_ =	strace $0x9000004A  }
0x69: {  	s0 =	sadd.s32 @!p0 $0x100000, s0;
	[bflag:$0x2] =	sbarrier.arrive $0xFFFF  }
0x6a: {  	[sflag:s0] =	ssyncadd.tile.s32 @!p0 $0x1;
	_ =	shalt  }
.Lfunc_end1:
_tile_overlayer_lowered:
.L_overlay_start_2:
0x6b: {  	(tag) =	ssettag $0x2  }
0x6c: {  	s0 =	rddreg [dreg:$0x0];
	s2 =	stileid.u32  }
0x6d: {  	s1 =	rddreg [dreg:$0x1];
	p0 =	sne.s32 s2, $0x0  }
0x6e: {  	s3 =	rddreg [dreg:$0x2];
	[bflag:$0x3] =	sbarrier.arrive $0xFFFF;
	s2 =	simm.s32 @!p0 $0x1C01  }
0x6f: {  	[timem:s3], [sflag:s2] =	dma.local @!p0 [hbm:s0], s1  }
0x70: {  	s0 =	simm.s32 @!p0 $0x1  }
0x71: {  	_ =	swait.ge @!p0 [sflag:s0], s1  }
0x72: {  	s1 =	ssub.s32 @!p0 $0x0, s1;
	[sflag:s0] =	ssyncset.done @!p0 $0x0  }
0x73: {  	[sflag:s0] =	ssyncadd.s32 @!p0 s1  }
0x74: {  	[bflag:$0x3] =	sbarrier.arrive $0xFFFF  }
0x75: {  	_ =	shalt  }

// kernel: sparse-core-data-format-call.cloned.1.call-start
scs
called_computation_lowered:
.L_overlay_start_0:
0x0: {  	s1 =	sld [smem:$0x3FD9]  }
0x1: {  	s2 =	sld [smem:$0x3FFE];
	_ =	sdelay $0x1  }
0x2: {  	s3 =	srdreg.scid  }
0x3: {  	s0 =	sand.u32 $0x1, s3  }
0x4: {  	s17 =	sshll.u32 s0, $0xA;
	s1 =	sadd.s32 s2, s1  }
0x5: {  	s1 =	sadd.s32 s1, s17  }
0x6: {  	[smem:$0x3FC2] =	sst s1  }
0x7: {  	_ = 	snop  }
0x8: {  	(tm) =	ssettm $0x1  }
0x9: {  	s18 =	sld [smem:$0x3FFB];
	_ =	sdelay $0x3  }
0xa: {  	_ =	strace s18  }
0xb: {  	s1 =	sld [smem:$0x3FFC];
	_ =	sdelay $0x3  }
0xc: {  	_ =	strace s1  }
0xd: {  	s1 =	sld [smem:$0x3FFD];
	_ =	sdelay $0x3  }
0xe: {  	_ =	strace s1  }
0xf: {  	_ =	strace $0x8FFFFFFF  }
0x10: {  	s19 =	sld [smem:$0x3FDB];
	_ =	sdelay $0x1  }
0x11: {  	s20 =	simm.s32 $_scs_section_size  }
0x12: {  	s4 =	simm.s32 $_size__tile_overlayer_lowered;
	s5 =	simm.s32 $_tile_overlayer_lowered  }
0x13: {  	s23 =	simm.s32 $0x1BFF;
	s22 =	sshll.u32 s5, $0x1;
	s1 =	sadd.s32 s20, s19  }
0x14: {  	s6 =	simm.s32 $0x0;
	s21 =	sshll.u32 s4, $0x1;
	s4 =	sadd.s32 s22, s1  }
0x15: {  	[timem:s6], [sflag:s23] =	dma.local [hbm:s4], s21  }
0x16: {  	_ =	swait.ge [sflag:s23], s21  }
0x17: {  	s2 =	ssub.s32 $0x0, s21;
	[sflag:s23] =	ssyncset.done $0x0  }
0x18: {  	[sflag:s23] =	ssyncadd.s32 s2;
	_ =	sdelay $0x1  }
0x19: {  	s24 =	simm.s32 $0x1B8B  }
0x1a: {  	_ =	swait.ge [sflag:s24], $0x1  }
0x1b: {  	[sflag:s24] =	ssyncset.done $0x0  }
0x1c: {  	s26 =	simm.s32 $0x1B8E;
	s25 =	sld [smem:$0x3FFE];
	[sflag:s24] =	ssyncadd.s32 $0xFFFFFFFF  }
0x1d: {  	s27 =	simm.s32 $execute0_lowered;
	[smem:$0x3FD2] =	sst s26  }
0x1e: {  	s4 =	sshll.u32 s27, $0x1;
	_ =	strace $0x8000004C;
	[dreg:$0x1] =	wrdreg $0xFFFFFFFF  }
0x1f: {  	s28 =	simm.s32 $_size_execute0_lowered;
	s1 =	sadd.s32 s1, s4;
	[dreg:$0x0] =	wrdreg $0x0  }
0x20: {  	s4 =	sshll.u32 s28, $0x1;
	[dreg:$0x2] =	wrdreg s1  }
0x21: {  	[dreg:$0x3] =	wrdreg s4  }
0x22: {  	[dreg:$0x4] =	wrdreg $0xC0  }
0x23: {  	_ =	task [dreg:s6], $0x5FFFF  }
0x24: {  	[dreg:$0x1] =	wrdreg $0xFFFFFFFF  }
0x25: {  	[dreg:$0x0] =	wrdreg $0x60  }
0x26: {  	[dreg:$0x2] =	wrdreg s25  }
0x27: {  	[dreg:$0x3] =	wrdreg $0x9  }
0x28: {  	_ =	task.clear_ibuf [dreg:s6], $0x4FFFF;
	_ =	strace $0x9000004C  }
0x29: {  	s29 =	simm.s32 $0x9;
	_ =	strace $0x8000004E  }
0x2a: {  	_ =	swait.ge [sflag:s29], $0x1  }
0x2b: {  	[sflag:s29] =	ssyncadd.s32 $0xFFFFFFFF  }
0x2c: {  	_ =	strace $0x9000004E  }
0x2d: {  	_ =	sfence  }
0x2e: {  	s30 =	sld [smem:$0x0];
	_ =	sdelay $0x2  }
0x2f: {  	s31 =	sshll.u32 s3, $0xD;
	s3 =	sshrl.u32 s3, $0x2  }
0x30: {  	s2 =	sand.u32 $0x4000, s31;
	s1 =	sadd.s32 s3, s30  }
0x31: {  	s0 =	sor.u32 s2, s0;
	s1 =	sshll.u32 s1, $0x11  }
0x32: {  	s0 =	sor.u32 s1, s0  }
0x33: {  	s0 =	sadd.s32 $0x8F2B, s0  }
0x34: {  	[sflag:s0] =	ssyncadd.remote.s32 $0x1  }
0x35: {  	_ =	sfence.sel $0xFFFF  }
0x36: {  	[dreg:$0x0] =	wrdreg $0xFFFFFFFF;
	(pc) =	sbr.abs _section_cstart, $3  }
0x37: {  	[dreg:$0x1] =	wrdreg $0xFFFFFFFF  }
0x38: {  	_ =	task.clear_ibuf [dreg:s6], $0x2FFFF;
	_ =	strace $0x9FFFFFFF  }
0x39: {  	(tm) =	ssettm $0x7FFFFFFF  }
tec
execute0_lowered:
.L_overlay_start_1:
0x0: {  	(tag) =	ssettag $0x1  }
0x1: {  	s0 =	stileid.u32;
	s1 =	srdreg.scid  }
0x2: {  	s7 =	rddreg [dreg:$0x0];
	s31 =	simm.s32 $0x2;
	s14 =	simm.s32 $0x0  }
0x3: {  	s13 =	simm.s32 $0x0;
	s12 =	simm.s32 $0x0;
	s2 =	sshll.u32 s0, $0x7  }
0x4: {  	s3 =	sshll.u32 s0, $0x5;
	s1 =	sshll.u32 s1, $0x9;
	s2 =	sand.u32 $0x180, s2  }
0x5: {  	s3 =	sor.u32 s3, s1;
	s1 =	rddreg [dreg:$0x1];
	_ =	strace $0x8000004D  }
0x6: {  	s3 =	sand.u32 $0x380, s3;
	s4 =	ssub.s32 $0x200, s2;
	s11 =	smov.u32 s2  }
0x7: {  	s5 =	sand.u32 $0x180, s4;
	s6 =	ssub.s32 $0x5000, s3;
	s9 =	sshrl.u32 s4, $0x9  }
0x8: {  	p0 =	sne.s32 s5, $0x0;
	s5 =	simm.s32 $0x1;
	s8 =	sand.u32 $0x380, s6  }
0x9: {  	s5 =	simm.s32 @!p0 $0x0;
	p0 =	sne.s32 s8, $0x0;
	s8 =	simm.s32 $0x1  }
.Ltmp0:
0xa: {  	s6 =	sshrl.u32 s6, $0xA;
	s8 =	simm.s32 @!p0 $0x0;
	(pc) =	sbr.rel .LBB1_1-.Ltmp0, $4  }
0xb: {  	s4 =	simm.s32 $0x1;
	s5 =	sadd.s32 s5, s9;
	s6 =	sadd.s32 s8, s6  }
0xc: {  	s10 =	smov.u32 s3;
	[sflag:s4] =	ssyncpa.u1 $0x0;
	s5 =	smul.u32 s5, s6  }
0xd: {  	[sflag:s31] =	ssyncpa.u1 $0x0;
	p0 =	por $0x0, $0x0;
	s9 =	simm.s32 $0x1000  }
0xe: {  	s6 =	sadd.s32 $0x284800, s7;
	s7 =	sadd.s32 $0x4800, s7;
	s8 =	sadd.s32 $0x1, s5  }
.LBB1_4:
0xf: {  	s20 =	sshll.u32 s14, $0x9;
	s21 =	sshll.u32 s13, $0x3  }
0x10: {  	v5 =	vld [tilespmem:s18+$0xFFFFFFD0];
	[tilespmem:s17+$0x2040 ss:$0x81] =	vst.msk $0xffff, v4;
	s25 =	sshll.u32 s14, $0x7;
	s20 =	sand.u32 $0xFFFFF000, s20;
	s21 =	sand.u32 $0xFFFFFC00, s21  }
0x11: {  	v58 =	vld [tilespmem:s18+$0xFFFFFFE0];
	[tilespmem:s17+$0x2850 ss:$0x81] =	vst.msk $0xffff, v3;
	s26 =	sand.u32 $0x200, s25;
	s20 =	sadd.s32 s21, s20  }
0x12: {  	s19 =	sshra.s32 s19, $0x2;
	v59 =	vld [tilespmem:s18+$0xFFFFFFF0];
	[tilespmem:s17+$0x3060 ss:$0x81] =	vst.msk $0xffff, v2;
	s20 =	sor.u32 s26, s20  }
0x13: {  	v60 =	vld [tilespmem:s18+$0x0];
	[tilespmem:s17+$0x0 ss:$0x81] =	vst.msk $0xffff, v0;
	s16 =	sadd.s32 s19, s16;
	s27 =	sshrl.u32 s20, $0x9  }
0x14: {  	v61 =	vld [tilespmem:s18+$0x10];
	[tilespmem:s16+$0x3870 ss:$0x81] =	vst.msk $0xffff, v1;
	s28 =	smulhi.u32 $0x666667, s27  }
0x15: {  	v62 =	vld [tilespmem:s18+$0x20];
	[tilespmem:s16+$0x810 ss:$0x81] =	vst.msk $0xffff, v5  }
0x16: {  	v63 =	vld [tilespmem:s18+$0xFFFFFFC0];
	[tilespmem:s16+$0x1020 ss:$0x81] =	vst.msk $0xffff, v58;
	s29 =	sshrl.u32 s28, $0x5  }
0x17: {  	s30 =	sand.u32 $0x78, s13;
	s14 =	sand.u32 $0x180, s25;
	[tilespmem:s16+$0x1830 ss:$0x81] =	vst.msk $0xffff, v59;
	s18 =	smul.u32 $0x5000, s29  }
0x18: {  	s14 =	sor.u32 s30, s14;
	[tilespmem:s16+$0x2040 ss:$0x81] =	vst.msk $0xffff, v60  }
0x19: {  	s31 =	sand.u32 $0x7, s13;
	s14 =	sshrl.u32 s14, $0x3;
	[tilespmem:s16+$0x2850 ss:$0x81] =	vst.msk $0xffff, v61;
	s17 =	ssub.s32 s27, s18  }
0x1a: {  	s13 =	sshll.u32 s31, $0x12;
	s14 =	sadd.s32 s7, s14;
	[tilespmem:s16+$0x3060 ss:$0x81] =	vst.msk $0xffff, v62;
	s17 =	sshll.u32 s17, $0x6  }
0x1b: {  	s13 =	sor.u32 $0x400, s13;
	[tilespmem:s16+$0x0 ss:$0x81] =	vst.msk $0xffff, v63;
	s14 =	sadd.s32 s17, s14  }
0x1c: {  	[hbm4b:s14+s13] =	stream.strided.scatter [tilespmem:s15], [sflag:$0x2], $0x4000, s9, s13, $0x20;
	[tilespmem:$0x10100] =	vst v63  }
.LBB1_5:
0x1d: {  	s15 =	sadd.s32 $0x400, s10  }
0x1e: {  	s13 =	sadd.s32 $0x200, s11;
	s17 =	smov.u32 s11;
	p2 =	sgt.s32 s15, $0x4FFF  }
0x1f: {  	s17 =	smov.u32 @p2 s13  }
0x20: {  	s15 =	smov.u32 @p2 s3;
	p2 =	sgt.s32 s17, $0x1FF  }
0x21: {  	s17 =	smov.u32 @p2 s2;
	p2 =	sne.s32 s12, s8  }
.Ltmp1:
0x22: {  	p1 =	slt.u32 s12, $0x2;
	(pc) =	sbr.rel @!p2 .LBB1_6-.Ltmp1, $4  }
0x23: {  	s16 =	simm.s32 @!p1 $0x2  }
0x24: {  	s14 =	smov.u32 s10;
	p0 =	por !p0, !p0;
	_ =	swait.ge @!p1 [sflag:s16], $0x4000  }
0x25: {  	s13 =	smov.u32 s11;
	[sflag:s16] =	ssyncset.done @!p1 $0x0;
	s10 =	smov.u32 s15  }
0x26: {  	s12 =	sadd.s32 $0x1, s12;
	[sflag:s16] =	ssyncadd.s32 @!p1 $0xFFFFC000;
	s11 =	smov.u32 s17  }
.LBB1_1:
0x27: {  	p1 =	sge.u32 s12, s5  }
0x28: {  	s15 =	sshrl.u32 @!p1 s11, $0x3  }
0x29: {  	s16 =	sshll.u32 @!p1 s10, $0x3;
	s17 =	sshll.u32 @!p1 s11, $0x7;
	s15 =	smul.u32 @!p1 $0x28000, s15  }
0x2a: {  	s18 =	sand.u32 @!p1 $0x7F, s10;
	s16 =	sand.u32 @!p1 $0xFFFFFC00, s16;
	s17 =	sand.u32 @!p1 $0x380, s17  }
0x2b: {  	s15 =	sadd.s32 @!p1 s15, s16;
	s16 =	sor.u32 @!p1 s18, s17  }
0x2c: {  	s16 =	sor.u32 @!p1 s15, s16  }
0x2d: {  	s17 =	smulhi.u32 @!p1 $0xCCCCCCCD, s16;
	_ =	sdelay $0x1  }
0x2e: {  	s15 =	smulhi.u32 @!p1 $0xCCCCCCCD, s15;
	s17 =	sshrl.u32 @!p1 s17, $0xE  }
0x2f: {  	s17 =	smul.u32 @!p1 $0x5000, s17  }
0x30: {  	s31 =	sadd.s32 $0xFFFFFFFF, s12;
	s18 =	sxor.u32 @!p1 $0xFFFFFFFF, s12;
	s15 =	sshrl.u32 @!p1 s15, $0xE  }
0x31: {  	s18 =	sshll.u32 @!p1 s18, $0xE;
	s15 =	sand.u32 @!p1 $0x1FF, s15;
	s16 =	ssub.s32 @!p1 s16, s17  }
0x32: {  	s15 =	smul.u32 @!p1 $0xA00, s15;
	s17 =	sshrl.u32 @!p1 s16, $0x3;
	s16 =	sand.u32 @!p1 $0x7, s16  }
0x33: {  	s18 =	sand.u32 @!p1 $0x4000, s18;
	s17 =	sadd.s32 @!p1 s6, s17;
	s16 =	sshll.u32 @!p1 s16, $0x12  }
0x34: {  	s15 =	sadd.s32 @!p1 s15, s17;
	s16 =	sor.u32 @!p1 $0x400, s16;
	s17 =	simm.s32 @!p1 $0x28000  }
0x35: {  	[tilespmem:s18], [sflag:$0x1] =	stream.strided.gather @!p1 [hbm4b:s15+s16], $0x4000, s17, s16, $0x38;
	[tilespmem:$0x10100] =	vst v63  }
0x36: {  	p1 =	sge.u32 s31, s5  }
.Ltmp2:
0x37: {  	_ = 	snop;
	(pc) =	sbr.rel @p1 .LBB1_5-.Ltmp2, $1  }
0x38: {  	_ =	sdelay $0x3  }
0x39: {  	s15 =	simm.s32 $0x1  }
0x3a: {  	_ =	swait.ge [sflag:s4], $0x4000;
	s15 =	simm.s32 @!p0 $0x0  }
0x3b: {  	[sflag:s4] =	ssyncset.done $0x0;
	s16 =	sshll.u32 s15, $0xE  }
0x3c: {  	[sflag:s4] =	ssyncadd.s32 $0xFFFFC000;
	s18 =	sor.u32 $0x40, s16  }
0x3d: {  	s15 =	smul.u32 $0x10200, s15;
	v0 =	vld [tilespmem:s18+$0x30]  }
0x3e: {  	v1 =	vld [tilespmem:s18+$0xFFFFFFD0]  }
0x3f: {  	s15 =	sshrl.u32 s15, $0x2;
	v5 =	vld [tilespmem:s18+$0xFFFFFFE0]  }
0x40: {  	v6 =	vld [tilespmem:s18+$0xFFFFFFF0];
	s16 =	sor.u32 $0x8000, s15  }
0x41: {  	s31 =	sand.u32 $0x1, s12;
	v4 =	vld [tilespmem:s18+$0x0];
	s17 =	sadd.s32 $0x0, s16  }
0x42: {  	v3 =	vld [tilespmem:s18+$0x10];
	s15 =	smul.u32 $0x10200, s31;
	[tilespmem:s17+$0x3870 ss:$0x81] =	vst.msk $0xffff, v0  }
0x43: {  	v2 =	vld [tilespmem:s18+$0x20];
	[tilespmem:s17+$0x810 ss:$0x81] =	vst.msk $0xffff, v1  }
0x44: {  	s15 =	sshrl.u32 s15, $0x2;
	v0 =	vld [tilespmem:s18+$0xFFFFFFC0];
	[tilespmem:s17+$0x1020 ss:$0x81] =	vst.msk $0xffff, v5;
	s18 =	sadd.s32 $0x80, s18  }
0x45: {  	s19 =	simm.s32 $0x4;
	s20 =	simm.s32 $0x8;
	s15 =	sor.u32 $0x8000, s15;
	[tilespmem:s17+$0x1830 ss:$0x81] =	vst.msk $0xffff, v6;
	v1 =	vld [tilespmem:s18+$0x30]  }
.LBB1_3:
0x46: {  	p1 =	sne.s32 s20, $0x1FC;
	v5 =	vld [tilespmem:s18+$0xFFFFFFD0];
	[tilespmem:s17+$0x2040 ss:$0x81] =	vst.msk $0xffff, v4  }
0x47: {  	v6 =	vld [tilespmem:s18+$0xFFFFFFE0];
	[tilespmem:s17+$0x2850 ss:$0x81] =	vst.msk $0xffff, v3  }
0x48: {  	s21 =	sshra.s32 s19, $0x2;
	s19 =	smov.u32 s20;
	v7 =	vld [tilespmem:s18+$0xFFFFFFF0];
	[tilespmem:s17+$0x3060 ss:$0x81] =	vst.msk $0xffff, v2  }
.Ltmp3:
0x49: {  	v4 =	vld [tilespmem:s18+$0x0];
	[tilespmem:s17+$0x0 ss:$0x81] =	vst.msk $0xffff, v0;
	s17 =	sadd.s32 s21, s16;
	(pc) =	sbr.rel @p1 .LBB1_3-.Ltmp3, $4  }
0x4a: {  	v3 =	vld [tilespmem:s18+$0x10];
	[tilespmem:s17+$0x3870 ss:$0x81] =	vst.msk $0xffff, v1  }
0x4b: {  	[tilespmem:s17+$0x810 ss:$0x81] =	vst.msk $0xffff, v5;
	v2 =	vld [tilespmem:s18+$0x20]  }
0x4c: {  	v0 =	vld [tilespmem:s18+$0xFFFFFFC0];
	[tilespmem:s17+$0x1020 ss:$0x81] =	vst.msk $0xffff, v6;
	s18 =	sadd.s32 $0x80, s18  }
0x4d: {  	s20 =	sadd.s32 $0x4, s20;
	v1 =	vld [tilespmem:s18+$0x30];
	[tilespmem:s17+$0x1830 ss:$0x81] =	vst.msk $0xffff, v7  }
.Ltmp4:
0x4e: {  	_ = 	snop;
	(pc) =	sbr.rel .LBB1_4-.Ltmp4, $1  }
0x4f: {  	_ =	sdelay $0x3  }
.LBB1_6:
0x50: {  	_ =	sfence.sel $0x180000  }
0x51: {  	s2 =	simm.s32 $0x1;
	[bflag:$0x0] =	sbarrier.arrive $0xFFFF  }
0x52: {  	s31 =	simm.s32 $0x2;
	[sflag:s2] =	ssyncpa.u1 $0x1  }
0x53: {  	[sflag:s31] =	ssyncpa.u1 $0x1  }
0x54: {  	p0 =	sne.s32 s0, $0x0;
	_ =	strace $0x9000004D  }
0x55: {  	s0 =	sadd.s32 @!p0 $0x100000, s1;
	[bflag:$0x2] =	sbarrier.arrive $0xFFFF  }
0x56: {  	[sflag:s0] =	ssyncadd.tile.s32 @!p0 $0x1;
	_ =	shalt  }
.Lfunc_end1:
_tile_overlayer_lowered:
.L_overlay_start_2:
0x57: {  	(tag) =	ssettag $0x2  }
0x58: {  	s0 =	rddreg [dreg:$0x0];
	s2 =	stileid.u32  }
0x59: {  	s1 =	rddreg [dreg:$0x1];
	p0 =	sne.s32 s2, $0x0  }
0x5a: {  	s3 =	rddreg [dreg:$0x2];
	[bflag:$0x3] =	sbarrier.arrive $0xFFFF;
	s2 =	simm.s32 @!p0 $0x1C01  }
0x5b: {  	[timem:s3], [sflag:s2] =	dma.local @!p0 [hbm:s0], s1  }
0x5c: {  	s0 =	simm.s32 @!p0 $0x1  }
0x5d: {  	_ =	swait.ge @!p0 [sflag:s0], s1  }
0x5e: {  	s1 =	ssub.s32 @!p0 $0x0, s1;
	[sflag:s0] =	ssyncset.done @!p0 $0x0  }
0x5f: {  	[sflag:s0] =	ssyncadd.s32 @!p0 s1  }
0x60: {  	[bflag:$0x3] =	sbarrier.arrive $0xFFFF  }
0x61: {  	_ =	shalt  }

</sc_bundles>
